<compile_context>
chip_gen: v7x
topology: tpu7x:2x2x1
jax: 0.10.2.dev20260603
libtpu: 0.0.44.dev20260713+nightly
codegen_flags: <defaults>
</compile_context>

<pallas_src>
import functools

import jax
import jax.numpy as jnp
from jax import lax
from jax.experimental import pallas as pl
from jax.experimental.pallas import tpu as pltpu
from jax.experimental.pallas import tpu_sc as plsc

NUM_NODES = 100000
D = 16
NC = 2
NS = 16
L = 16
KB = 25
K = KB * 128
NBUF = 4


def _add_body(p_ref, o_ref):
    o_ref[...] = p_ref[0] + p_ref[1]


@functools.lru_cache(maxsize=None)
def _sc_scatter(E):
    nblk = E // 128
    blk_sc = nblk // NC
    iters = blk_sc // KB
    steps = iters // NBUF
    e_sc = E // NC
    groups = K // L

    @functools.partial(
        pl.kernel,
        out_type=jax.ShapeDtypeStruct((NC, NS, NUM_NODES), jnp.float32),
        mesh=plsc.VectorSubcoreMesh(core_axis_name="c", subcore_axis_name="s"),
        compiler_params=pltpu.CompilerParams(
            use_tc_tiling_on_sc=False, needs_layout_passes=False),
        scratch_types=[
            pltpu.VMEM((NUM_NODES,), jnp.float32),
            pltpu.VMEM((NBUF, KB, 128), jnp.int32),
            pltpu.VMEM((NBUF, KB, 128), jnp.float32),
            pltpu.SemaphoreType.DMA((NBUF,)),
        ],
    )
    def k(idx1_hbm, attr1_hbm, idx2_hbm, attr2_hbm, out_hbm,
          acc, idx_v, vals_v, sems):
        cid = lax.axis_index("c")
        sid = lax.axis_index("s")
        fi = sid // 8
        f8 = sid % 8

        zeros16 = jnp.zeros((L,), jnp.float32)

        def issue(idx_hbm, attr_hbm, it, b):
            pltpu.async_copy(
                idx_hbm.at[pl.ds(cid * blk_sc + it * KB, KB), 0],
                idx_v.at[b], sems.at[b])
            pltpu.async_copy(
                attr_hbm.at[fi, pl.ds(cid * blk_sc + it * KB, KB), f8],
                vals_v.at[b], sems.at[b])

        def drain(idx_hbm, attr_hbm, b):
            pltpu.make_async_copy(
                idx_hbm.at[pl.ds(0, KB), 0], idx_v.at[b], sems.at[b]).wait()
            pltpu.make_async_copy(
                attr_hbm.at[0, pl.ds(0, KB), 0], vals_v.at[b],
                sems.at[b]).wait()

        def run(idx_hbm, attr_hbm, prologue=None):
            for b in range(NBUF):
                issue(idx_hbm, attr_hbm, b, b)
            if prologue is not None:
                prologue()

            def body(step, carry):
                for b in range(NBUF):
                    drain(idx_hbm, attr_hbm, b)

                    @plsc.parallel_loop(0, groups, 1, unroll=8)
                    def _(g):
                        gi = idx_v[b, g >> 3, pl.ds((g & 7) * L, L)]
                        gv = vals_v[b, g >> 3, pl.ds((g & 7) * L, L)]
                        plsc.addupdate_scatter(acc, [gi], gv)

                    @pl.when(step < steps - 1)
                    def _():
                        issue(idx_hbm, attr_hbm, (step + 1) * NBUF + b, b)
                return carry
            lax.fori_loop(0, steps, body, 0)

        def zero_acc():
            def zbody(t, carry):
                acc[pl.ds(t * L, L)] = zeros16
                return carry
            lax.fori_loop(0, NUM_NODES // L, zbody, 0)

        run(idx1_hbm, attr1_hbm, prologue=zero_acc)
        run(idx2_hbm, attr2_hbm)

        pltpu.sync_copy(acc, out_hbm.at[cid, sid])

    return k


@functools.lru_cache(maxsize=None)
def _tc_add():
    blk = 6400
    return pl.pallas_call(
        _add_body,
        grid=(pl.cdiv(NUM_NODES, blk),),
        in_specs=[pl.BlockSpec((2, D, blk), lambda i: (0, 0, i))],
        out_specs=pl.BlockSpec((D, blk), lambda i: (0, i)),
        out_shape=jax.ShapeDtypeStruct((D, NUM_NODES), jnp.float32),
    )


def kernel(edge_attr, edge_attr2, edge_index, edge_index2, num_nodes):
    E = edge_attr.shape[0]
    nblk = E // 128

    def as_storage_view(attr):
        return attr.T.reshape(2, 8, nblk, 128).transpose(0, 2, 1, 3)

    def as_index_view(ei):
        return ei.astype(jnp.int32).T.reshape(nblk, 128, 2).transpose(0, 2, 1)

    idx1 = as_index_view(edge_index)
    idx2 = as_index_view(edge_index2)
    attr1 = as_storage_view(edge_attr)
    attr2 = as_storage_view(edge_attr2)

    partial = _sc_scatter(E)(idx1, attr1, idx2, attr2)
    out_t = _tc_add()(partial)
    return out_t.T

# --- scband reference (transcript-rebuilt; emitter-appended) ---
"""Pipeline reference for scband-node-level-pooling-3058016715250 (READ-ONLY COPY).

The authoritative reference and input builder live on the scoring server;
editing this copy changes nothing except your own understanding.
"""

import jax, jax.numpy as jnp
import numpy as np

N_NODES = 100000
N_EDGES = 3200000
D = 16

def setup_inputs(seed: int = 0) -> dict:
    key = jax.random.key(seed)
    k1, k2, k3, k4 = jax.random.split(key, 4)
    edge_attr = jax.random.normal(k1, (N_EDGES, D), dtype=jnp.float32)
    edge_attr2 = jax.random.normal(k2, (N_EDGES, D), dtype=jnp.float32)
    edge_index = jax.random.randint(k3, (2, N_EDGES), 0, N_NODES, dtype=jnp.int64 if jax.config.jax_enable_x64 else jnp.int32).astype(jnp.int32)
    edge_index2 = jax.random.randint(k4, (2, N_EDGES), 0, N_NODES, dtype=jnp.int64 if jax.config.jax_enable_x64 else jnp.int32).astype(jnp.int32)
    return {"edge_attr": edge_attr, "edge_attr2": edge_attr2, "edge_index": edge_index, "edge_index2": edge_index2, "num_nodes": N_NODES}

def reference(edge_attr, edge_attr2, edge_index, edge_index2, num_nodes):
    # W(u) = sum_{d(u,w)<=2} W(u,w): scatter-sum 1-hop edge feats + 2-hop edge feats onto source node u
    zero = (jnp.asarray(num_nodes) * 0).astype(edge_attr.dtype)
    pooled1 = jax.ops.segment_sum(edge_attr, edge_index[0], num_segments=N_NODES)
    pooled2 = jax.ops.segment_sum(edge_attr2, edge_index2[0], num_segments=N_NODES)
    return pooled1 + pooled2 + zero

if __name__ == "__main__":
    import jax
    _d = setup_inputs()
    print(jax.jit(kernel)(*tuple(_d.values())))

</pallas_src>

<mosaic_0001>
#map = affine_map<(d0, d1) -> (0, 0, 0)>
#map1 = affine_map<(d0, d1) -> (0, 0, 0, 0)>
module attributes {stable_mosaic.version = 14 : i64} {
  func.func @k(%arg0: i32, %arg1: i32, %arg2: memref<25000x2x128xi32, #tpu.memory_space<hbm>>, %arg3: memref<2x25000x8x128xf32, #tpu.memory_space<hbm>>, %arg4: memref<25000x2x128xi32, #tpu.memory_space<hbm>>, %arg5: memref<2x25000x8x128xf32, #tpu.memory_space<hbm>>, %arg6: memref<2x16x100000xf32, #tpu.memory_space<hbm>>, %arg7: memref<100000xf32, #tpu.memory_space<vmem>>, %arg8: memref<4x25x128xi32, #tpu.memory_space<vmem>>, %arg9: memref<4x25x128xf32, #tpu.memory_space<vmem>>, %arg10: memref<4x!tpu.dma_semaphore, #tpu.memory_space<semaphore_mem>>) attributes {dimension_semantics = [#tpu.dimension_semantics<core_parallel>, #tpu.dimension_semantics<subcore_parallel>], iteration_bounds = array<i64: 2, 16>, scalar_prefetch = 0 : i64, scratch_operands = 4 : i64, tpu.core_type = #tpu.core_type<sc_vector_subcore>, window_params = [{transform_indices = #map}, {transform_indices = #map1}, {transform_indices = #map}, {transform_indices = #map1}, {transform_indices = #map}]} {
    %jit3A = arith.constant 8 : i32
    %div3A = arith.divsi %arg1, %jit3A : i32
    %sign3A = arith.constant 0 : i32
    %sign3A_0 = arith.cmpi sgt, %arg1, %sign3A : i32
    %sign3A_1 = arith.extui %sign3A_0 : i1 to i32
    %sign3A_2 = arith.constant 0 : i32
    %sign3A_3 = arith.cmpi slt, %arg1, %sign3A_2 : i32
    %sign3A_4 = arith.extui %sign3A_3 : i1 to i32
    %sign3A_5 = arith.subi %sign3A_1, %sign3A_4 : i32
    %sign3A_6 = arith.constant 0 : i32
    %sign3A_7 = arith.cmpi sgt, %jit3A, %sign3A_6 : i32
    %sign3A_8 = arith.extui %sign3A_7 : i1 to i32
    %sign3A_9 = arith.constant 0 : i32
    %sign3A_10 = arith.cmpi slt, %jit3A, %sign3A_9 : i32
    %sign3A_11 = arith.extui %sign3A_10 : i1 to i32
    %sign3A_12 = arith.subi %sign3A_8, %sign3A_11 : i32
    %ne3A = arith.cmpi ne, %sign3A_5, %sign3A_12 : i32
    %rem3A = arith.remsi %arg1, %jit3A : i32
    %ne3A_13 = arith.constant 0 : i32
    %ne3A_14 = arith.cmpi ne, %rem3A, %ne3A_13 : i32
    %and3A = arith.andi %ne3A, %ne3A_14 : i1
    %sub3A = arith.constant 1 : i32
    %sub3A_15 = arith.subi %div3A, %sub3A : i32
    %select_n3A = arith.select %and3A, %sub3A_15, %div3A : i32
    %jit3A_16 = arith.constant 8 : i32
    %eq3A = arith.constant 0 : i32
    %eq3A_17 = arith.cmpi eq, %jit3A_16, %eq3A : i32
    %jit3A_18 = arith.constant 1 : i32
    %select_n3A_19 = arith.select %eq3A_17, %jit3A_18, %jit3A_16 : i32
    %rem3A_20 = arith.remsi %arg1, %select_n3A_19 : i32
    %ne3A_21 = arith.constant 0 : i32
    %ne3A_22 = arith.cmpi ne, %rem3A_20, %ne3A_21 : i32
    %lt3A = arith.constant 0 : i32
    %lt3A_23 = arith.cmpi slt, %rem3A_20, %lt3A : i32
    %lt3A_24 = arith.constant 0 : i32
    %lt3A_25 = arith.cmpi slt, %select_n3A_19, %lt3A_24 : i32
    %ne3A_26 = arith.xori %lt3A_23, %lt3A_25 : i1
    %and3A_27 = arith.andi %ne3A_26, %ne3A_22 : i1
    %add3A = arith.addi %rem3A_20, %select_n3A_19 : i32
    %select_n3A_28 = arith.select %and3A_27, %add3A, %rem3A_20 : i32
    %broadcast_in_dim3A = arith.constant 0.000000e+00 : f32
    %broadcast_in_dim3A_29 = vector.broadcast %broadcast_in_dim3A : f32 to vector<16xf32>
    %mul3A = arith.constant 12500 : i32
    %mul3A_30 = arith.muli %arg0, %mul3A : i32
    %add3A_31 = arith.constant 0 : i32
    %add3A_32 = arith.addi %mul3A_30, %add3A_31 : i32
    %dma_start3A = arith.constant 0 : i32
    %dma_start3A_33 = arith.constant 0 : i32
    %dma_start3A_34 = arith.constant 0 : i32
    %dma_start3A_35 = arith.constant 0 : i32
    %dma_start3A_36 = arith.constant 0 : i32
    %dma_start3A_37 = tpu.memref_slice %arg8[%dma_start3A_33, %dma_start3A_35, %dma_start3A_36] : memref<4x25x128xi32, #tpu.memory_space<vmem>> -> memref<1x25x128xi32, #tpu.memory_space<vmem>>
    %dma_start3A_38 = tpu.memref_squeeze %dma_start3A_37 : memref<1x25x128xi32, #tpu.memory_space<vmem>> -> memref<25x128xi32, #tpu.memory_space<vmem>>
    %dma_start3A_39 = arith.constant 0 : i32
    %dma_start3A_40 = tpu.memref_slice %arg2[%add3A_32, %dma_start3A, %dma_start3A_39] : memref<25000x2x128xi32, #tpu.memory_space<hbm>> -> memref<25x1x128xi32, #tpu.memory_space<hbm>>
    %dma_start3A_41 = tpu.memref_squeeze %dma_start3A_40 : memref<25x1x128xi32, #tpu.memory_space<hbm>> -> memref<25x128xi32, #tpu.memory_space<hbm>>
    %dma_start3A_42 = tpu.memref_slice %arg10[%dma_start3A_34] : memref<4x!tpu.dma_semaphore, #tpu.memory_space<semaphore_mem>> -> memref<1x!tpu.dma_semaphore, #tpu.memory_space<semaphore_mem>>
    %dma_start3A_43 = tpu.memref_squeeze %dma_start3A_42 : memref<1x!tpu.dma_semaphore, #tpu.memory_space<semaphore_mem>> -> memref<!tpu.dma_semaphore, #tpu.memory_space<semaphore_mem>>
    %dma_start3A_44 = arith.constant 0 : i32
    %dma_start3A_45 = arith.constant 0 : i32
    %dma_start3A_46 = tpu.memref_slice %arg8[%dma_start3A_33, %dma_start3A_44, %dma_start3A_45] : memref<4x25x128xi32, #tpu.memory_space<vmem>> -> memref<1x25x128xi32, #tpu.memory_space<vmem>>
    %dma_start3A_47 = tpu.memref_squeeze %dma_start3A_46 : memref<1x25x128xi32, #tpu.memory_space<vmem>> -> memref<25x128xi32, #tpu.memory_space<vmem>>
    %dma_start3A_48 = arith.constant 0 : i32
    %dma_start3A_49 = tpu.memref_slice %arg2[%add3A_32, %dma_start3A, %dma_start3A_48] : memref<25000x2x128xi32, #tpu.memory_space<hbm>> -> memref<25x1x128xi32, #tpu.memory_space<hbm>>
    %dma_start3A_50 = tpu.memref_squeeze %dma_start3A_49 : memref<25x1x128xi32, #tpu.memory_space<hbm>> -> memref<25x128xi32, #tpu.memory_space<hbm>>
    tpu.enqueue_dma source(%dma_start3A_50 : memref<25x128xi32, #tpu.memory_space<hbm>>) target(%dma_start3A_47 : memref<25x128xi32, #tpu.memory_space<vmem>>) target_semaphore(%dma_start3A_43 : memref<!tpu.dma_semaphore, #tpu.memory_space<semaphore_mem>>)
    %mul3A_51 = arith.constant 12500 : i32
    %mul3A_52 = arith.muli %arg0, %mul3A_51 : i32
    %add3A_53 = arith.constant 0 : i32
    %add3A_54 = arith.addi %mul3A_52, %add3A_53 : i32
    %dma_start3A_55 = arith.constant 0 : i32
    %dma_start3A_56 = arith.constant 0 : i32
    %dma_start3A_57 = arith.constant 0 : i32
    %dma_start3A_58 = arith.constant 0 : i32
    %dma_start3A_59 = tpu.memref_slice %arg9[%dma_start3A_55, %dma_start3A_57, %dma_start3A_58] : memref<4x25x128xf32, #tpu.memory_space<vmem>> -> memref<1x25x128xf32, #tpu.memory_space<vmem>>
    %dma_start3A_60 = tpu.memref_squeeze %dma_start3A_59 : memref<1x25x128xf32, #tpu.memory_space<vmem>> -> memref<25x128xf32, #tpu.memory_space<vmem>>
    %dma_start3A_61 = arith.constant 0 : i32
    %dma_start3A_62 = tpu.memref_slice %arg3[%select_n3A, %add3A_54, %select_n3A_28, %dma_start3A_61] : memref<2x25000x8x128xf32, #tpu.memory_space<hbm>> -> memref<1x25x1x128xf32, #tpu.memory_space<hbm>>
    %dma_start3A_63 = tpu.memref_squeeze %dma_start3A_62 : memref<1x25x1x128xf32, #tpu.memory_space<hbm>> -> memref<25x128xf32, #tpu.memory_space<hbm>>
    %dma_start3A_64 = tpu.memref_slice %arg10[%dma_start3A_56] : memref<4x!tpu.dma_semaphore, #tpu.memory_space<semaphore_mem>> -> memref<1x!tpu.dma_semaphore, #tpu.memory_space<semaphore_mem>>
    %dma_start3A_65 = tpu.memref_squeeze %dma_start3A_64 : memref<1x!tpu.dma_semaphore, #tpu.memory_space<semaphore_mem>> -> memref<!tpu.dma_semaphore, #tpu.memory_space<semaphore_mem>>
    %dma_start3A_66 = arith.constant 0 : i32
    %dma_start3A_67 = arith.constant 0 : i32
    %dma_start3A_68 = tpu.memref_slice %arg9[%dma_start3A_55, %dma_start3A_66, %dma_start3A_67] : memref<4x25x128xf32, #tpu.memory_space<vmem>> -> memref<1x25x128xf32, #tpu.memory_space<vmem>>
    %dma_start3A_69 = tpu.memref_squeeze %dma_start3A_68 : memref<1x25x128xf32, #tpu.memory_space<vmem>> -> memref<25x128xf32, #tpu.memory_space<vmem>>
    %dma_start3A_70 = arith.constant 0 : i32
    %dma_start3A_71 = tpu.memref_slice %arg3[%select_n3A, %add3A_54, %select_n3A_28, %dma_start3A_70] : memref<2x25000x8x128xf32, #tpu.memory_space<hbm>> -> memref<1x25x1x128xf32, #tpu.memory_space<hbm>>
    %dma_start3A_72 = tpu.memref_squeeze %dma_start3A_71 : memref<1x25x1x128xf32, #tpu.memory_space<hbm>> -> memref<25x128xf32, #tpu.memory_space<hbm>>
    tpu.enqueue_dma source(%dma_start3A_72 : memref<25x128xf32, #tpu.memory_space<hbm>>) target(%dma_start3A_69 : memref<25x128xf32, #tpu.memory_space<vmem>>) target_semaphore(%dma_start3A_65 : memref<!tpu.dma_semaphore, #tpu.memory_space<semaphore_mem>>)
    %mul3A_73 = arith.constant 12500 : i32
    %mul3A_74 = arith.muli %arg0, %mul3A_73 : i32
    %add3A_75 = arith.constant 25 : i32
    %add3A_76 = arith.addi %mul3A_74, %add3A_75 : i32
    %dma_start3A_77 = arith.constant 0 : i32
    %dma_start3A_78 = arith.constant 1 : i32
    %dma_start3A_79 = arith.constant 1 : i32
    %dma_start3A_80 = arith.constant 0 : i32
    %dma_start3A_81 = arith.constant 0 : i32
    %dma_start3A_82 = tpu.memref_slice %arg8[%dma_start3A_78, %dma_start3A_80, %dma_start3A_81] : memref<4x25x128xi32, #tpu.memory_space<vmem>> -> memref<1x25x128xi32, #tpu.memory_space<vmem>>
    %dma_start3A_83 = tpu.memref_squeeze %dma_start3A_82 : memref<1x25x128xi32, #tpu.memory_space<vmem>> -> memref<25x128xi32, #tpu.memory_space<vmem>>
    %dma_start3A_84 = arith.constant 0 : i32
    %dma_start3A_85 = tpu.memref_slice %arg2[%add3A_76, %dma_start3A_77, %dma_start3A_84] : memref<25000x2x128xi32, #tpu.memory_space<hbm>> -> memref<25x1x128xi32, #tpu.memory_space<hbm>>
    %dma_start3A_86 = tpu.memref_squeeze %dma_start3A_85 : memref<25x1x128xi32, #tpu.memory_space<hbm>> -> memref<25x128xi32, #tpu.memory_space<hbm>>
    %dma_start3A_87 = tpu.memref_slice %arg10[%dma_start3A_79] : memref<4x!tpu.dma_semaphore, #tpu.memory_space<semaphore_mem>> -> memref<1x!tpu.dma_semaphore, #tpu.memory_space<semaphore_mem>>
    %dma_start3A_88 = tpu.memref_squeeze %dma_start3A_87 : memref<1x!tpu.dma_semaphore, #tpu.memory_space<semaphore_mem>> -> memref<!tpu.dma_semaphore, #tpu.memory_space<semaphore_mem>>
    %dma_start3A_89 = arith.constant 0 : i32
    %dma_start3A_90 = arith.constant 0 : i32
    %dma_start3A_91 = tpu.memref_slice %arg8[%dma_start3A_78, %dma_start3A_89, %dma_start3A_90] : memref<4x25x128xi32, #tpu.memory_space<vmem>> -> memref<1x25x128xi32, #tpu.memory_space<vmem>>
    %dma_start3A_92 = tpu.memref_squeeze %dma_start3A_91 : memref<1x25x128xi32, #tpu.memory_space<vmem>> -> memref<25x128xi32, #tpu.memory_space<vmem>>
    %dma_start3A_93 = arith.constant 0 : i32
    %dma_start3A_94 = tpu.memref_slice %arg2[%add3A_76, %dma_start3A_77, %dma_start3A_93] : memref<25000x2x128xi32, #tpu.memory_space<hbm>> -> memref<25x1x128xi32, #tpu.memory_space<hbm>>
    %dma_start3A_95 = tpu.memref_squeeze %dma_start3A_94 : memref<25x1x128xi32, #tpu.memory_space<hbm>> -> memref<25x128xi32, #tpu.memory_space<hbm>>
    tpu.enqueue_dma source(%dma_start3A_95 : memref<25x128xi32, #tpu.memory_space<hbm>>) target(%dma_start3A_92 : memref<25x128xi32, #tpu.memory_space<vmem>>) target_semaphore(%dma_start3A_88 : memref<!tpu.dma_semaphore, #tpu.memory_space<semaphore_mem>>)
    %mul3A_96 = arith.constant 12500 : i32
    %mul3A_97 = arith.muli %arg0, %mul3A_96 : i32
    %add3A_98 = arith.constant 25 : i32
    %add3A_99 = arith.addi %mul3A_97, %add3A_98 : i32
    %dma_start3A_100 = arith.constant 1 : i32
    %dma_start3A_101 = arith.constant 1 : i32
    %dma_start3A_102 = arith.constant 0 : i32
    %dma_start3A_103 = arith.constant 0 : i32
    %dma_start3A_104 = tpu.memref_slice %arg9[%dma_start3A_100, %dma_start3A_102, %dma_start3A_103] : memref<4x25x128xf32, #tpu.memory_space<vmem>> -> memref<1x25x128xf32, #tpu.memory_space<vmem>>
    %dma_start3A_105 = tpu.memref_squeeze %dma_start3A_104 : memref<1x25x128xf32, #tpu.memory_space<vmem>> -> memref<25x128xf32, #tpu.memory_space<vmem>>
    %dma_start3A_106 = arith.constant 0 : i32
    %dma_start3A_107 = tpu.memref_slice %arg3[%select_n3A, %add3A_99, %select_n3A_28, %dma_start3A_106] : memref<2x25000x8x128xf32, #tpu.memory_space<hbm>> -> memref<1x25x1x128xf32, #tpu.memory_space<hbm>>
    %dma_start3A_108 = tpu.memref_squeeze %dma_start3A_107 : memref<1x25x1x128xf32, #tpu.memory_space<hbm>> -> memref<25x128xf32, #tpu.memory_space<hbm>>
    %dma_start3A_109 = tpu.memref_slice %arg10[%dma_start3A_101] : memref<4x!tpu.dma_semaphore, #tpu.memory_space<semaphore_mem>> -> memref<1x!tpu.dma_semaphore, #tpu.memory_space<semaphore_mem>>
    %dma_start3A_110 = tpu.memref_squeeze %dma_start3A_109 : memref<1x!tpu.dma_semaphore, #tpu.memory_space<semaphore_mem>> -> memref<!tpu.dma_semaphore, #tpu.memory_space<semaphore_mem>>
    %dma_start3A_111 = arith.constant 0 : i32
    %dma_start3A_112 = arith.constant 0 : i32
    %dma_start3A_113 = tpu.memref_slice %arg9[%dma_start3A_100, %dma_start3A_111, %dma_start3A_112] : memref<4x25x128xf32, #tpu.memory_space<vmem>> -> memref<1x25x128xf32, #tpu.memory_space<vmem>>
    %dma_start3A_114 = tpu.memref_squeeze %dma_start3A_113 : memref<1x25x128xf32, #tpu.memory_space<vmem>> -> memref<25x128xf32, #tpu.memory_space<vmem>>
    %dma_start3A_115 = arith.constant 0 : i32
    %dma_start3A_116 = tpu.memref_slice %arg3[%select_n3A, %add3A_99, %select_n3A_28, %dma_start3A_115] : memref<2x25000x8x128xf32, #tpu.memory_space<hbm>> -> memref<1x25x1x128xf32, #tpu.memory_space<hbm>>
    %dma_start3A_117 = tpu.memref_squeeze %dma_start3A_116 : memref<1x25x1x128xf32, #tpu.memory_space<hbm>> -> memref<25x128xf32, #tpu.memory_space<hbm>>
    tpu.enqueue_dma source(%dma_start3A_117 : memref<25x128xf32, #tpu.memory_space<hbm>>) target(%dma_start3A_114 : memref<25x128xf32, #tpu.memory_space<vmem>>) target_semaphore(%dma_start3A_110 : memref<!tpu.dma_semaphore, #tpu.memory_space<semaphore_mem>>)
    %mul3A_118 = arith.constant 12500 : i32
    %mul3A_119 = arith.muli %arg0, %mul3A_118 : i32
    %add3A_120 = arith.constant 50 : i32
    %add3A_121 = arith.addi %mul3A_119, %add3A_120 : i32
    %dma_start3A_122 = arith.constant 0 : i32
    %dma_start3A_123 = arith.constant 2 : i32
    %dma_start3A_124 = arith.constant 2 : i32
    %dma_start3A_125 = arith.constant 0 : i32
    %dma_start3A_126 = arith.constant 0 : i32
    %dma_start3A_127 = tpu.memref_slice %arg8[%dma_start3A_123, %dma_start3A_125, %dma_start3A_126] : memref<4x25x128xi32, #tpu.memory_space<vmem>> -> memref<1x25x128xi32, #tpu.memory_space<vmem>>
    %dma_start3A_128 = tpu.memref_squeeze %dma_start3A_127 : memref<1x25x128xi32, #tpu.memory_space<vmem>> -> memref<25x128xi32, #tpu.memory_space<vmem>>
    %dma_start3A_129 = arith.constant 0 : i32
    %dma_start3A_130 = tpu.memref_slice %arg2[%add3A_121, %dma_start3A_122, %dma_start3A_129] : memref<25000x2x128xi32, #tpu.memory_space<hbm>> -> memref<25x1x128xi32, #tpu.memory_space<hbm>>
    %dma_start3A_131 = tpu.memref_squeeze %dma_start3A_130 : memref<25x1x128xi32, #tpu.memory_space<hbm>> -> memref<25x128xi32, #tpu.memory_space<hbm>>
    %dma_start3A_132 = tpu.memref_slice %arg10[%dma_start3A_124] : memref<4x!tpu.dma_semaphore, #tpu.memory_space<semaphore_mem>> -> memref<1x!tpu.dma_semaphore, #tpu.memory_space<semaphore_mem>>
    %dma_start3A_133 = tpu.memref_squeeze %dma_start3A_132 : memref<1x!tpu.dma_semaphore, #tpu.memory_space<semaphore_mem>> -> memref<!tpu.dma_semaphore, #tpu.memory_space<semaphore_mem>>
    %dma_start3A_134 = arith.constant 0 : i32
    %dma_start3A_135 = arith.constant 0 : i32
    %dma_start3A_136 = tpu.memref_slice %arg8[%dma_start3A_123, %dma_start3A_134, %dma_start3A_135] : memref<4x25x128xi32, #tpu.memory_space<vmem>> -> memref<1x25x128xi32, #tpu.memory_space<vmem>>
    %dma_start3A_137 = tpu.memref_squeeze %dma_start3A_136 : memref<1x25x128xi32, #tpu.memory_space<vmem>> -> memref<25x128xi32, #tpu.memory_space<vmem>>
    %dma_start3A_138 = arith.constant 0 : i32
    %dma_start3A_139 = tpu.memref_slice %arg2[%add3A_121, %dma_start3A_122, %dma_start3A_138] : memref<25000x2x128xi32, #tpu.memory_space<hbm>> -> memref<25x1x128xi32, #tpu.memory_space<hbm>>
    %dma_start3A_140 = tpu.memref_squeeze %dma_start3A_139 : memref<25x1x128xi32, #tpu.memory_space<hbm>> -> memref<25x128xi32, #tpu.memory_space<hbm>>
    tpu.enqueue_dma source(%dma_start3A_140 : memref<25x128xi32, #tpu.memory_space<hbm>>) target(%dma_start3A_137 : memref<25x128xi32, #tpu.memory_space<vmem>>) target_semaphore(%dma_start3A_133 : memref<!tpu.dma_semaphore, #tpu.memory_space<semaphore_mem>>)
    %mul3A_141 = arith.constant 12500 : i32
    %mul3A_142 = arith.muli %arg0, %mul3A_141 : i32
    %add3A_143 = arith.constant 50 : i32
    %add3A_144 = arith.addi %mul3A_142, %add3A_143 : i32
    %dma_start3A_145 = arith.constant 2 : i32
    %dma_start3A_146 = arith.constant 2 : i32
    %dma_start3A_147 = arith.constant 0 : i32
    %dma_start3A_148 = arith.constant 0 : i32
    %dma_start3A_149 = tpu.memref_slice %arg9[%dma_start3A_145, %dma_start3A_147, %dma_start3A_148] : memref<4x25x128xf32, #tpu.memory_space<vmem>> -> memref<1x25x128xf32, #tpu.memory_space<vmem>>
    %dma_start3A_150 = tpu.memref_squeeze %dma_start3A_149 : memref<1x25x128xf32, #tpu.memory_space<vmem>> -> memref<25x128xf32, #tpu.memory_space<vmem>>
    %dma_start3A_151 = arith.constant 0 : i32
    %dma_start3A_152 = tpu.memref_slice %arg3[%select_n3A, %add3A_144, %select_n3A_28, %dma_start3A_151] : memref<2x25000x8x128xf32, #tpu.memory_space<hbm>> -> memref<1x25x1x128xf32, #tpu.memory_space<hbm>>
    %dma_start3A_153 = tpu.memref_squeeze %dma_start3A_152 : memref<1x25x1x128xf32, #tpu.memory_space<hbm>> -> memref<25x128xf32, #tpu.memory_space<hbm>>
    %dma_start3A_154 = tpu.memref_slice %arg10[%dma_start3A_146] : memref<4x!tpu.dma_semaphore, #tpu.memory_space<semaphore_mem>> -> memref<1x!tpu.dma_semaphore, #tpu.memory_space<semaphore_mem>>
    %dma_start3A_155 = tpu.memref_squeeze %dma_start3A_154 : memref<1x!tpu.dma_semaphore, #tpu.memory_space<semaphore_mem>> -> memref<!tpu.dma_semaphore, #tpu.memory_space<semaphore_mem>>
    %dma_start3A_156 = arith.constant 0 : i32
    %dma_start3A_157 = arith.constant 0 : i32
    %dma_start3A_158 = tpu.memref_slice %arg9[%dma_start3A_145, %dma_start3A_156, %dma_start3A_157] : memref<4x25x128xf32, #tpu.memory_space<vmem>> -> memref<1x25x128xf32, #tpu.memory_space<vmem>>
    %dma_start3A_159 = tpu.memref_squeeze %dma_start3A_158 : memref<1x25x128xf32, #tpu.memory_space<vmem>> -> memref<25x128xf32, #tpu.memory_space<vmem>>
    %dma_start3A_160 = arith.constant 0 : i32
    %dma_start3A_161 = tpu.memref_slice %arg3[%select_n3A, %add3A_144, %select_n3A_28, %dma_start3A_160] : memref<2x25000x8x128xf32, #tpu.memory_space<hbm>> -> memref<1x25x1x128xf32, #tpu.memory_space<hbm>>
    %dma_start3A_162 = tpu.memref_squeeze %dma_start3A_161 : memref<1x25x1x128xf32, #tpu.memory_space<hbm>> -> memref<25x128xf32, #tpu.memory_space<hbm>>
    tpu.enqueue_dma source(%dma_start3A_162 : memref<25x128xf32, #tpu.memory_space<hbm>>) target(%dma_start3A_159 : memref<25x128xf32, #tpu.memory_space<vmem>>) target_semaphore(%dma_start3A_155 : memref<!tpu.dma_semaphore, #tpu.memory_space<semaphore_mem>>)
    %mul3A_163 = arith.constant 12500 : i32
    %mul3A_164 = arith.muli %arg0, %mul3A_163 : i32
    %add3A_165 = arith.constant 75 : i32
    %add3A_166 = arith.addi %mul3A_164, %add3A_165 : i32
    %dma_start3A_167 = arith.constant 0 : i32
    %dma_start3A_168 = arith.constant 3 : i32
    %dma_start3A_169 = arith.constant 3 : i32
    %dma_start3A_170 = arith.constant 0 : i32
    %dma_start3A_171 = arith.constant 0 : i32
    %dma_start3A_172 = tpu.memref_slice %arg8[%dma_start3A_168, %dma_start3A_170, %dma_start3A_171] : memref<4x25x128xi32, #tpu.memory_space<vmem>> -> memref<1x25x128xi32, #tpu.memory_space<vmem>>
    %dma_start3A_173 = tpu.memref_squeeze %dma_start3A_172 : memref<1x25x128xi32, #tpu.memory_space<vmem>> -> memref<25x128xi32, #tpu.memory_space<vmem>>
    %dma_start3A_174 = arith.constant 0 : i32
    %dma_start3A_175 = tpu.memref_slice %arg2[%add3A_166, %dma_start3A_167, %dma_start3A_174] : memref<25000x2x128xi32, #tpu.memory_space<hbm>> -> memref<25x1x128xi32, #tpu.memory_space<hbm>>
    %dma_start3A_176 = tpu.memref_squeeze %dma_start3A_175 : memref<25x1x128xi32, #tpu.memory_space<hbm>> -> memref<25x128xi32, #tpu.memory_space<hbm>>
    %dma_start3A_177 = tpu.memref_slice %arg10[%dma_start3A_169] : memref<4x!tpu.dma_semaphore, #tpu.memory_space<semaphore_mem>> -> memref<1x!tpu.dma_semaphore, #tpu.memory_space<semaphore_mem>>
    %dma_start3A_178 = tpu.memref_squeeze %dma_start3A_177 : memref<1x!tpu.dma_semaphore, #tpu.memory_space<semaphore_mem>> -> memref<!tpu.dma_semaphore, #tpu.memory_space<semaphore_mem>>
    %dma_start3A_179 = arith.constant 0 : i32
    %dma_start3A_180 = arith.constant 0 : i32
    %dma_start3A_181 = tpu.memref_slice %arg8[%dma_start3A_168, %dma_start3A_179, %dma_start3A_180] : memref<4x25x128xi32, #tpu.memory_space<vmem>> -> memref<1x25x128xi32, #tpu.memory_space<vmem>>
    %dma_start3A_182 = tpu.memref_squeeze %dma_start3A_181 : memref<1x25x128xi32, #tpu.memory_space<vmem>> -> memref<25x128xi32, #tpu.memory_space<vmem>>
    %dma_start3A_183 = arith.constant 0 : i32
    %dma_start3A_184 = tpu.memref_slice %arg2[%add3A_166, %dma_start3A_167, %dma_start3A_183] : memref<25000x2x128xi32, #tpu.memory_space<hbm>> -> memref<25x1x128xi32, #tpu.memory_space<hbm>>
    %dma_start3A_185 = tpu.memref_squeeze %dma_start3A_184 : memref<25x1x128xi32, #tpu.memory_space<hbm>> -> memref<25x128xi32, #tpu.memory_space<hbm>>
    tpu.enqueue_dma source(%dma_start3A_185 : memref<25x128xi32, #tpu.memory_space<hbm>>) target(%dma_start3A_182 : memref<25x128xi32, #tpu.memory_space<vmem>>) target_semaphore(%dma_start3A_178 : memref<!tpu.dma_semaphore, #tpu.memory_space<semaphore_mem>>)
    %mul3A_186 = arith.constant 12500 : i32
    %mul3A_187 = arith.muli %arg0, %mul3A_186 : i32
    %add3A_188 = arith.constant 75 : i32
    %add3A_189 = arith.addi %mul3A_187, %add3A_188 : i32
    %dma_start3A_190 = arith.constant 3 : i32
    %dma_start3A_191 = arith.constant 3 : i32
    %dma_start3A_192 = arith.constant 0 : i32
    %dma_start3A_193 = arith.constant 0 : i32
    %dma_start3A_194 = tpu.memref_slice %arg9[%dma_start3A_190, %dma_start3A_192, %dma_start3A_193] : memref<4x25x128xf32, #tpu.memory_space<vmem>> -> memref<1x25x128xf32, #tpu.memory_space<vmem>>
    %dma_start3A_195 = tpu.memref_squeeze %dma_start3A_194 : memref<1x25x128xf32, #tpu.memory_space<vmem>> -> memref<25x128xf32, #tpu.memory_space<vmem>>
    %dma_start3A_196 = arith.constant 0 : i32
    %dma_start3A_197 = tpu.memref_slice %arg3[%select_n3A, %add3A_189, %select_n3A_28, %dma_start3A_196] : memref<2x25000x8x128xf32, #tpu.memory_space<hbm>> -> memref<1x25x1x128xf32, #tpu.memory_space<hbm>>
    %dma_start3A_198 = tpu.memref_squeeze %dma_start3A_197 : memref<1x25x1x128xf32, #tpu.memory_space<hbm>> -> memref<25x128xf32, #tpu.memory_space<hbm>>
    %dma_start3A_199 = tpu.memref_slice %arg10[%dma_start3A_191] : memref<4x!tpu.dma_semaphore, #tpu.memory_space<semaphore_mem>> -> memref<1x!tpu.dma_semaphore, #tpu.memory_space<semaphore_mem>>
    %dma_start3A_200 = tpu.memref_squeeze %dma_start3A_199 : memref<1x!tpu.dma_semaphore, #tpu.memory_space<semaphore_mem>> -> memref<!tpu.dma_semaphore, #tpu.memory_space<semaphore_mem>>
    %dma_start3A_201 = arith.constant 0 : i32
    %dma_start3A_202 = arith.constant 0 : i32
    %dma_start3A_203 = tpu.memref_slice %arg9[%dma_start3A_190, %dma_start3A_201, %dma_start3A_202] : memref<4x25x128xf32, #tpu.memory_space<vmem>> -> memref<1x25x128xf32, #tpu.memory_space<vmem>>
    %dma_start3A_204 = tpu.memref_squeeze %dma_start3A_203 : memref<1x25x128xf32, #tpu.memory_space<vmem>> -> memref<25x128xf32, #tpu.memory_space<vmem>>
    %dma_start3A_205 = arith.constant 0 : i32
    %dma_start3A_206 = tpu.memref_slice %arg3[%select_n3A, %add3A_189, %select_n3A_28, %dma_start3A_205] : memref<2x25000x8x128xf32, #tpu.memory_space<hbm>> -> memref<1x25x1x128xf32, #tpu.memory_space<hbm>>
    %dma_start3A_207 = tpu.memref_squeeze %dma_start3A_206 : memref<1x25x1x128xf32, #tpu.memory_space<hbm>> -> memref<25x128xf32, #tpu.memory_space<hbm>>
    tpu.enqueue_dma source(%dma_start3A_207 : memref<25x128xf32, #tpu.memory_space<hbm>>) target(%dma_start3A_204 : memref<25x128xf32, #tpu.memory_space<vmem>>) target_semaphore(%dma_start3A_200 : memref<!tpu.dma_semaphore, #tpu.memory_space<semaphore_mem>>)
    %scan3A = arith.constant 0 : i32
    %scan3A_208 = arith.constant 0 : i32
    %scan3A_209 = arith.constant 6250 : i32
    %scan3A_210 = arith.addi %scan3A_208, %scan3A_209 : i32
    %scan3A_211 = arith.constant 1 : i32
    scf.for %scan3A_405 = %scan3A_208 to %scan3A_210 step %scan3A_211  : i32 {
      %mul3A_406 = arith.constant 16 : i32
      %mul3A_407 = arith.muli %scan3A_405, %mul3A_406 : i32
      %swap3A = arith.index_cast %mul3A_407 : i32 to index
      %swap3A_408 = tpu.vector_load %arg7[%swap3A] {strides = array<i32>} : memref<100000xf32, #tpu.memory_space<vmem>>, vector<16xf32>,
      tpu.vector_store %arg7[%swap3A], %broadcast_in_dim3A_29 {strides = array<i32>} : memref<100000xf32, #tpu.memory_space<vmem>>, vector<16xf32>,
    }
    %scan3A_212 = arith.constant 6250 : i32
    %scan3A_213 = arith.constant 0 : i32
    %scan3A_214 = arith.constant 0 : i32
    %scan3A_215 = arith.constant 125 : i32
    %scan3A_216 = arith.addi %scan3A_214, %scan3A_215 : i32
    %scan3A_217 = arith.constant 1 : i32
    scf.for %scan3A_405 = %scan3A_214 to %scan3A_216 step %scan3A_217  : i32 {
      %dma_wait3A = arith.constant 0 : i32
      %dma_wait3A_406 = arith.constant 0 : i32
      %dma_wait3A_407 = arith.constant 0 : i32
      %dma_wait3A_408 = arith.constant 0 : i32
      %dma_wait3A_409 = arith.constant 0 : i32
      %dma_wait3A_410 = tpu.memref_slice %arg8[%dma_wait3A_406, %dma_wait3A_408, %dma_wait3A_409] : memref<4x25x128xi32, #tpu.memory_space<vmem>> -> memref<1x25x128xi32, #tpu.memory_space<vmem>>
      %dma_wait3A_411 = tpu.memref_squeeze %dma_wait3A_410 : memref<1x25x128xi32, #tpu.memory_space<vmem>> -> memref<25x128xi32, #tpu.memory_space<vmem>>
      %dma_wait3A_412 = arith.constant 0 : i32
      %dma_wait3A_413 = arith.constant 0 : i32
      %dma_wait3A_414 = tpu.memref_slice %arg2[%dma_wait3A_412, %dma_wait3A, %dma_wait3A_413] : memref<25000x2x128xi32, #tpu.memory_space<hbm>> -> memref<25x1x128xi32, #tpu.memory_space<hbm>>
      %dma_wait3A_415 = tpu.memref_squeeze %dma_wait3A_414 : memref<25x1x128xi32, #tpu.memory_space<hbm>> -> memref<25x128xi32, #tpu.memory_space<hbm>>
      %dma_wait3A_416 = tpu.memref_slice %arg10[%dma_wait3A_407] : memref<4x!tpu.dma_semaphore, #tpu.memory_space<semaphore_mem>> -> memref<1x!tpu.dma_semaphore, #tpu.memory_space<semaphore_mem>>
      %dma_wait3A_417 = tpu.memref_squeeze %dma_wait3A_416 : memref<1x!tpu.dma_semaphore, #tpu.memory_space<semaphore_mem>> -> memref<!tpu.dma_semaphore, #tpu.memory_space<semaphore_mem>>
      %dma_wait3A_418 = arith.constant 0 : i32
      %dma_wait3A_419 = arith.constant 0 : i32
      %dma_wait3A_420 = tpu.memref_slice %arg8[%dma_wait3A_406, %dma_wait3A_418, %dma_wait3A_419] : memref<4x25x128xi32, #tpu.memory_space<vmem>> -> memref<1x25x128xi32, #tpu.memory_space<vmem>>
      %dma_wait3A_421 = tpu.memref_squeeze %dma_wait3A_420 : memref<1x25x128xi32, #tpu.memory_space<vmem>> -> memref<25x128xi32, #tpu.memory_space<vmem>>
      %dma_wait3A_422 = arith.constant 0 : i32
      %dma_wait3A_423 = arith.constant 0 : i32
      %dma_wait3A_424 = tpu.memref_slice %arg2[%dma_wait3A_422, %dma_wait3A, %dma_wait3A_423] : memref<25000x2x128xi32, #tpu.memory_space<hbm>> -> memref<25x1x128xi32, #tpu.memory_space<hbm>>
      %dma_wait3A_425 = tpu.memref_squeeze %dma_wait3A_424 : memref<25x1x128xi32, #tpu.memory_space<hbm>> -> memref<25x128xi32, #tpu.memory_space<hbm>>
      tpu.wait_dma2 semaphore(%dma_wait3A_417 : memref<!tpu.dma_semaphore, #tpu.memory_space<semaphore_mem>>) src(%dma_wait3A_425 : memref<25x128xi32, #tpu.memory_space<hbm>>) dst(%dma_wait3A_421 : memref<25x128xi32, #tpu.memory_space<vmem>>)
      %dma_wait3A_426 = arith.constant 0 : i32
      %dma_wait3A_427 = arith.constant 0 : i32
      %dma_wait3A_428 = arith.constant 0 : i32
      %dma_wait3A_429 = arith.constant 0 : i32
      %dma_wait3A_430 = arith.constant 0 : i32
      %dma_wait3A_431 = arith.constant 0 : i32
      %dma_wait3A_432 = tpu.memref_slice %arg9[%dma_wait3A_428, %dma_wait3A_430, %dma_wait3A_431] : memref<4x25x128xf32, #tpu.memory_space<vmem>> -> memref<1x25x128xf32, #tpu.memory_space<vmem>>
      %dma_wait3A_433 = tpu.memref_squeeze %dma_wait3A_432 : memref<1x25x128xf32, #tpu.memory_space<vmem>> -> memref<25x128xf32, #tpu.memory_space<vmem>>
      %dma_wait3A_434 = arith.constant 0 : i32
      %dma_wait3A_435 = arith.constant 0 : i32
      %dma_wait3A_436 = tpu.memref_slice %arg3[%dma_wait3A_426, %dma_wait3A_434, %dma_wait3A_427, %dma_wait3A_435] : memref<2x25000x8x128xf32, #tpu.memory_space<hbm>> -> memref<1x25x1x128xf32, #tpu.memory_space<hbm>>
      %dma_wait3A_437 = tpu.memref_squeeze %dma_wait3A_436 : memref<1x25x1x128xf32, #tpu.memory_space<hbm>> -> memref<25x128xf32, #tpu.memory_space<hbm>>
      %dma_wait3A_438 = tpu.memref_slice %arg10[%dma_wait3A_429] : memref<4x!tpu.dma_semaphore, #tpu.memory_space<semaphore_mem>> -> memref<1x!tpu.dma_semaphore, #tpu.memory_space<semaphore_mem>>
      %dma_wait3A_439 = tpu.memref_squeeze %dma_wait3A_438 : memref<1x!tpu.dma_semaphore, #tpu.memory_space<semaphore_mem>> -> memref<!tpu.dma_semaphore, #tpu.memory_space<semaphore_mem>>
      %dma_wait3A_440 = arith.constant 0 : i32
      %dma_wait3A_441 = arith.constant 0 : i32
      %dma_wait3A_442 = tpu.memref_slice %arg9[%dma_wait3A_428, %dma_wait3A_440, %dma_wait3A_441] : memref<4x25x128xf32, #tpu.memory_space<vmem>> -> memref<1x25x128xf32, #tpu.memory_space<vmem>>
      %dma_wait3A_443 = tpu.memref_squeeze %dma_wait3A_442 : memref<1x25x128xf32, #tpu.memory_space<vmem>> -> memref<25x128xf32, #tpu.memory_space<vmem>>
      %dma_wait3A_444 = arith.constant 0 : i32
      %dma_wait3A_445 = arith.constant 0 : i32
      %dma_wait3A_446 = tpu.memref_slice %arg3[%dma_wait3A_426, %dma_wait3A_444, %dma_wait3A_427, %dma_wait3A_445] : memref<2x25000x8x128xf32, #tpu.memory_space<hbm>> -> memref<1x25x1x128xf32, #tpu.memory_space<hbm>>
      %dma_wait3A_447 = tpu.memref_squeeze %dma_wait3A_446 : memref<1x25x1x128xf32, #tpu.memory_space<hbm>> -> memref<25x128xf32, #tpu.memory_space<hbm>>
      tpu.wait_dma2 semaphore(%dma_wait3A_439 : memref<!tpu.dma_semaphore, #tpu.memory_space<semaphore_mem>>) src(%dma_wait3A_447 : memref<25x128xf32, #tpu.memory_space<hbm>>) dst(%dma_wait3A_443 : memref<25x128xf32, #tpu.memory_space<vmem>>)
      %parallel_loop3A = arith.constant 0 : i32
      %parallel_loop3A_448 = arith.constant 200 : i32
      %parallel_loop3A_449 = arith.constant 1 : i32
      scf.for %parallel_loop3A_606 = %parallel_loop3A to %parallel_loop3A_448 step %parallel_loop3A_449  : i32 {
        %parallel_loop3A_607 = arith.constant 3 : i32
        %parallel_loop3A_608 = arith.shrsi %parallel_loop3A_606, %parallel_loop3A_607 : i32
        %parallel_loop3A_609 = arith.constant 7 : i32
        %parallel_loop3A_610 = arith.andi %parallel_loop3A_606, %parallel_loop3A_609 : i32
        %parallel_loop3A_611 = arith.constant 16 : i32
        %parallel_loop3A_612 = arith.muli %parallel_loop3A_610, %parallel_loop3A_611 : i32
        %parallel_loop3A_613 = arith.constant 0 : i32
        %parallel_loop3A_614 = arith.index_cast %parallel_loop3A_613 : i32 to index
        %parallel_loop3A_615 = arith.index_cast %parallel_loop3A_608 : i32 to index
        %parallel_loop3A_616 = arith.index_cast %parallel_loop3A_612 : i32 to index
        %parallel_loop3A_617 = tpu.vector_load %arg8[%parallel_loop3A_614, %parallel_loop3A_615, %parallel_loop3A_616] {strides = array<i32>} : memref<4x25x128xi32, #tpu.memory_space<vmem>>, vector<16xi32>,
        %parallel_loop3A_618 = arith.constant 3 : i32
        %parallel_loop3A_619 = arith.shrsi %parallel_loop3A_606, %parallel_loop3A_618 : i32
        %parallel_loop3A_620 = arith.constant 7 : i32
        %parallel_loop3A_621 = arith.andi %parallel_loop3A_606, %parallel_loop3A_620 : i32
        %parallel_loop3A_622 = arith.constant 16 : i32
        %parallel_loop3A_623 = arith.muli %parallel_loop3A_621, %parallel_loop3A_622 : i32
        %parallel_loop3A_624 = arith.constant 0 : i32
        %parallel_loop3A_625 = arith.index_cast %parallel_loop3A_624 : i32 to index
        %parallel_loop3A_626 = arith.index_cast %parallel_loop3A_619 : i32 to index
        %parallel_loop3A_627 = arith.index_cast %parallel_loop3A_623 : i32 to index
        %parallel_loop3A_628 = tpu.vector_load %arg9[%parallel_loop3A_625, %parallel_loop3A_626, %parallel_loop3A_627] {strides = array<i32>} : memref<4x25x128xf32, #tpu.memory_space<vmem>>, vector<16xf32>,
        tpu.vector_store_idx %arg7[%parallel_loop3A_617], %parallel_loop3A_628 {add = true} : memref<100000xf32, #tpu.memory_space<vmem>>[vector<16xi32>], vector<16xf32>,
      } {sc.loop_unroll_factor = 8 : i64, sc.parallel_access}
      %lt3A_450 = arith.constant 124 : i32
      %lt3A_451 = arith.cmpi slt, %scan3A_405, %lt3A_450 : i32
      %convert_element_type3A = arith.extui %lt3A_451 : i1 to i32
      %cond3A = arith.constant 0 : i32
      %cond3A_452 = arith.cmpi ne, %convert_element_type3A, %cond3A : i32
      scf.if %cond3A_452 {
        %add3A_606 = arith.constant 1 : i32
        %add3A_607 = arith.addi %scan3A_405, %add3A_606 : i32
        %mul3A_608 = arith.constant 4 : i32
        %mul3A_609 = arith.muli %add3A_607, %mul3A_608 : i32
        %add3A_610 = arith.constant 0 : i32
        %add3A_611 = arith.addi %mul3A_609, %add3A_610 : i32
        %mul3A_612 = arith.constant 12500 : i32
        %mul3A_613 = arith.muli %arg0, %mul3A_612 : i32
        %mul3A_614 = arith.constant 25 : i32
        %mul3A_615 = arith.muli %add3A_611, %mul3A_614 : i32
        %add3A_616 = arith.addi %mul3A_613, %mul3A_615 : i32
        %dma_start3A_617 = arith.constant 0 : i32
        %dma_start3A_618 = arith.constant 0 : i32
        %dma_start3A_619 = arith.constant 0 : i32
        %dma_start3A_620 = arith.constant 0 : i32
        %dma_start3A_621 = arith.constant 0 : i32
        %dma_start3A_622 = tpu.memref_slice %arg8[%dma_start3A_618, %dma_start3A_620, %dma_start3A_621] : memref<4x25x128xi32, #tpu.memory_space<vmem>> -> memref<1x25x128xi32, #tpu.memory_space<vmem>>
        %dma_start3A_623 = tpu.memref_squeeze %dma_start3A_622 : memref<1x25x128xi32, #tpu.memory_space<vmem>> -> memref<25x128xi32, #tpu.memory_space<vmem>>
        %dma_start3A_624 = arith.constant 0 : i32
        %dma_start3A_625 = tpu.memref_slice %arg2[%add3A_616, %dma_start3A_617, %dma_start3A_624] : memref<25000x2x128xi32, #tpu.memory_space<hbm>> -> memref<25x1x128xi32, #tpu.memory_space<hbm>>
        %dma_start3A_626 = tpu.memref_squeeze %dma_start3A_625 : memref<25x1x128xi32, #tpu.memory_space<hbm>> -> memref<25x128xi32, #tpu.memory_space<hbm>>
        %dma_start3A_627 = tpu.memref_slice %arg10[%dma_start3A_619] : memref<4x!tpu.dma_semaphore, #tpu.memory_space<semaphore_mem>> -> memref<1x!tpu.dma_semaphore, #tpu.memory_space<semaphore_mem>>
        %dma_start3A_628 = tpu.memref_squeeze %dma_start3A_627 : memref<1x!tpu.dma_semaphore, #tpu.memory_space<semaphore_mem>> -> memref<!tpu.dma_semaphore, #tpu.memory_space<semaphore_mem>>
        %dma_start3A_629 = arith.constant 0 : i32
        %dma_start3A_630 = arith.constant 0 : i32
        %dma_start3A_631 = tpu.memref_slice %arg8[%dma_start3A_618, %dma_start3A_629, %dma_start3A_630] : memref<4x25x128xi32, #tpu.memory_space<vmem>> -> memref<1x25x128xi32, #tpu.memory_space<vmem>>
        %dma_start3A_632 = tpu.memref_squeeze %dma_start3A_631 : memref<1x25x128xi32, #tpu.memory_space<vmem>> -> memref<25x128xi32, #tpu.memory_space<vmem>>
        %dma_start3A_633 = arith.constant 0 : i32
        %dma_start3A_634 = tpu.memref_slice %arg2[%add3A_616, %dma_start3A_617, %dma_start3A_633] : memref<25000x2x128xi32, #tpu.memory_space<hbm>> -> memref<25x1x128xi32, #tpu.memory_space<hbm>>
        %dma_start3A_635 = tpu.memref_squeeze %dma_start3A_634 : memref<25x1x128xi32, #tpu.memory_space<hbm>> -> memref<25x128xi32, #tpu.memory_space<hbm>>
        tpu.enqueue_dma source(%dma_start3A_635 : memref<25x128xi32, #tpu.memory_space<hbm>>) target(%dma_start3A_632 : memref<25x128xi32, #tpu.memory_space<vmem>>) target_semaphore(%dma_start3A_628 : memref<!tpu.dma_semaphore, #tpu.memory_space<semaphore_mem>>)
        %mul3A_636 = arith.constant 12500 : i32
        %mul3A_637 = arith.muli %arg0, %mul3A_636 : i32
        %mul3A_638 = arith.constant 25 : i32
        %mul3A_639 = arith.muli %add3A_611, %mul3A_638 : i32
        %add3A_640 = arith.addi %mul3A_637, %mul3A_639 : i32
        %dma_start3A_641 = arith.constant 0 : i32
        %dma_start3A_642 = arith.constant 0 : i32
        %dma_start3A_643 = arith.constant 0 : i32
        %dma_start3A_644 = arith.constant 0 : i32
        %dma_start3A_645 = tpu.memref_slice %arg9[%dma_start3A_641, %dma_start3A_643, %dma_start3A_644] : memref<4x25x128xf32, #tpu.memory_space<vmem>> -> memref<1x25x128xf32, #tpu.memory_space<vmem>>
        %dma_start3A_646 = tpu.memref_squeeze %dma_start3A_645 : memref<1x25x128xf32, #tpu.memory_space<vmem>> -> memref<25x128xf32, #tpu.memory_space<vmem>>
        %dma_start3A_647 = arith.constant 0 : i32
        %dma_start3A_648 = tpu.memref_slice %arg3[%select_n3A, %add3A_640, %select_n3A_28, %dma_start3A_647] : memref<2x25000x8x128xf32, #tpu.memory_space<hbm>> -> memref<1x25x1x128xf32, #tpu.memory_space<hbm>>
        %dma_start3A_649 = tpu.memref_squeeze %dma_start3A_648 : memref<1x25x1x128xf32, #tpu.memory_space<hbm>> -> memref<25x128xf32, #tpu.memory_space<hbm>>
        %dma_start3A_650 = tpu.memref_slice %arg10[%dma_start3A_642] : memref<4x!tpu.dma_semaphore, #tpu.memory_space<semaphore_mem>> -> memref<1x!tpu.dma_semaphore, #tpu.memory_space<semaphore_mem>>
        %dma_start3A_651 = tpu.memref_squeeze %dma_start3A_650 : memref<1x!tpu.dma_semaphore, #tpu.memory_space<semaphore_mem>> -> memref<!tpu.dma_semaphore, #tpu.memory_space<semaphore_mem>>
        %dma_start3A_652 = arith.constant 0 : i32
        %dma_start3A_653 = arith.constant 0 : i32
        %dma_start3A_654 = tpu.memref_slice %arg9[%dma_start3A_641, %dma_start3A_652, %dma_start3A_653] : memref<4x25x128xf32, #tpu.memory_space<vmem>> -> memref<1x25x128xf32, #tpu.memory_space<vmem>>
        %dma_start3A_655 = tpu.memref_squeeze %dma_start3A_654 : memref<1x25x128xf32, #tpu.memory_space<vmem>> -> memref<25x128xf32, #tpu.memory_space<vmem>>
        %dma_start3A_656 = arith.constant 0 : i32
        %dma_start3A_657 = tpu.memref_slice %arg3[%select_n3A, %add3A_640, %select_n3A_28, %dma_start3A_656] : memref<2x25000x8x128xf32, #tpu.memory_space<hbm>> -> memref<1x25x1x128xf32, #tpu.memory_space<hbm>>
        %dma_start3A_658 = tpu.memref_squeeze %dma_start3A_657 : memref<1x25x1x128xf32, #tpu.memory_space<hbm>> -> memref<25x128xf32, #tpu.memory_space<hbm>>
        tpu.enqueue_dma source(%dma_start3A_658 : memref<25x128xf32, #tpu.memory_space<hbm>>) target(%dma_start3A_655 : memref<25x128xf32, #tpu.memory_space<vmem>>) target_semaphore(%dma_start3A_651 : memref<!tpu.dma_semaphore, #tpu.memory_space<semaphore_mem>>)
      } else {
      }
      %dma_wait3A_453 = arith.constant 0 : i32
      %dma_wait3A_454 = arith.constant 1 : i32
      %dma_wait3A_455 = arith.constant 1 : i32
      %dma_wait3A_456 = arith.constant 0 : i32
      %dma_wait3A_457 = arith.constant 0 : i32
      %dma_wait3A_458 = tpu.memref_slice %arg8[%dma_wait3A_454, %dma_wait3A_456, %dma_wait3A_457] : memref<4x25x128xi32, #tpu.memory_space<vmem>> -> memref<1x25x128xi32, #tpu.memory_space<vmem>>
      %dma_wait3A_459 = tpu.memref_squeeze %dma_wait3A_458 : memref<1x25x128xi32, #tpu.memory_space<vmem>> -> memref<25x128xi32, #tpu.memory_space<vmem>>
      %dma_wait3A_460 = arith.constant 0 : i32
      %dma_wait3A_461 = arith.constant 0 : i32
      %dma_wait3A_462 = tpu.memref_slice %arg2[%dma_wait3A_460, %dma_wait3A_453, %dma_wait3A_461] : memref<25000x2x128xi32, #tpu.memory_space<hbm>> -> memref<25x1x128xi32, #tpu.memory_space<hbm>>
      %dma_wait3A_463 = tpu.memref_squeeze %dma_wait3A_462 : memref<25x1x128xi32, #tpu.memory_space<hbm>> -> memref<25x128xi32, #tpu.memory_space<hbm>>
      %dma_wait3A_464 = tpu.memref_slice %arg10[%dma_wait3A_455] : memref<4x!tpu.dma_semaphore, #tpu.memory_space<semaphore_mem>> -> memref<1x!tpu.dma_semaphore, #tpu.memory_space<semaphore_mem>>
      %dma_wait3A_465 = tpu.memref_squeeze %dma_wait3A_464 : memref<1x!tpu.dma_semaphore, #tpu.memory_space<semaphore_mem>> -> memref<!tpu.dma_semaphore, #tpu.memory_space<semaphore_mem>>
      %dma_wait3A_466 = arith.constant 0 : i32
      %dma_wait3A_467 = arith.constant 0 : i32
      %dma_wait3A_468 = tpu.memref_slice %arg8[%dma_wait3A_454, %dma_wait3A_466, %dma_wait3A_467] : memref<4x25x128xi32, #tpu.memory_space<vmem>> -> memref<1x25x128xi32, #tpu.memory_space<vmem>>
      %dma_wait3A_469 = tpu.memref_squeeze %dma_wait3A_468 : memref<1x25x128xi32, #tpu.memory_space<vmem>> -> memref<25x128xi32, #tpu.memory_space<vmem>>
      %dma_wait3A_470 = arith.constant 0 : i32
      %dma_wait3A_471 = arith.constant 0 : i32
      %dma_wait3A_472 = tpu.memref_slice %arg2[%dma_wait3A_470, %dma_wait3A_453, %dma_wait3A_471] : memref<25000x2x128xi32, #tpu.memory_space<hbm>> -> memref<25x1x128xi32, #tpu.memory_space<hbm>>
      %dma_wait3A_473 = tpu.memref_squeeze %dma_wait3A_472 : memref<25x1x128xi32, #tpu.memory_space<hbm>> -> memref<25x128xi32, #tpu.memory_space<hbm>>
      tpu.wait_dma2 semaphore(%dma_wait3A_465 : memref<!tpu.dma_semaphore, #tpu.memory_space<semaphore_mem>>) src(%dma_wait3A_473 : memref<25x128xi32, #tpu.memory_space<hbm>>) dst(%dma_wait3A_469 : memref<25x128xi32, #tpu.memory_space<vmem>>)
      %dma_wait3A_474 = arith.constant 0 : i32
      %dma_wait3A_475 = arith.constant 0 : i32
      %dma_wait3A_476 = arith.constant 1 : i32
      %dma_wait3A_477 = arith.constant 1 : i32
      %dma_wait3A_478 = arith.constant 0 : i32
      %dma_wait3A_479 = arith.constant 0 : i32
      %dma_wait3A_480 = tpu.memref_slice %arg9[%dma_wait3A_476, %dma_wait3A_478, %dma_wait3A_479] : memref<4x25x128xf32, #tpu.memory_space<vmem>> -> memref<1x25x128xf32, #tpu.memory_space<vmem>>
      %dma_wait3A_481 = tpu.memref_squeeze %dma_wait3A_480 : memref<1x25x128xf32, #tpu.memory_space<vmem>> -> memref<25x128xf32, #tpu.memory_space<vmem>>
      %dma_wait3A_482 = arith.constant 0 : i32
      %dma_wait3A_483 = arith.constant 0 : i32
      %dma_wait3A_484 = tpu.memref_slice %arg3[%dma_wait3A_474, %dma_wait3A_482, %dma_wait3A_475, %dma_wait3A_483] : memref<2x25000x8x128xf32, #tpu.memory_space<hbm>> -> memref<1x25x1x128xf32, #tpu.memory_space<hbm>>
      %dma_wait3A_485 = tpu.memref_squeeze %dma_wait3A_484 : memref<1x25x1x128xf32, #tpu.memory_space<hbm>> -> memref<25x128xf32, #tpu.memory_space<hbm>>
      %dma_wait3A_486 = tpu.memref_slice %arg10[%dma_wait3A_477] : memref<4x!tpu.dma_semaphore, #tpu.memory_space<semaphore_mem>> -> memref<1x!tpu.dma_semaphore, #tpu.memory_space<semaphore_mem>>
      %dma_wait3A_487 = tpu.memref_squeeze %dma_wait3A_486 : memref<1x!tpu.dma_semaphore, #tpu.memory_space<semaphore_mem>> -> memref<!tpu.dma_semaphore, #tpu.memory_space<semaphore_mem>>
      %dma_wait3A_488 = arith.constant 0 : i32
      %dma_wait3A_489 = arith.constant 0 : i32
      %dma_wait3A_490 = tpu.memref_slice %arg9[%dma_wait3A_476, %dma_wait3A_488, %dma_wait3A_489] : memref<4x25x128xf32, #tpu.memory_space<vmem>> -> memref<1x25x128xf32, #tpu.memory_space<vmem>>
      %dma_wait3A_491 = tpu.memref_squeeze %dma_wait3A_490 : memref<1x25x128xf32, #tpu.memory_space<vmem>> -> memref<25x128xf32, #tpu.memory_space<vmem>>
      %dma_wait3A_492 = arith.constant 0 : i32
      %dma_wait3A_493 = arith.constant 0 : i32
      %dma_wait3A_494 = tpu.memref_slice %arg3[%dma_wait3A_474, %dma_wait3A_492, %dma_wait3A_475, %dma_wait3A_493] : memref<2x25000x8x128xf32, #tpu.memory_space<hbm>> -> memref<1x25x1x128xf32, #tpu.memory_space<hbm>>
      %dma_wait3A_495 = tpu.memref_squeeze %dma_wait3A_494 : memref<1x25x1x128xf32, #tpu.memory_space<hbm>> -> memref<25x128xf32, #tpu.memory_space<hbm>>
      tpu.wait_dma2 semaphore(%dma_wait3A_487 : memref<!tpu.dma_semaphore, #tpu.memory_space<semaphore_mem>>) src(%dma_wait3A_495 : memref<25x128xf32, #tpu.memory_space<hbm>>) dst(%dma_wait3A_491 : memref<25x128xf32, #tpu.memory_space<vmem>>)
      %parallel_loop3A_496 = arith.constant 0 : i32
      %parallel_loop3A_497 = arith.constant 200 : i32
      %parallel_loop3A_498 = arith.constant 1 : i32
      scf.for %parallel_loop3A_606 = %parallel_loop3A_496 to %parallel_loop3A_497 step %parallel_loop3A_498  : i32 {
        %parallel_loop3A_607 = arith.constant 3 : i32
        %parallel_loop3A_608 = arith.shrsi %parallel_loop3A_606, %parallel_loop3A_607 : i32
        %parallel_loop3A_609 = arith.constant 7 : i32
        %parallel_loop3A_610 = arith.andi %parallel_loop3A_606, %parallel_loop3A_609 : i32
        %parallel_loop3A_611 = arith.constant 16 : i32
        %parallel_loop3A_612 = arith.muli %parallel_loop3A_610, %parallel_loop3A_611 : i32
        %parallel_loop3A_613 = arith.constant 1 : i32
        %parallel_loop3A_614 = arith.index_cast %parallel_loop3A_613 : i32 to index
        %parallel_loop3A_615 = arith.index_cast %parallel_loop3A_608 : i32 to index
        %parallel_loop3A_616 = arith.index_cast %parallel_loop3A_612 : i32 to index
        %parallel_loop3A_617 = tpu.vector_load %arg8[%parallel_loop3A_614, %parallel_loop3A_615, %parallel_loop3A_616] {strides = array<i32>} : memref<4x25x128xi32, #tpu.memory_space<vmem>>, vector<16xi32>,
        %parallel_loop3A_618 = arith.constant 3 : i32
        %parallel_loop3A_619 = arith.shrsi %parallel_loop3A_606, %parallel_loop3A_618 : i32
        %parallel_loop3A_620 = arith.constant 7 : i32
        %parallel_loop3A_621 = arith.andi %parallel_loop3A_606, %parallel_loop3A_620 : i32
        %parallel_loop3A_622 = arith.constant 16 : i32
        %parallel_loop3A_623 = arith.muli %parallel_loop3A_621, %parallel_loop3A_622 : i32
        %parallel_loop3A_624 = arith.constant 1 : i32
        %parallel_loop3A_625 = arith.index_cast %parallel_loop3A_624 : i32 to index
        %parallel_loop3A_626 = arith.index_cast %parallel_loop3A_619 : i32 to index
        %parallel_loop3A_627 = arith.index_cast %parallel_loop3A_623 : i32 to index
        %parallel_loop3A_628 = tpu.vector_load %arg9[%parallel_loop3A_625, %parallel_loop3A_626, %parallel_loop3A_627] {strides = array<i32>} : memref<4x25x128xf32, #tpu.memory_space<vmem>>, vector<16xf32>,
        tpu.vector_store_idx %arg7[%parallel_loop3A_617], %parallel_loop3A_628 {add = true} : memref<100000xf32, #tpu.memory_space<vmem>>[vector<16xi32>], vector<16xf32>,
      } {sc.loop_unroll_factor = 8 : i64, sc.parallel_access}
      %lt3A_499 = arith.constant 124 : i32
      %lt3A_500 = arith.cmpi slt, %scan3A_405, %lt3A_499 : i32
      %convert_element_type3A_501 = arith.extui %lt3A_500 : i1 to i32
      %cond3A_502 = arith.constant 0 : i32
      %cond3A_503 = arith.cmpi ne, %convert_element_type3A_501, %cond3A_502 : i32
      scf.if %cond3A_503 {
        %add3A_606 = arith.constant 1 : i32
        %add3A_607 = arith.addi %scan3A_405, %add3A_606 : i32
        %mul3A_608 = arith.constant 4 : i32
        %mul3A_609 = arith.muli %add3A_607, %mul3A_608 : i32
        %add3A_610 = arith.constant 1 : i32
        %add3A_611 = arith.addi %mul3A_609, %add3A_610 : i32
        %mul3A_612 = arith.constant 12500 : i32
        %mul3A_613 = arith.muli %arg0, %mul3A_612 : i32
        %mul3A_614 = arith.constant 25 : i32
        %mul3A_615 = arith.muli %add3A_611, %mul3A_614 : i32
        %add3A_616 = arith.addi %mul3A_613, %mul3A_615 : i32
        %dma_start3A_617 = arith.constant 0 : i32
        %dma_start3A_618 = arith.constant 1 : i32
        %dma_start3A_619 = arith.constant 1 : i32
        %dma_start3A_620 = arith.constant 0 : i32
        %dma_start3A_621 = arith.constant 0 : i32
        %dma_start3A_622 = tpu.memref_slice %arg8[%dma_start3A_618, %dma_start3A_620, %dma_start3A_621] : memref<4x25x128xi32, #tpu.memory_space<vmem>> -> memref<1x25x128xi32, #tpu.memory_space<vmem>>
        %dma_start3A_623 = tpu.memref_squeeze %dma_start3A_622 : memref<1x25x128xi32, #tpu.memory_space<vmem>> -> memref<25x128xi32, #tpu.memory_space<vmem>>
        %dma_start3A_624 = arith.constant 0 : i32
        %dma_start3A_625 = tpu.memref_slice %arg2[%add3A_616, %dma_start3A_617, %dma_start3A_624] : memref<25000x2x128xi32, #tpu.memory_space<hbm>> -> memref<25x1x128xi32, #tpu.memory_space<hbm>>
        %dma_start3A_626 = tpu.memref_squeeze %dma_start3A_625 : memref<25x1x128xi32, #tpu.memory_space<hbm>> -> memref<25x128xi32, #tpu.memory_space<hbm>>
        %dma_start3A_627 = tpu.memref_slice %arg10[%dma_start3A_619] : memref<4x!tpu.dma_semaphore, #tpu.memory_space<semaphore_mem>> -> memref<1x!tpu.dma_semaphore, #tpu.memory_space<semaphore_mem>>
        %dma_start3A_628 = tpu.memref_squeeze %dma_start3A_627 : memref<1x!tpu.dma_semaphore, #tpu.memory_space<semaphore_mem>> -> memref<!tpu.dma_semaphore, #tpu.memory_space<semaphore_mem>>
        %dma_start3A_629 = arith.constant 0 : i32
        %dma_start3A_630 = arith.constant 0 : i32
        %dma_start3A_631 = tpu.memref_slice %arg8[%dma_start3A_618, %dma_start3A_629, %dma_start3A_630] : memref<4x25x128xi32, #tpu.memory_space<vmem>> -> memref<1x25x128xi32, #tpu.memory_space<vmem>>
        %dma_start3A_632 = tpu.memref_squeeze %dma_start3A_631 : memref<1x25x128xi32, #tpu.memory_space<vmem>> -> memref<25x128xi32, #tpu.memory_space<vmem>>
        %dma_start3A_633 = arith.constant 0 : i32
        %dma_start3A_634 = tpu.memref_slice %arg2[%add3A_616, %dma_start3A_617, %dma_start3A_633] : memref<25000x2x128xi32, #tpu.memory_space<hbm>> -> memref<25x1x128xi32, #tpu.memory_space<hbm>>
        %dma_start3A_635 = tpu.memref_squeeze %dma_start3A_634 : memref<25x1x128xi32, #tpu.memory_space<hbm>> -> memref<25x128xi32, #tpu.memory_space<hbm>>
        tpu.enqueue_dma source(%dma_start3A_635 : memref<25x128xi32, #tpu.memory_space<hbm>>) target(%dma_start3A_632 : memref<25x128xi32, #tpu.memory_space<vmem>>) target_semaphore(%dma_start3A_628 : memref<!tpu.dma_semaphore, #tpu.memory_space<semaphore_mem>>)
        %mul3A_636 = arith.constant 12500 : i32
        %mul3A_637 = arith.muli %arg0, %mul3A_636 : i32
        %mul3A_638 = arith.constant 25 : i32
        %mul3A_639 = arith.muli %add3A_611, %mul3A_638 : i32
        %add3A_640 = arith.addi %mul3A_637, %mul3A_639 : i32
        %dma_start3A_641 = arith.constant 1 : i32
        %dma_start3A_642 = arith.constant 1 : i32
        %dma_start3A_643 = arith.constant 0 : i32
        %dma_start3A_644 = arith.constant 0 : i32
        %dma_start3A_645 = tpu.memref_slice %arg9[%dma_start3A_641, %dma_start3A_643, %dma_start3A_644] : memref<4x25x128xf32, #tpu.memory_space<vmem>> -> memref<1x25x128xf32, #tpu.memory_space<vmem>>
        %dma_start3A_646 = tpu.memref_squeeze %dma_start3A_645 : memref<1x25x128xf32, #tpu.memory_space<vmem>> -> memref<25x128xf32, #tpu.memory_space<vmem>>
        %dma_start3A_647 = arith.constant 0 : i32
        %dma_start3A_648 = tpu.memref_slice %arg3[%select_n3A, %add3A_640, %select_n3A_28, %dma_start3A_647] : memref<2x25000x8x128xf32, #tpu.memory_space<hbm>> -> memref<1x25x1x128xf32, #tpu.memory_space<hbm>>
        %dma_start3A_649 = tpu.memref_squeeze %dma_start3A_648 : memref<1x25x1x128xf32, #tpu.memory_space<hbm>> -> memref<25x128xf32, #tpu.memory_space<hbm>>
        %dma_start3A_650 = tpu.memref_slice %arg10[%dma_start3A_642] : memref<4x!tpu.dma_semaphore, #tpu.memory_space<semaphore_mem>> -> memref<1x!tpu.dma_semaphore, #tpu.memory_space<semaphore_mem>>
        %dma_start3A_651 = tpu.memref_squeeze %dma_start3A_650 : memref<1x!tpu.dma_semaphore, #tpu.memory_space<semaphore_mem>> -> memref<!tpu.dma_semaphore, #tpu.memory_space<semaphore_mem>>
        %dma_start3A_652 = arith.constant 0 : i32
        %dma_start3A_653 = arith.constant 0 : i32
        %dma_start3A_654 = tpu.memref_slice %arg9[%dma_start3A_641, %dma_start3A_652, %dma_start3A_653] : memref<4x25x128xf32, #tpu.memory_space<vmem>> -> memref<1x25x128xf32, #tpu.memory_space<vmem>>
        %dma_start3A_655 = tpu.memref_squeeze %dma_start3A_654 : memref<1x25x128xf32, #tpu.memory_space<vmem>> -> memref<25x128xf32, #tpu.memory_space<vmem>>
        %dma_start3A_656 = arith.constant 0 : i32
        %dma_start3A_657 = tpu.memref_slice %arg3[%select_n3A, %add3A_640, %select_n3A_28, %dma_start3A_656] : memref<2x25000x8x128xf32, #tpu.memory_space<hbm>> -> memref<1x25x1x128xf32, #tpu.memory_space<hbm>>
        %dma_start3A_658 = tpu.memref_squeeze %dma_start3A_657 : memref<1x25x1x128xf32, #tpu.memory_space<hbm>> -> memref<25x128xf32, #tpu.memory_space<hbm>>
        tpu.enqueue_dma source(%dma_start3A_658 : memref<25x128xf32, #tpu.memory_space<hbm>>) target(%dma_start3A_655 : memref<25x128xf32, #tpu.memory_space<vmem>>) target_semaphore(%dma_start3A_651 : memref<!tpu.dma_semaphore, #tpu.memory_space<semaphore_mem>>)
      } else {
      }
      %dma_wait3A_504 = arith.constant 0 : i32
      %dma_wait3A_505 = arith.constant 2 : i32
      %dma_wait3A_506 = arith.constant 2 : i32
      %dma_wait3A_507 = arith.constant 0 : i32
      %dma_wait3A_508 = arith.constant 0 : i32
      %dma_wait3A_509 = tpu.memref_slice %arg8[%dma_wait3A_505, %dma_wait3A_507, %dma_wait3A_508] : memref<4x25x128xi32, #tpu.memory_space<vmem>> -> memref<1x25x128xi32, #tpu.memory_space<vmem>>
      %dma_wait3A_510 = tpu.memref_squeeze %dma_wait3A_509 : memref<1x25x128xi32, #tpu.memory_space<vmem>> -> memref<25x128xi32, #tpu.memory_space<vmem>>
      %dma_wait3A_511 = arith.constant 0 : i32
      %dma_wait3A_512 = arith.constant 0 : i32
      %dma_wait3A_513 = tpu.memref_slice %arg2[%dma_wait3A_511, %dma_wait3A_504, %dma_wait3A_512] : memref<25000x2x128xi32, #tpu.memory_space<hbm>> -> memref<25x1x128xi32, #tpu.memory_space<hbm>>
      %dma_wait3A_514 = tpu.memref_squeeze %dma_wait3A_513 : memref<25x1x128xi32, #tpu.memory_space<hbm>> -> memref<25x128xi32, #tpu.memory_space<hbm>>
      %dma_wait3A_515 = tpu.memref_slice %arg10[%dma_wait3A_506] : memref<4x!tpu.dma_semaphore, #tpu.memory_space<semaphore_mem>> -> memref<1x!tpu.dma_semaphore, #tpu.memory_space<semaphore_mem>>
      %dma_wait3A_516 = tpu.memref_squeeze %dma_wait3A_515 : memref<1x!tpu.dma_semaphore, #tpu.memory_space<semaphore_mem>> -> memref<!tpu.dma_semaphore, #tpu.memory_space<semaphore_mem>>
      %dma_wait3A_517 = arith.constant 0 : i32
      %dma_wait3A_518 = arith.constant 0 : i32
      %dma_wait3A_519 = tpu.memref_slice %arg8[%dma_wait3A_505, %dma_wait3A_517, %dma_wait3A_518] : memref<4x25x128xi32, #tpu.memory_space<vmem>> -> memref<1x25x128xi32, #tpu.memory_space<vmem>>
      %dma_wait3A_520 = tpu.memref_squeeze %dma_wait3A_519 : memref<1x25x128xi32, #tpu.memory_space<vmem>> -> memref<25x128xi32, #tpu.memory_space<vmem>>
      %dma_wait3A_521 = arith.constant 0 : i32
      %dma_wait3A_522 = arith.constant 0 : i32
      %dma_wait3A_523 = tpu.memref_slice %arg2[%dma_wait3A_521, %dma_wait3A_504, %dma_wait3A_522] : memref<25000x2x128xi32, #tpu.memory_space<hbm>> -> memref<25x1x128xi32, #tpu.memory_space<hbm>>
      %dma_wait3A_524 = tpu.memref_squeeze %dma_wait3A_523 : memref<25x1x128xi32, #tpu.memory_space<hbm>> -> memref<25x128xi32, #tpu.memory_space<hbm>>
      tpu.wait_dma2 semaphore(%dma_wait3A_516 : memref<!tpu.dma_semaphore, #tpu.memory_space<semaphore_mem>>) src(%dma_wait3A_524 : memref<25x128xi32, #tpu.memory_space<hbm>>) dst(%dma_wait3A_520 : memref<25x128xi32, #tpu.memory_space<vmem>>)
      %dma_wait3A_525 = arith.constant 0 : i32
      %dma_wait3A_526 = arith.constant 0 : i32
      %dma_wait3A_527 = arith.constant 2 : i32
      %dma_wait3A_528 = arith.constant 2 : i32
      %dma_wait3A_529 = arith.constant 0 : i32
      %dma_wait3A_530 = arith.constant 0 : i32
      %dma_wait3A_531 = tpu.memref_slice %arg9[%dma_wait3A_527, %dma_wait3A_529, %dma_wait3A_530] : memref<4x25x128xf32, #tpu.memory_space<vmem>> -> memref<1x25x128xf32, #tpu.memory_space<vmem>>
      %dma_wait3A_532 = tpu.memref_squeeze %dma_wait3A_531 : memref<1x25x128xf32, #tpu.memory_space<vmem>> -> memref<25x128xf32, #tpu.memory_space<vmem>>
      %dma_wait3A_533 = arith.constant 0 : i32
      %dma_wait3A_534 = arith.constant 0 : i32
      %dma_wait3A_535 = tpu.memref_slice %arg3[%dma_wait3A_525, %dma_wait3A_533, %dma_wait3A_526, %dma_wait3A_534] : memref<2x25000x8x128xf32, #tpu.memory_space<hbm>> -> memref<1x25x1x128xf32, #tpu.memory_space<hbm>>
      %dma_wait3A_536 = tpu.memref_squeeze %dma_wait3A_535 : memref<1x25x1x128xf32, #tpu.memory_space<hbm>> -> memref<25x128xf32, #tpu.memory_space<hbm>>
      %dma_wait3A_537 = tpu.memref_slice %arg10[%dma_wait3A_528] : memref<4x!tpu.dma_semaphore, #tpu.memory_space<semaphore_mem>> -> memref<1x!tpu.dma_semaphore, #tpu.memory_space<semaphore_mem>>
      %dma_wait3A_538 = tpu.memref_squeeze %dma_wait3A_537 : memref<1x!tpu.dma_semaphore, #tpu.memory_space<semaphore_mem>> -> memref<!tpu.dma_semaphore, #tpu.memory_space<semaphore_mem>>
      %dma_wait3A_539 = arith.constant 0 : i32
      %dma_wait3A_540 = arith.constant 0 : i32
      %dma_wait3A_541 = tpu.memref_slice %arg9[%dma_wait3A_527, %dma_wait3A_539, %dma_wait3A_540] : memref<4x25x128xf32, #tpu.memory_space<vmem>> -> memref<1x25x128xf32, #tpu.memory_space<vmem>>
      %dma_wait3A_542 = tpu.memref_squeeze %dma_wait3A_541 : memref<1x25x128xf32, #tpu.memory_space<vmem>> -> memref<25x128xf32, #tpu.memory_space<vmem>>
      %dma_wait3A_543 = arith.constant 0 : i32
      %dma_wait3A_544 = arith.constant 0 : i32
      %dma_wait3A_545 = tpu.memref_slice %arg3[%dma_wait3A_525, %dma_wait3A_543, %dma_wait3A_526, %dma_wait3A_544] : memref<2x25000x8x128xf32, #tpu.memory_space<hbm>> -> memref<1x25x1x128xf32, #tpu.memory_space<hbm>>
      %dma_wait3A_546 = tpu.memref_squeeze %dma_wait3A_545 : memref<1x25x1x128xf32, #tpu.memory_space<hbm>> -> memref<25x128xf32, #tpu.memory_space<hbm>>
      tpu.wait_dma2 semaphore(%dma_wait3A_538 : memref<!tpu.dma_semaphore, #tpu.memory_space<semaphore_mem>>) src(%dma_wait3A_546 : memref<25x128xf32, #tpu.memory_space<hbm>>) dst(%dma_wait3A_542 : memref<25x128xf32, #tpu.memory_space<vmem>>)
      %parallel_loop3A_547 = arith.constant 0 : i32
      %parallel_loop3A_548 = arith.constant 200 : i32
      %parallel_loop3A_549 = arith.constant 1 : i32
      scf.for %parallel_loop3A_606 = %parallel_loop3A_547 to %parallel_loop3A_548 step %parallel_loop3A_549  : i32 {
        %parallel_loop3A_607 = arith.constant 3 : i32
        %parallel_loop3A_608 = arith.shrsi %parallel_loop3A_606, %parallel_loop3A_607 : i32
        %parallel_loop3A_609 = arith.constant 7 : i32
        %parallel_loop3A_610 = arith.andi %parallel_loop3A_606, %parallel_loop3A_609 : i32
        %parallel_loop3A_611 = arith.constant 16 : i32
        %parallel_loop3A_612 = arith.muli %parallel_loop3A_610, %parallel_loop3A_611 : i32
        %parallel_loop3A_613 = arith.constant 2 : i32
        %parallel_loop3A_614 = arith.index_cast %parallel_loop3A_613 : i32 to index
        %parallel_loop3A_615 = arith.index_cast %parallel_loop3A_608 : i32 to index
        %parallel_loop3A_616 = arith.index_cast %parallel_loop3A_612 : i32 to index
        %parallel_loop3A_617 = tpu.vector_load %arg8[%parallel_loop3A_614, %parallel_loop3A_615, %parallel_loop3A_616] {strides = array<i32>} : memref<4x25x128xi32, #tpu.memory_space<vmem>>, vector<16xi32>,
        %parallel_loop3A_618 = arith.constant 3 : i32
        %parallel_loop3A_619 = arith.shrsi %parallel_loop3A_606, %parallel_loop3A_618 : i32
        %parallel_loop3A_620 = arith.constant 7 : i32
        %parallel_loop3A_621 = arith.andi %parallel_loop3A_606, %parallel_loop3A_620 : i32
        %parallel_loop3A_622 = arith.constant 16 : i32
        %parallel_loop3A_623 = arith.muli %parallel_loop3A_621, %parallel_loop3A_622 : i32
        %parallel_loop3A_624 = arith.constant 2 : i32
        %parallel_loop3A_625 = arith.index_cast %parallel_loop3A_624 : i32 to index
        %parallel_loop3A_626 = arith.index_cast %parallel_loop3A_619 : i32 to index
        %parallel_loop3A_627 = arith.index_cast %parallel_loop3A_623 : i32 to index
        %parallel_loop3A_628 = tpu.vector_load %arg9[%parallel_loop3A_625, %parallel_loop3A_626, %parallel_loop3A_627] {strides = array<i32>} : memref<4x25x128xf32, #tpu.memory_space<vmem>>, vector<16xf32>,
        tpu.vector_store_idx %arg7[%parallel_loop3A_617], %parallel_loop3A_628 {add = true} : memref<100000xf32, #tpu.memory_space<vmem>>[vector<16xi32>], vector<16xf32>,
      } {sc.loop_unroll_factor = 8 : i64, sc.parallel_access}
      %lt3A_550 = arith.constant 124 : i32
      %lt3A_551 = arith.cmpi slt, %scan3A_405, %lt3A_550 : i32
      %convert_element_type3A_552 = arith.extui %lt3A_551 : i1 to i32
      %cond3A_553 = arith.constant 0 : i32
      %cond3A_554 = arith.cmpi ne, %convert_element_type3A_552, %cond3A_553 : i32
      scf.if %cond3A_554 {
        %add3A_606 = arith.constant 1 : i32
        %add3A_607 = arith.addi %scan3A_405, %add3A_606 : i32
        %mul3A_608 = arith.constant 4 : i32
        %mul3A_609 = arith.muli %add3A_607, %mul3A_608 : i32
        %add3A_610 = arith.constant 2 : i32
        %add3A_611 = arith.addi %mul3A_609, %add3A_610 : i32
        %mul3A_612 = arith.constant 12500 : i32
        %mul3A_613 = arith.muli %arg0, %mul3A_612 : i32
        %mul3A_614 = arith.constant 25 : i32
        %mul3A_615 = arith.muli %add3A_611, %mul3A_614 : i32
        %add3A_616 = arith.addi %mul3A_613, %mul3A_615 : i32
        %dma_start3A_617 = arith.constant 0 : i32
        %dma_start3A_618 = arith.constant 2 : i32
        %dma_start3A_619 = arith.constant 2 : i32
        %dma_start3A_620 = arith.constant 0 : i32
        %dma_start3A_621 = arith.constant 0 : i32
        %dma_start3A_622 = tpu.memref_slice %arg8[%dma_start3A_618, %dma_start3A_620, %dma_start3A_621] : memref<4x25x128xi32, #tpu.memory_space<vmem>> -> memref<1x25x128xi32, #tpu.memory_space<vmem>>
        %dma_start3A_623 = tpu.memref_squeeze %dma_start3A_622 : memref<1x25x128xi32, #tpu.memory_space<vmem>> -> memref<25x128xi32, #tpu.memory_space<vmem>>
        %dma_start3A_624 = arith.constant 0 : i32
        %dma_start3A_625 = tpu.memref_slice %arg2[%add3A_616, %dma_start3A_617, %dma_start3A_624] : memref<25000x2x128xi32, #tpu.memory_space<hbm>> -> memref<25x1x128xi32, #tpu.memory_space<hbm>>
        %dma_start3A_626 = tpu.memref_squeeze %dma_start3A_625 : memref<25x1x128xi32, #tpu.memory_space<hbm>> -> memref<25x128xi32, #tpu.memory_space<hbm>>
        %dma_start3A_627 = tpu.memref_slice %arg10[%dma_start3A_619] : memref<4x!tpu.dma_semaphore, #tpu.memory_space<semaphore_mem>> -> memref<1x!tpu.dma_semaphore, #tpu.memory_space<semaphore_mem>>
        %dma_start3A_628 = tpu.memref_squeeze %dma_start3A_627 : memref<1x!tpu.dma_semaphore, #tpu.memory_space<semaphore_mem>> -> memref<!tpu.dma_semaphore, #tpu.memory_space<semaphore_mem>>
        %dma_start3A_629 = arith.constant 0 : i32
        %dma_start3A_630 = arith.constant 0 : i32
        %dma_start3A_631 = tpu.memref_slice %arg8[%dma_start3A_618, %dma_start3A_629, %dma_start3A_630] : memref<4x25x128xi32, #tpu.memory_space<vmem>> -> memref<1x25x128xi32, #tpu.memory_space<vmem>>
        %dma_start3A_632 = tpu.memref_squeeze %dma_start3A_631 : memref<1x25x128xi32, #tpu.memory_space<vmem>> -> memref<25x128xi32, #tpu.memory_space<vmem>>
        %dma_start3A_633 = arith.constant 0 : i32
        %dma_start3A_634 = tpu.memref_slice %arg2[%add3A_616, %dma_start3A_617, %dma_start3A_633] : memref<25000x2x128xi32, #tpu.memory_space<hbm>> -> memref<25x1x128xi32, #tpu.memory_space<hbm>>
        %dma_start3A_635 = tpu.memref_squeeze %dma_start3A_634 : memref<25x1x128xi32, #tpu.memory_space<hbm>> -> memref<25x128xi32, #tpu.memory_space<hbm>>
        tpu.enqueue_dma source(%dma_start3A_635 : memref<25x128xi32, #tpu.memory_space<hbm>>) target(%dma_start3A_632 : memref<25x128xi32, #tpu.memory_space<vmem>>) target_semaphore(%dma_start3A_628 : memref<!tpu.dma_semaphore, #tpu.memory_space<semaphore_mem>>)
        %mul3A_636 = arith.constant 12500 : i32
        %mul3A_637 = arith.muli %arg0, %mul3A_636 : i32
        %mul3A_638 = arith.constant 25 : i32
        %mul3A_639 = arith.muli %add3A_611, %mul3A_638 : i32
        %add3A_640 = arith.addi %mul3A_637, %mul3A_639 : i32
        %dma_start3A_641 = arith.constant 2 : i32
        %dma_start3A_642 = arith.constant 2 : i32
        %dma_start3A_643 = arith.constant 0 : i32
        %dma_start3A_644 = arith.constant 0 : i32
        %dma_start3A_645 = tpu.memref_slice %arg9[%dma_start3A_641, %dma_start3A_643, %dma_start3A_644] : memref<4x25x128xf32, #tpu.memory_space<vmem>> -> memref<1x25x128xf32, #tpu.memory_space<vmem>>
        %dma_start3A_646 = tpu.memref_squeeze %dma_start3A_645 : memref<1x25x128xf32, #tpu.memory_space<vmem>> -> memref<25x128xf32, #tpu.memory_space<vmem>>
        %dma_start3A_647 = arith.constant 0 : i32
        %dma_start3A_648 = tpu.memref_slice %arg3[%select_n3A, %add3A_640, %select_n3A_28, %dma_start3A_647] : memref<2x25000x8x128xf32, #tpu.memory_space<hbm>> -> memref<1x25x1x128xf32, #tpu.memory_space<hbm>>
        %dma_start3A_649 = tpu.memref_squeeze %dma_start3A_648 : memref<1x25x1x128xf32, #tpu.memory_space<hbm>> -> memref<25x128xf32, #tpu.memory_space<hbm>>
        %dma_start3A_650 = tpu.memref_slice %arg10[%dma_start3A_642] : memref<4x!tpu.dma_semaphore, #tpu.memory_space<semaphore_mem>> -> memref<1x!tpu.dma_semaphore, #tpu.memory_space<semaphore_mem>>
        %dma_start3A_651 = tpu.memref_squeeze %dma_start3A_650 : memref<1x!tpu.dma_semaphore, #tpu.memory_space<semaphore_mem>> -> memref<!tpu.dma_semaphore, #tpu.memory_space<semaphore_mem>>
        %dma_start3A_652 = arith.constant 0 : i32
        %dma_start3A_653 = arith.constant 0 : i32
        %dma_start3A_654 = tpu.memref_slice %arg9[%dma_start3A_641, %dma_start3A_652, %dma_start3A_653] : memref<4x25x128xf32, #tpu.memory_space<vmem>> -> memref<1x25x128xf32, #tpu.memory_space<vmem>>
        %dma_start3A_655 = tpu.memref_squeeze %dma_start3A_654 : memref<1x25x128xf32, #tpu.memory_space<vmem>> -> memref<25x128xf32, #tpu.memory_space<vmem>>
        %dma_start3A_656 = arith.constant 0 : i32
        %dma_start3A_657 = tpu.memref_slice %arg3[%select_n3A, %add3A_640, %select_n3A_28, %dma_start3A_656] : memref<2x25000x8x128xf32, #tpu.memory_space<hbm>> -> memref<1x25x1x128xf32, #tpu.memory_space<hbm>>
        %dma_start3A_658 = tpu.memref_squeeze %dma_start3A_657 : memref<1x25x1x128xf32, #tpu.memory_space<hbm>> -> memref<25x128xf32, #tpu.memory_space<hbm>>
        tpu.enqueue_dma source(%dma_start3A_658 : memref<25x128xf32, #tpu.memory_space<hbm>>) target(%dma_start3A_655 : memref<25x128xf32, #tpu.memory_space<vmem>>) target_semaphore(%dma_start3A_651 : memref<!tpu.dma_semaphore, #tpu.memory_space<semaphore_mem>>)
      } else {
      }
      %dma_wait3A_555 = arith.constant 0 : i32
      %dma_wait3A_556 = arith.constant 3 : i32
      %dma_wait3A_557 = arith.constant 3 : i32
      %dma_wait3A_558 = arith.constant 0 : i32
      %dma_wait3A_559 = arith.constant 0 : i32
      %dma_wait3A_560 = tpu.memref_slice %arg8[%dma_wait3A_556, %dma_wait3A_558, %dma_wait3A_559] : memref<4x25x128xi32, #tpu.memory_space<vmem>> -> memref<1x25x128xi32, #tpu.memory_space<vmem>>
      %dma_wait3A_561 = tpu.memref_squeeze %dma_wait3A_560 : memref<1x25x128xi32, #tpu.memory_space<vmem>> -> memref<25x128xi32, #tpu.memory_space<vmem>>
      %dma_wait3A_562 = arith.constant 0 : i32
      %dma_wait3A_563 = arith.constant 0 : i32
      %dma_wait3A_564 = tpu.memref_slice %arg2[%dma_wait3A_562, %dma_wait3A_555, %dma_wait3A_563] : memref<25000x2x128xi32, #tpu.memory_space<hbm>> -> memref<25x1x128xi32, #tpu.memory_space<hbm>>
      %dma_wait3A_565 = tpu.memref_squeeze %dma_wait3A_564 : memref<25x1x128xi32, #tpu.memory_space<hbm>> -> memref<25x128xi32, #tpu.memory_space<hbm>>
      %dma_wait3A_566 = tpu.memref_slice %arg10[%dma_wait3A_557] : memref<4x!tpu.dma_semaphore, #tpu.memory_space<semaphore_mem>> -> memref<1x!tpu.dma_semaphore, #tpu.memory_space<semaphore_mem>>
      %dma_wait3A_567 = tpu.memref_squeeze %dma_wait3A_566 : memref<1x!tpu.dma_semaphore, #tpu.memory_space<semaphore_mem>> -> memref<!tpu.dma_semaphore, #tpu.memory_space<semaphore_mem>>
      %dma_wait3A_568 = arith.constant 0 : i32
      %dma_wait3A_569 = arith.constant 0 : i32
      %dma_wait3A_570 = tpu.memref_slice %arg8[%dma_wait3A_556, %dma_wait3A_568, %dma_wait3A_569] : memref<4x25x128xi32, #tpu.memory_space<vmem>> -> memref<1x25x128xi32, #tpu.memory_space<vmem>>
      %dma_wait3A_571 = tpu.memref_squeeze %dma_wait3A_570 : memref<1x25x128xi32, #tpu.memory_space<vmem>> -> memref<25x128xi32, #tpu.memory_space<vmem>>
      %dma_wait3A_572 = arith.constant 0 : i32
      %dma_wait3A_573 = arith.constant 0 : i32
      %dma_wait3A_574 = tpu.memref_slice %arg2[%dma_wait3A_572, %dma_wait3A_555, %dma_wait3A_573] : memref<25000x2x128xi32, #tpu.memory_space<hbm>> -> memref<25x1x128xi32, #tpu.memory_space<hbm>>
      %dma_wait3A_575 = tpu.memref_squeeze %dma_wait3A_574 : memref<25x1x128xi32, #tpu.memory_space<hbm>> -> memref<25x128xi32, #tpu.memory_space<hbm>>
      tpu.wait_dma2 semaphore(%dma_wait3A_567 : memref<!tpu.dma_semaphore, #tpu.memory_space<semaphore_mem>>) src(%dma_wait3A_575 : memref<25x128xi32, #tpu.memory_space<hbm>>) dst(%dma_wait3A_571 : memref<25x128xi32, #tpu.memory_space<vmem>>)
      %dma_wait3A_576 = arith.constant 0 : i32
      %dma_wait3A_577 = arith.constant 0 : i32
      %dma_wait3A_578 = arith.constant 3 : i32
      %dma_wait3A_579 = arith.constant 3 : i32
      %dma_wait3A_580 = arith.constant 0 : i32
      %dma_wait3A_581 = arith.constant 0 : i32
      %dma_wait3A_582 = tpu.memref_slice %arg9[%dma_wait3A_578, %dma_wait3A_580, %dma_wait3A_581] : memref<4x25x128xf32, #tpu.memory_space<vmem>> -> memref<1x25x128xf32, #tpu.memory_space<vmem>>
      %dma_wait3A_583 = tpu.memref_squeeze %dma_wait3A_582 : memref<1x25x128xf32, #tpu.memory_space<vmem>> -> memref<25x128xf32, #tpu.memory_space<vmem>>
      %dma_wait3A_584 = arith.constant 0 : i32
      %dma_wait3A_585 = arith.constant 0 : i32
      %dma_wait3A_586 = tpu.memref_slice %arg3[%dma_wait3A_576, %dma_wait3A_584, %dma_wait3A_577, %dma_wait3A_585] : memref<2x25000x8x128xf32, #tpu.memory_space<hbm>> -> memref<1x25x1x128xf32, #tpu.memory_space<hbm>>
      %dma_wait3A_587 = tpu.memref_squeeze %dma_wait3A_586 : memref<1x25x1x128xf32, #tpu.memory_space<hbm>> -> memref<25x128xf32, #tpu.memory_space<hbm>>
      %dma_wait3A_588 = tpu.memref_slice %arg10[%dma_wait3A_579] : memref<4x!tpu.dma_semaphore, #tpu.memory_space<semaphore_mem>> -> memref<1x!tpu.dma_semaphore, #tpu.memory_space<semaphore_mem>>
      %dma_wait3A_589 = tpu.memref_squeeze %dma_wait3A_588 : memref<1x!tpu.dma_semaphore, #tpu.memory_space<semaphore_mem>> -> memref<!tpu.dma_semaphore, #tpu.memory_space<semaphore_mem>>
      %dma_wait3A_590 = arith.constant 0 : i32
      %dma_wait3A_591 = arith.constant 0 : i32
      %dma_wait3A_592 = tpu.memref_slice %arg9[%dma_wait3A_578, %dma_wait3A_590, %dma_wait3A_591] : memref<4x25x128xf32, #tpu.memory_space<vmem>> -> memref<1x25x128xf32, #tpu.memory_space<vmem>>
      %dma_wait3A_593 = tpu.memref_squeeze %dma_wait3A_592 : memref<1x25x128xf32, #tpu.memory_space<vmem>> -> memref<25x128xf32, #tpu.memory_space<vmem>>
      %dma_wait3A_594 = arith.constant 0 : i32
      %dma_wait3A_595 = arith.constant 0 : i32
      %dma_wait3A_596 = tpu.memref_slice %arg3[%dma_wait3A_576, %dma_wait3A_594, %dma_wait3A_577, %dma_wait3A_595] : memref<2x25000x8x128xf32, #tpu.memory_space<hbm>> -> memref<1x25x1x128xf32, #tpu.memory_space<hbm>>
      %dma_wait3A_597 = tpu.memref_squeeze %dma_wait3A_596 : memref<1x25x1x128xf32, #tpu.memory_space<hbm>> -> memref<25x128xf32, #tpu.memory_space<hbm>>
      tpu.wait_dma2 semaphore(%dma_wait3A_589 : memref<!tpu.dma_semaphore, #tpu.memory_space<semaphore_mem>>) src(%dma_wait3A_597 : memref<25x128xf32, #tpu.memory_space<hbm>>) dst(%dma_wait3A_593 : memref<25x128xf32, #tpu.memory_space<vmem>>)
      %parallel_loop3A_598 = arith.constant 0 : i32
      %parallel_loop3A_599 = arith.constant 200 : i32
      %parallel_loop3A_600 = arith.constant 1 : i32
      scf.for %parallel_loop3A_606 = %parallel_loop3A_598 to %parallel_loop3A_599 step %parallel_loop3A_600  : i32 {
        %parallel_loop3A_607 = arith.constant 3 : i32
        %parallel_loop3A_608 = arith.shrsi %parallel_loop3A_606, %parallel_loop3A_607 : i32
        %parallel_loop3A_609 = arith.constant 7 : i32
        %parallel_loop3A_610 = arith.andi %parallel_loop3A_606, %parallel_loop3A_609 : i32
        %parallel_loop3A_611 = arith.constant 16 : i32
        %parallel_loop3A_612 = arith.muli %parallel_loop3A_610, %parallel_loop3A_611 : i32
        %parallel_loop3A_613 = arith.constant 3 : i32
        %parallel_loop3A_614 = arith.index_cast %parallel_loop3A_613 : i32 to index
        %parallel_loop3A_615 = arith.index_cast %parallel_loop3A_608 : i32 to index
        %parallel_loop3A_616 = arith.index_cast %parallel_loop3A_612 : i32 to index
        %parallel_loop3A_617 = tpu.vector_load %arg8[%parallel_loop3A_614, %parallel_loop3A_615, %parallel_loop3A_616] {strides = array<i32>} : memref<4x25x128xi32, #tpu.memory_space<vmem>>, vector<16xi32>,
        %parallel_loop3A_618 = arith.constant 3 : i32
        %parallel_loop3A_619 = arith.shrsi %parallel_loop3A_606, %parallel_loop3A_618 : i32
        %parallel_loop3A_620 = arith.constant 7 : i32
        %parallel_loop3A_621 = arith.andi %parallel_loop3A_606, %parallel_loop3A_620 : i32
        %parallel_loop3A_622 = arith.constant 16 : i32
        %parallel_loop3A_623 = arith.muli %parallel_loop3A_621, %parallel_loop3A_622 : i32
        %parallel_loop3A_624 = arith.constant 3 : i32
        %parallel_loop3A_625 = arith.index_cast %parallel_loop3A_624 : i32 to index
        %parallel_loop3A_626 = arith.index_cast %parallel_loop3A_619 : i32 to index
        %parallel_loop3A_627 = arith.index_cast %parallel_loop3A_623 : i32 to index
        %parallel_loop3A_628 = tpu.vector_load %arg9[%parallel_loop3A_625, %parallel_loop3A_626, %parallel_loop3A_627] {strides = array<i32>} : memref<4x25x128xf32, #tpu.memory_space<vmem>>, vector<16xf32>,
        tpu.vector_store_idx %arg7[%parallel_loop3A_617], %parallel_loop3A_628 {add = true} : memref<100000xf32, #tpu.memory_space<vmem>>[vector<16xi32>], vector<16xf32>,
      } {sc.loop_unroll_factor = 8 : i64, sc.parallel_access}
      %lt3A_601 = arith.constant 124 : i32
      %lt3A_602 = arith.cmpi slt, %scan3A_405, %lt3A_601 : i32
      %convert_element_type3A_603 = arith.extui %lt3A_602 : i1 to i32
      %cond3A_604 = arith.constant 0 : i32
      %cond3A_605 = arith.cmpi ne, %convert_element_type3A_603, %cond3A_604 : i32
      scf.if %cond3A_605 {
        %add3A_606 = arith.constant 1 : i32
        %add3A_607 = arith.addi %scan3A_405, %add3A_606 : i32
        %mul3A_608 = arith.constant 4 : i32
        %mul3A_609 = arith.muli %add3A_607, %mul3A_608 : i32
        %add3A_610 = arith.constant 3 : i32
        %add3A_611 = arith.addi %mul3A_609, %add3A_610 : i32
        %mul3A_612 = arith.constant 12500 : i32
        %mul3A_613 = arith.muli %arg0, %mul3A_612 : i32
        %mul3A_614 = arith.constant 25 : i32
        %mul3A_615 = arith.muli %add3A_611, %mul3A_614 : i32
        %add3A_616 = arith.addi %mul3A_613, %mul3A_615 : i32
        %dma_start3A_617 = arith.constant 0 : i32
        %dma_start3A_618 = arith.constant 3 : i32
        %dma_start3A_619 = arith.constant 3 : i32
        %dma_start3A_620 = arith.constant 0 : i32
        %dma_start3A_621 = arith.constant 0 : i32
        %dma_start3A_622 = tpu.memref_slice %arg8[%dma_start3A_618, %dma_start3A_620, %dma_start3A_621] : memref<4x25x128xi32, #tpu.memory_space<vmem>> -> memref<1x25x128xi32, #tpu.memory_space<vmem>>
        %dma_start3A_623 = tpu.memref_squeeze %dma_start3A_622 : memref<1x25x128xi32, #tpu.memory_space<vmem>> -> memref<25x128xi32, #tpu.memory_space<vmem>>
        %dma_start3A_624 = arith.constant 0 : i32
        %dma_start3A_625 = tpu.memref_slice %arg2[%add3A_616, %dma_start3A_617, %dma_start3A_624] : memref<25000x2x128xi32, #tpu.memory_space<hbm>> -> memref<25x1x128xi32, #tpu.memory_space<hbm>>
        %dma_start3A_626 = tpu.memref_squeeze %dma_start3A_625 : memref<25x1x128xi32, #tpu.memory_space<hbm>> -> memref<25x128xi32, #tpu.memory_space<hbm>>
        %dma_start3A_627 = tpu.memref_slice %arg10[%dma_start3A_619] : memref<4x!tpu.dma_semaphore, #tpu.memory_space<semaphore_mem>> -> memref<1x!tpu.dma_semaphore, #tpu.memory_space<semaphore_mem>>
        %dma_start3A_628 = tpu.memref_squeeze %dma_start3A_627 : memref<1x!tpu.dma_semaphore, #tpu.memory_space<semaphore_mem>> -> memref<!tpu.dma_semaphore, #tpu.memory_space<semaphore_mem>>
        %dma_start3A_629 = arith.constant 0 : i32
        %dma_start3A_630 = arith.constant 0 : i32
        %dma_start3A_631 = tpu.memref_slice %arg8[%dma_start3A_618, %dma_start3A_629, %dma_start3A_630] : memref<4x25x128xi32, #tpu.memory_space<vmem>> -> memref<1x25x128xi32, #tpu.memory_space<vmem>>
        %dma_start3A_632 = tpu.memref_squeeze %dma_start3A_631 : memref<1x25x128xi32, #tpu.memory_space<vmem>> -> memref<25x128xi32, #tpu.memory_space<vmem>>
        %dma_start3A_633 = arith.constant 0 : i32
        %dma_start3A_634 = tpu.memref_slice %arg2[%add3A_616, %dma_start3A_617, %dma_start3A_633] : memref<25000x2x128xi32, #tpu.memory_space<hbm>> -> memref<25x1x128xi32, #tpu.memory_space<hbm>>
        %dma_start3A_635 = tpu.memref_squeeze %dma_start3A_634 : memref<25x1x128xi32, #tpu.memory_space<hbm>> -> memref<25x128xi32, #tpu.memory_space<hbm>>
        tpu.enqueue_dma source(%dma_start3A_635 : memref<25x128xi32, #tpu.memory_space<hbm>>) target(%dma_start3A_632 : memref<25x128xi32, #tpu.memory_space<vmem>>) target_semaphore(%dma_start3A_628 : memref<!tpu.dma_semaphore, #tpu.memory_space<semaphore_mem>>)
        %mul3A_636 = arith.constant 12500 : i32
        %mul3A_637 = arith.muli %arg0, %mul3A_636 : i32
        %mul3A_638 = arith.constant 25 : i32
        %mul3A_639 = arith.muli %add3A_611, %mul3A_638 : i32
        %add3A_640 = arith.addi %mul3A_637, %mul3A_639 : i32
        %dma_start3A_641 = arith.constant 3 : i32
        %dma_start3A_642 = arith.constant 3 : i32
        %dma_start3A_643 = arith.constant 0 : i32
        %dma_start3A_644 = arith.constant 0 : i32
        %dma_start3A_645 = tpu.memref_slice %arg9[%dma_start3A_641, %dma_start3A_643, %dma_start3A_644] : memref<4x25x128xf32, #tpu.memory_space<vmem>> -> memref<1x25x128xf32, #tpu.memory_space<vmem>>
        %dma_start3A_646 = tpu.memref_squeeze %dma_start3A_645 : memref<1x25x128xf32, #tpu.memory_space<vmem>> -> memref<25x128xf32, #tpu.memory_space<vmem>>
        %dma_start3A_647 = arith.constant 0 : i32
        %dma_start3A_648 = tpu.memref_slice %arg3[%select_n3A, %add3A_640, %select_n3A_28, %dma_start3A_647] : memref<2x25000x8x128xf32, #tpu.memory_space<hbm>> -> memref<1x25x1x128xf32, #tpu.memory_space<hbm>>
        %dma_start3A_649 = tpu.memref_squeeze %dma_start3A_648 : memref<1x25x1x128xf32, #tpu.memory_space<hbm>> -> memref<25x128xf32, #tpu.memory_space<hbm>>
        %dma_start3A_650 = tpu.memref_slice %arg10[%dma_start3A_642] : memref<4x!tpu.dma_semaphore, #tpu.memory_space<semaphore_mem>> -> memref<1x!tpu.dma_semaphore, #tpu.memory_space<semaphore_mem>>
        %dma_start3A_651 = tpu.memref_squeeze %dma_start3A_650 : memref<1x!tpu.dma_semaphore, #tpu.memory_space<semaphore_mem>> -> memref<!tpu.dma_semaphore, #tpu.memory_space<semaphore_mem>>
        %dma_start3A_652 = arith.constant 0 : i32
        %dma_start3A_653 = arith.constant 0 : i32
        %dma_start3A_654 = tpu.memref_slice %arg9[%dma_start3A_641, %dma_start3A_652, %dma_start3A_653] : memref<4x25x128xf32, #tpu.memory_space<vmem>> -> memref<1x25x128xf32, #tpu.memory_space<vmem>>
        %dma_start3A_655 = tpu.memref_squeeze %dma_start3A_654 : memref<1x25x128xf32, #tpu.memory_space<vmem>> -> memref<25x128xf32, #tpu.memory_space<vmem>>
        %dma_start3A_656 = arith.constant 0 : i32
        %dma_start3A_657 = tpu.memref_slice %arg3[%select_n3A, %add3A_640, %select_n3A_28, %dma_start3A_656] : memref<2x25000x8x128xf32, #tpu.memory_space<hbm>> -> memref<1x25x1x128xf32, #tpu.memory_space<hbm>>
        %dma_start3A_658 = tpu.memref_squeeze %dma_start3A_657 : memref<1x25x1x128xf32, #tpu.memory_space<hbm>> -> memref<25x128xf32, #tpu.memory_space<hbm>>
        tpu.enqueue_dma source(%dma_start3A_658 : memref<25x128xf32, #tpu.memory_space<hbm>>) target(%dma_start3A_655 : memref<25x128xf32, #tpu.memory_space<vmem>>) target_semaphore(%dma_start3A_651 : memref<!tpu.dma_semaphore, #tpu.memory_space<semaphore_mem>>)
      } else {
      }
    }
    %scan3A_218 = arith.constant 125 : i32
    %mul3A_219 = arith.constant 12500 : i32
    %mul3A_220 = arith.muli %arg0, %mul3A_219 : i32
    %add3A_221 = arith.constant 0 : i32
    %add3A_222 = arith.addi %mul3A_220, %add3A_221 : i32
    %dma_start3A_223 = arith.constant 0 : i32
    %dma_start3A_224 = arith.constant 0 : i32
    %dma_start3A_225 = arith.constant 0 : i32
    %dma_start3A_226 = arith.constant 0 : i32
    %dma_start3A_227 = arith.constant 0 : i32
    %dma_start3A_228 = tpu.memref_slice %arg8[%dma_start3A_224, %dma_start3A_226, %dma_start3A_227] : memref<4x25x128xi32, #tpu.memory_space<vmem>> -> memref<1x25x128xi32, #tpu.memory_space<vmem>>
    %dma_start3A_229 = tpu.memref_squeeze %dma_start3A_228 : memref<1x25x128xi32, #tpu.memory_space<vmem>> -> memref<25x128xi32, #tpu.memory_space<vmem>>
    %dma_start3A_230 = arith.constant 0 : i32
    %dma_start3A_231 = tpu.memref_slice %arg4[%add3A_222, %dma_start3A_223, %dma_start3A_230] : memref<25000x2x128xi32, #tpu.memory_space<hbm>> -> memref<25x1x128xi32, #tpu.memory_space<hbm>>
    %dma_start3A_232 = tpu.memref_squeeze %dma_start3A_231 : memref<25x1x128xi32, #tpu.memory_space<hbm>> -> memref<25x128xi32, #tpu.memory_space<hbm>>
    %dma_start3A_233 = tpu.memref_slice %arg10[%dma_start3A_225] : memref<4x!tpu.dma_semaphore, #tpu.memory_space<semaphore_mem>> -> memref<1x!tpu.dma_semaphore, #tpu.memory_space<semaphore_mem>>
    %dma_start3A_234 = tpu.memref_squeeze %dma_start3A_233 : memref<1x!tpu.dma_semaphore, #tpu.memory_space<semaphore_mem>> -> memref<!tpu.dma_semaphore, #tpu.memory_space<semaphore_mem>>
    %dma_start3A_235 = arith.constant 0 : i32
    %dma_start3A_236 = arith.constant 0 : i32
    %dma_start3A_237 = tpu.memref_slice %arg8[%dma_start3A_224, %dma_start3A_235, %dma_start3A_236] : memref<4x25x128xi32, #tpu.memory_space<vmem>> -> memref<1x25x128xi32, #tpu.memory_space<vmem>>
    %dma_start3A_238 = tpu.memref_squeeze %dma_start3A_237 : memref<1x25x128xi32, #tpu.memory_space<vmem>> -> memref<25x128xi32, #tpu.memory_space<vmem>>
    %dma_start3A_239 = arith.constant 0 : i32
    %dma_start3A_240 = tpu.memref_slice %arg4[%add3A_222, %dma_start3A_223, %dma_start3A_239] : memref<25000x2x128xi32, #tpu.memory_space<hbm>> -> memref<25x1x128xi32, #tpu.memory_space<hbm>>
    %dma_start3A_241 = tpu.memref_squeeze %dma_start3A_240 : memref<25x1x128xi32, #tpu.memory_space<hbm>> -> memref<25x128xi32, #tpu.memory_space<hbm>>
    tpu.enqueue_dma source(%dma_start3A_241 : memref<25x128xi32, #tpu.memory_space<hbm>>) target(%dma_start3A_238 : memref<25x128xi32, #tpu.memory_space<vmem>>) target_semaphore(%dma_start3A_234 : memref<!tpu.dma_semaphore, #tpu.memory_space<semaphore_mem>>)
    %mul3A_242 = arith.constant 12500 : i32
    %mul3A_243 = arith.muli %arg0, %mul3A_242 : i32
    %add3A_244 = arith.constant 0 : i32
    %add3A_245 = arith.addi %mul3A_243, %add3A_244 : i32
    %dma_start3A_246 = arith.constant 0 : i32
    %dma_start3A_247 = arith.constant 0 : i32
    %dma_start3A_248 = arith.constant 0 : i32
    %dma_start3A_249 = arith.constant 0 : i32
    %dma_start3A_250 = tpu.memref_slice %arg9[%dma_start3A_246, %dma_start3A_248, %dma_start3A_249] : memref<4x25x128xf32, #tpu.memory_space<vmem>> -> memref<1x25x128xf32, #tpu.memory_space<vmem>>
    %dma_start3A_251 = tpu.memref_squeeze %dma_start3A_250 : memref<1x25x128xf32, #tpu.memory_space<vmem>> -> memref<25x128xf32, #tpu.memory_space<vmem>>
    %dma_start3A_252 = arith.constant 0 : i32
    %dma_start3A_253 = tpu.memref_slice %arg5[%select_n3A, %add3A_245, %select_n3A_28, %dma_start3A_252] : memref<2x25000x8x128xf32, #tpu.memory_space<hbm>> -> memref<1x25x1x128xf32, #tpu.memory_space<hbm>>
    %dma_start3A_254 = tpu.memref_squeeze %dma_start3A_253 : memref<1x25x1x128xf32, #tpu.memory_space<hbm>> -> memref<25x128xf32, #tpu.memory_space<hbm>>
    %dma_start3A_255 = tpu.memref_slice %arg10[%dma_start3A_247] : memref<4x!tpu.dma_semaphore, #tpu.memory_space<semaphore_mem>> -> memref<1x!tpu.dma_semaphore, #tpu.memory_space<semaphore_mem>>
    %dma_start3A_256 = tpu.memref_squeeze %dma_start3A_255 : memref<1x!tpu.dma_semaphore, #tpu.memory_space<semaphore_mem>> -> memref<!tpu.dma_semaphore, #tpu.memory_space<semaphore_mem>>
    %dma_start3A_257 = arith.constant 0 : i32
    %dma_start3A_258 = arith.constant 0 : i32
    %dma_start3A_259 = tpu.memref_slice %arg9[%dma_start3A_246, %dma_start3A_257, %dma_start3A_258] : memref<4x25x128xf32, #tpu.memory_space<vmem>> -> memref<1x25x128xf32, #tpu.memory_space<vmem>>
    %dma_start3A_260 = tpu.memref_squeeze %dma_start3A_259 : memref<1x25x128xf32, #tpu.memory_space<vmem>> -> memref<25x128xf32, #tpu.memory_space<vmem>>
    %dma_start3A_261 = arith.constant 0 : i32
    %dma_start3A_262 = tpu.memref_slice %arg5[%select_n3A, %add3A_245, %select_n3A_28, %dma_start3A_261] : memref<2x25000x8x128xf32, #tpu.memory_space<hbm>> -> memref<1x25x1x128xf32, #tpu.memory_space<hbm>>
    %dma_start3A_263 = tpu.memref_squeeze %dma_start3A_262 : memref<1x25x1x128xf32, #tpu.memory_space<hbm>> -> memref<25x128xf32, #tpu.memory_space<hbm>>
    tpu.enqueue_dma source(%dma_start3A_263 : memref<25x128xf32, #tpu.memory_space<hbm>>) target(%dma_start3A_260 : memref<25x128xf32, #tpu.memory_space<vmem>>) target_semaphore(%dma_start3A_256 : memref<!tpu.dma_semaphore, #tpu.memory_space<semaphore_mem>>)
    %mul3A_264 = arith.constant 12500 : i32
    %mul3A_265 = arith.muli %arg0, %mul3A_264 : i32
    %add3A_266 = arith.constant 25 : i32
    %add3A_267 = arith.addi %mul3A_265, %add3A_266 : i32
    %dma_start3A_268 = arith.constant 0 : i32
    %dma_start3A_269 = arith.constant 1 : i32
    %dma_start3A_270 = arith.constant 1 : i32
    %dma_start3A_271 = arith.constant 0 : i32
    %dma_start3A_272 = arith.constant 0 : i32
    %dma_start3A_273 = tpu.memref_slice %arg8[%dma_start3A_269, %dma_start3A_271, %dma_start3A_272] : memref<4x25x128xi32, #tpu.memory_space<vmem>> -> memref<1x25x128xi32, #tpu.memory_space<vmem>>
    %dma_start3A_274 = tpu.memref_squeeze %dma_start3A_273 : memref<1x25x128xi32, #tpu.memory_space<vmem>> -> memref<25x128xi32, #tpu.memory_space<vmem>>
    %dma_start3A_275 = arith.constant 0 : i32
    %dma_start3A_276 = tpu.memref_slice %arg4[%add3A_267, %dma_start3A_268, %dma_start3A_275] : memref<25000x2x128xi32, #tpu.memory_space<hbm>> -> memref<25x1x128xi32, #tpu.memory_space<hbm>>
    %dma_start3A_277 = tpu.memref_squeeze %dma_start3A_276 : memref<25x1x128xi32, #tpu.memory_space<hbm>> -> memref<25x128xi32, #tpu.memory_space<hbm>>
    %dma_start3A_278 = tpu.memref_slice %arg10[%dma_start3A_270] : memref<4x!tpu.dma_semaphore, #tpu.memory_space<semaphore_mem>> -> memref<1x!tpu.dma_semaphore, #tpu.memory_space<semaphore_mem>>
    %dma_start3A_279 = tpu.memref_squeeze %dma_start3A_278 : memref<1x!tpu.dma_semaphore, #tpu.memory_space<semaphore_mem>> -> memref<!tpu.dma_semaphore, #tpu.memory_space<semaphore_mem>>
    %dma_start3A_280 = arith.constant 0 : i32
    %dma_start3A_281 = arith.constant 0 : i32
    %dma_start3A_282 = tpu.memref_slice %arg8[%dma_start3A_269, %dma_start3A_280, %dma_start3A_281] : memref<4x25x128xi32, #tpu.memory_space<vmem>> -> memref<1x25x128xi32, #tpu.memory_space<vmem>>
    %dma_start3A_283 = tpu.memref_squeeze %dma_start3A_282 : memref<1x25x128xi32, #tpu.memory_space<vmem>> -> memref<25x128xi32, #tpu.memory_space<vmem>>
    %dma_start3A_284 = arith.constant 0 : i32
    %dma_start3A_285 = tpu.memref_slice %arg4[%add3A_267, %dma_start3A_268, %dma_start3A_284] : memref<25000x2x128xi32, #tpu.memory_space<hbm>> -> memref<25x1x128xi32, #tpu.memory_space<hbm>>
    %dma_start3A_286 = tpu.memref_squeeze %dma_start3A_285 : memref<25x1x128xi32, #tpu.memory_space<hbm>> -> memref<25x128xi32, #tpu.memory_space<hbm>>
    tpu.enqueue_dma source(%dma_start3A_286 : memref<25x128xi32, #tpu.memory_space<hbm>>) target(%dma_start3A_283 : memref<25x128xi32, #tpu.memory_space<vmem>>) target_semaphore(%dma_start3A_279 : memref<!tpu.dma_semaphore, #tpu.memory_space<semaphore_mem>>)
    %mul3A_287 = arith.constant 12500 : i32
    %mul3A_288 = arith.muli %arg0, %mul3A_287 : i32
    %add3A_289 = arith.constant 25 : i32
    %add3A_290 = arith.addi %mul3A_288, %add3A_289 : i32
    %dma_start3A_291 = arith.constant 1 : i32
    %dma_start3A_292 = arith.constant 1 : i32
    %dma_start3A_293 = arith.constant 0 : i32
    %dma_start3A_294 = arith.constant 0 : i32
    %dma_start3A_295 = tpu.memref_slice %arg9[%dma_start3A_291, %dma_start3A_293, %dma_start3A_294] : memref<4x25x128xf32, #tpu.memory_space<vmem>> -> memref<1x25x128xf32, #tpu.memory_space<vmem>>
    %dma_start3A_296 = tpu.memref_squeeze %dma_start3A_295 : memref<1x25x128xf32, #tpu.memory_space<vmem>> -> memref<25x128xf32, #tpu.memory_space<vmem>>
    %dma_start3A_297 = arith.constant 0 : i32
    %dma_start3A_298 = tpu.memref_slice %arg5[%select_n3A, %add3A_290, %select_n3A_28, %dma_start3A_297] : memref<2x25000x8x128xf32, #tpu.memory_space<hbm>> -> memref<1x25x1x128xf32, #tpu.memory_space<hbm>>
    %dma_start3A_299 = tpu.memref_squeeze %dma_start3A_298 : memref<1x25x1x128xf32, #tpu.memory_space<hbm>> -> memref<25x128xf32, #tpu.memory_space<hbm>>
    %dma_start3A_300 = tpu.memref_slice %arg10[%dma_start3A_292] : memref<4x!tpu.dma_semaphore, #tpu.memory_space<semaphore_mem>> -> memref<1x!tpu.dma_semaphore, #tpu.memory_space<semaphore_mem>>
    %dma_start3A_301 = tpu.memref_squeeze %dma_start3A_300 : memref<1x!tpu.dma_semaphore, #tpu.memory_space<semaphore_mem>> -> memref<!tpu.dma_semaphore, #tpu.memory_space<semaphore_mem>>
    %dma_start3A_302 = arith.constant 0 : i32
    %dma_start3A_303 = arith.constant 0 : i32
    %dma_start3A_304 = tpu.memref_slice %arg9[%dma_start3A_291, %dma_start3A_302, %dma_start3A_303] : memref<4x25x128xf32, #tpu.memory_space<vmem>> -> memref<1x25x128xf32, #tpu.memory_space<vmem>>
    %dma_start3A_305 = tpu.memref_squeeze %dma_start3A_304 : memref<1x25x128xf32, #tpu.memory_space<vmem>> -> memref<25x128xf32, #tpu.memory_space<vmem>>
    %dma_start3A_306 = arith.constant 0 : i32
    %dma_start3A_307 = tpu.memref_slice %arg5[%select_n3A, %add3A_290, %select_n3A_28, %dma_start3A_306] : memref<2x25000x8x128xf32, #tpu.memory_space<hbm>> -> memref<1x25x1x128xf32, #tpu.memory_space<hbm>>
    %dma_start3A_308 = tpu.memref_squeeze %dma_start3A_307 : memref<1x25x1x128xf32, #tpu.memory_space<hbm>> -> memref<25x128xf32, #tpu.memory_space<hbm>>
    tpu.enqueue_dma source(%dma_start3A_308 : memref<25x128xf32, #tpu.memory_space<hbm>>) target(%dma_start3A_305 : memref<25x128xf32, #tpu.memory_space<vmem>>) target_semaphore(%dma_start3A_301 : memref<!tpu.dma_semaphore, #tpu.memory_space<semaphore_mem>>)
    %mul3A_309 = arith.constant 12500 : i32
    %mul3A_310 = arith.muli %arg0, %mul3A_309 : i32
    %add3A_311 = arith.constant 50 : i32
    %add3A_312 = arith.addi %mul3A_310, %add3A_311 : i32
    %dma_start3A_313 = arith.constant 0 : i32
    %dma_start3A_314 = arith.constant 2 : i32
    %dma_start3A_315 = arith.constant 2 : i32
    %dma_start3A_316 = arith.constant 0 : i32
    %dma_start3A_317 = arith.constant 0 : i32
    %dma_start3A_318 = tpu.memref_slice %arg8[%dma_start3A_314, %dma_start3A_316, %dma_start3A_317] : memref<4x25x128xi32, #tpu.memory_space<vmem>> -> memref<1x25x128xi32, #tpu.memory_space<vmem>>
    %dma_start3A_319 = tpu.memref_squeeze %dma_start3A_318 : memref<1x25x128xi32, #tpu.memory_space<vmem>> -> memref<25x128xi32, #tpu.memory_space<vmem>>
    %dma_start3A_320 = arith.constant 0 : i32
    %dma_start3A_321 = tpu.memref_slice %arg4[%add3A_312, %dma_start3A_313, %dma_start3A_320] : memref<25000x2x128xi32, #tpu.memory_space<hbm>> -> memref<25x1x128xi32, #tpu.memory_space<hbm>>
    %dma_start3A_322 = tpu.memref_squeeze %dma_start3A_321 : memref<25x1x128xi32, #tpu.memory_space<hbm>> -> memref<25x128xi32, #tpu.memory_space<hbm>>
    %dma_start3A_323 = tpu.memref_slice %arg10[%dma_start3A_315] : memref<4x!tpu.dma_semaphore, #tpu.memory_space<semaphore_mem>> -> memref<1x!tpu.dma_semaphore, #tpu.memory_space<semaphore_mem>>
    %dma_start3A_324 = tpu.memref_squeeze %dma_start3A_323 : memref<1x!tpu.dma_semaphore, #tpu.memory_space<semaphore_mem>> -> memref<!tpu.dma_semaphore, #tpu.memory_space<semaphore_mem>>
    %dma_start3A_325 = arith.constant 0 : i32
    %dma_start3A_326 = arith.constant 0 : i32
    %dma_start3A_327 = tpu.memref_slice %arg8[%dma_start3A_314, %dma_start3A_325, %dma_start3A_326] : memref<4x25x128xi32, #tpu.memory_space<vmem>> -> memref<1x25x128xi32, #tpu.memory_space<vmem>>
    %dma_start3A_328 = tpu.memref_squeeze %dma_start3A_327 : memref<1x25x128xi32, #tpu.memory_space<vmem>> -> memref<25x128xi32, #tpu.memory_space<vmem>>
    %dma_start3A_329 = arith.constant 0 : i32
    %dma_start3A_330 = tpu.memref_slice %arg4[%add3A_312, %dma_start3A_313, %dma_start3A_329] : memref<25000x2x128xi32, #tpu.memory_space<hbm>> -> memref<25x1x128xi32, #tpu.memory_space<hbm>>
    %dma_start3A_331 = tpu.memref_squeeze %dma_start3A_330 : memref<25x1x128xi32, #tpu.memory_space<hbm>> -> memref<25x128xi32, #tpu.memory_space<hbm>>
    tpu.enqueue_dma source(%dma_start3A_331 : memref<25x128xi32, #tpu.memory_space<hbm>>) target(%dma_start3A_328 : memref<25x128xi32, #tpu.memory_space<vmem>>) target_semaphore(%dma_start3A_324 : memref<!tpu.dma_semaphore, #tpu.memory_space<semaphore_mem>>)
    %mul3A_332 = arith.constant 12500 : i32
    %mul3A_333 = arith.muli %arg0, %mul3A_332 : i32
    %add3A_334 = arith.constant 50 : i32
    %add3A_335 = arith.addi %mul3A_333, %add3A_334 : i32
    %dma_start3A_336 = arith.constant 2 : i32
    %dma_start3A_337 = arith.constant 2 : i32
    %dma_start3A_338 = arith.constant 0 : i32
    %dma_start3A_339 = arith.constant 0 : i32
    %dma_start3A_340 = tpu.memref_slice %arg9[%dma_start3A_336, %dma_start3A_338, %dma_start3A_339] : memref<4x25x128xf32, #tpu.memory_space<vmem>> -> memref<1x25x128xf32, #tpu.memory_space<vmem>>
    %dma_start3A_341 = tpu.memref_squeeze %dma_start3A_340 : memref<1x25x128xf32, #tpu.memory_space<vmem>> -> memref<25x128xf32, #tpu.memory_space<vmem>>
    %dma_start3A_342 = arith.constant 0 : i32
    %dma_start3A_343 = tpu.memref_slice %arg5[%select_n3A, %add3A_335, %select_n3A_28, %dma_start3A_342] : memref<2x25000x8x128xf32, #tpu.memory_space<hbm>> -> memref<1x25x1x128xf32, #tpu.memory_space<hbm>>
    %dma_start3A_344 = tpu.memref_squeeze %dma_start3A_343 : memref<1x25x1x128xf32, #tpu.memory_space<hbm>> -> memref<25x128xf32, #tpu.memory_space<hbm>>
    %dma_start3A_345 = tpu.memref_slice %arg10[%dma_start3A_337] : memref<4x!tpu.dma_semaphore, #tpu.memory_space<semaphore_mem>> -> memref<1x!tpu.dma_semaphore, #tpu.memory_space<semaphore_mem>>
    %dma_start3A_346 = tpu.memref_squeeze %dma_start3A_345 : memref<1x!tpu.dma_semaphore, #tpu.memory_space<semaphore_mem>> -> memref<!tpu.dma_semaphore, #tpu.memory_space<semaphore_mem>>
    %dma_start3A_347 = arith.constant 0 : i32
    %dma_start3A_348 = arith.constant 0 : i32
    %dma_start3A_349 = tpu.memref_slice %arg9[%dma_start3A_336, %dma_start3A_347, %dma_start3A_348] : memref<4x25x128xf32, #tpu.memory_space<vmem>> -> memref<1x25x128xf32, #tpu.memory_space<vmem>>
    %dma_start3A_350 = tpu.memref_squeeze %dma_start3A_349 : memref<1x25x128xf32, #tpu.memory_space<vmem>> -> memref<25x128xf32, #tpu.memory_space<vmem>>
    %dma_start3A_351 = arith.constant 0 : i32
    %dma_start3A_352 = tpu.memref_slice %arg5[%select_n3A, %add3A_335, %select_n3A_28, %dma_start3A_351] : memref<2x25000x8x128xf32, #tpu.memory_space<hbm>> -> memref<1x25x1x128xf32, #tpu.memory_space<hbm>>
    %dma_start3A_353 = tpu.memref_squeeze %dma_start3A_352 : memref<1x25x1x128xf32, #tpu.memory_space<hbm>> -> memref<25x128xf32, #tpu.memory_space<hbm>>
    tpu.enqueue_dma source(%dma_start3A_353 : memref<25x128xf32, #tpu.memory_space<hbm>>) target(%dma_start3A_350 : memref<25x128xf32, #tpu.memory_space<vmem>>) target_semaphore(%dma_start3A_346 : memref<!tpu.dma_semaphore, #tpu.memory_space<semaphore_mem>>)
    %mul3A_354 = arith.constant 12500 : i32
    %mul3A_355 = arith.muli %arg0, %mul3A_354 : i32
    %add3A_356 = arith.constant 75 : i32
    %add3A_357 = arith.addi %mul3A_355, %add3A_356 : i32
    %dma_start3A_358 = arith.constant 0 : i32
    %dma_start3A_359 = arith.constant 3 : i32
    %dma_start3A_360 = arith.constant 3 : i32
    %dma_start3A_361 = arith.constant 0 : i32
    %dma_start3A_362 = arith.constant 0 : i32
    %dma_start3A_363 = tpu.memref_slice %arg8[%dma_start3A_359, %dma_start3A_361, %dma_start3A_362] : memref<4x25x128xi32, #tpu.memory_space<vmem>> -> memref<1x25x128xi32, #tpu.memory_space<vmem>>
    %dma_start3A_364 = tpu.memref_squeeze %dma_start3A_363 : memref<1x25x128xi32, #tpu.memory_space<vmem>> -> memref<25x128xi32, #tpu.memory_space<vmem>>
    %dma_start3A_365 = arith.constant 0 : i32
    %dma_start3A_366 = tpu.memref_slice %arg4[%add3A_357, %dma_start3A_358, %dma_start3A_365] : memref<25000x2x128xi32, #tpu.memory_space<hbm>> -> memref<25x1x128xi32, #tpu.memory_space<hbm>>
    %dma_start3A_367 = tpu.memref_squeeze %dma_start3A_366 : memref<25x1x128xi32, #tpu.memory_space<hbm>> -> memref<25x128xi32, #tpu.memory_space<hbm>>
    %dma_start3A_368 = tpu.memref_slice %arg10[%dma_start3A_360] : memref<4x!tpu.dma_semaphore, #tpu.memory_space<semaphore_mem>> -> memref<1x!tpu.dma_semaphore, #tpu.memory_space<semaphore_mem>>
    %dma_start3A_369 = tpu.memref_squeeze %dma_start3A_368 : memref<1x!tpu.dma_semaphore, #tpu.memory_space<semaphore_mem>> -> memref<!tpu.dma_semaphore, #tpu.memory_space<semaphore_mem>>
    %dma_start3A_370 = arith.constant 0 : i32
    %dma_start3A_371 = arith.constant 0 : i32
    %dma_start3A_372 = tpu.memref_slice %arg8[%dma_start3A_359, %dma_start3A_370, %dma_start3A_371] : memref<4x25x128xi32, #tpu.memory_space<vmem>> -> memref<1x25x128xi32, #tpu.memory_space<vmem>>
    %dma_start3A_373 = tpu.memref_squeeze %dma_start3A_372 : memref<1x25x128xi32, #tpu.memory_space<vmem>> -> memref<25x128xi32, #tpu.memory_space<vmem>>
    %dma_start3A_374 = arith.constant 0 : i32
    %dma_start3A_375 = tpu.memref_slice %arg4[%add3A_357, %dma_start3A_358, %dma_start3A_374] : memref<25000x2x128xi32, #tpu.memory_space<hbm>> -> memref<25x1x128xi32, #tpu.memory_space<hbm>>
    %dma_start3A_376 = tpu.memref_squeeze %dma_start3A_375 : memref<25x1x128xi32, #tpu.memory_space<hbm>> -> memref<25x128xi32, #tpu.memory_space<hbm>>
    tpu.enqueue_dma source(%dma_start3A_376 : memref<25x128xi32, #tpu.memory_space<hbm>>) target(%dma_start3A_373 : memref<25x128xi32, #tpu.memory_space<vmem>>) target_semaphore(%dma_start3A_369 : memref<!tpu.dma_semaphore, #tpu.memory_space<semaphore_mem>>)
    %mul3A_377 = arith.constant 12500 : i32
    %mul3A_378 = arith.muli %arg0, %mul3A_377 : i32
    %add3A_379 = arith.constant 75 : i32
    %add3A_380 = arith.addi %mul3A_378, %add3A_379 : i32
    %dma_start3A_381 = arith.constant 3 : i32
    %dma_start3A_382 = arith.constant 3 : i32
    %dma_start3A_383 = arith.constant 0 : i32
    %dma_start3A_384 = arith.constant 0 : i32
    %dma_start3A_385 = tpu.memref_slice %arg9[%dma_start3A_381, %dma_start3A_383, %dma_start3A_384] : memref<4x25x128xf32, #tpu.memory_space<vmem>> -> memref<1x25x128xf32, #tpu.memory_space<vmem>>
    %dma_start3A_386 = tpu.memref_squeeze %dma_start3A_385 : memref<1x25x128xf32, #tpu.memory_space<vmem>> -> memref<25x128xf32, #tpu.memory_space<vmem>>
    %dma_start3A_387 = arith.constant 0 : i32
    %dma_start3A_388 = tpu.memref_slice %arg5[%select_n3A, %add3A_380, %select_n3A_28, %dma_start3A_387] : memref<2x25000x8x128xf32, #tpu.memory_space<hbm>> -> memref<1x25x1x128xf32, #tpu.memory_space<hbm>>
    %dma_start3A_389 = tpu.memref_squeeze %dma_start3A_388 : memref<1x25x1x128xf32, #tpu.memory_space<hbm>> -> memref<25x128xf32, #tpu.memory_space<hbm>>
    %dma_start3A_390 = tpu.memref_slice %arg10[%dma_start3A_382] : memref<4x!tpu.dma_semaphore, #tpu.memory_space<semaphore_mem>> -> memref<1x!tpu.dma_semaphore, #tpu.memory_space<semaphore_mem>>
    %dma_start3A_391 = tpu.memref_squeeze %dma_start3A_390 : memref<1x!tpu.dma_semaphore, #tpu.memory_space<semaphore_mem>> -> memref<!tpu.dma_semaphore, #tpu.memory_space<semaphore_mem>>
    %dma_start3A_392 = arith.constant 0 : i32
    %dma_start3A_393 = arith.constant 0 : i32
    %dma_start3A_394 = tpu.memref_slice %arg9[%dma_start3A_381, %dma_start3A_392, %dma_start3A_393] : memref<4x25x128xf32, #tpu.memory_space<vmem>> -> memref<1x25x128xf32, #tpu.memory_space<vmem>>
    %dma_start3A_395 = tpu.memref_squeeze %dma_start3A_394 : memref<1x25x128xf32, #tpu.memory_space<vmem>> -> memref<25x128xf32, #tpu.memory_space<vmem>>
    %dma_start3A_396 = arith.constant 0 : i32
    %dma_start3A_397 = tpu.memref_slice %arg5[%select_n3A, %add3A_380, %select_n3A_28, %dma_start3A_396] : memref<2x25000x8x128xf32, #tpu.memory_space<hbm>> -> memref<1x25x1x128xf32, #tpu.memory_space<hbm>>
    %dma_start3A_398 = tpu.memref_squeeze %dma_start3A_397 : memref<1x25x1x128xf32, #tpu.memory_space<hbm>> -> memref<25x128xf32, #tpu.memory_space<hbm>>
    tpu.enqueue_dma source(%dma_start3A_398 : memref<25x128xf32, #tpu.memory_space<hbm>>) target(%dma_start3A_395 : memref<25x128xf32, #tpu.memory_space<vmem>>) target_semaphore(%dma_start3A_391 : memref<!tpu.dma_semaphore, #tpu.memory_space<semaphore_mem>>)
    %scan3A_399 = arith.constant 0 : i32
    %scan3A_400 = arith.constant 0 : i32
    %scan3A_401 = arith.constant 125 : i32
    %scan3A_402 = arith.addi %scan3A_400, %scan3A_401 : i32
    %scan3A_403 = arith.constant 1 : i32
    scf.for %scan3A_405 = %scan3A_400 to %scan3A_402 step %scan3A_403  : i32 {
      %dma_wait3A = arith.constant 0 : i32
      %dma_wait3A_406 = arith.constant 0 : i32
      %dma_wait3A_407 = arith.constant 0 : i32
      %dma_wait3A_408 = arith.constant 0 : i32
      %dma_wait3A_409 = arith.constant 0 : i32
      %dma_wait3A_410 = tpu.memref_slice %arg8[%dma_wait3A_406, %dma_wait3A_408, %dma_wait3A_409] : memref<4x25x128xi32, #tpu.memory_space<vmem>> -> memref<1x25x128xi32, #tpu.memory_space<vmem>>
      %dma_wait3A_411 = tpu.memref_squeeze %dma_wait3A_410 : memref<1x25x128xi32, #tpu.memory_space<vmem>> -> memref<25x128xi32, #tpu.memory_space<vmem>>
      %dma_wait3A_412 = arith.constant 0 : i32
      %dma_wait3A_413 = arith.constant 0 : i32
      %dma_wait3A_414 = tpu.memref_slice %arg4[%dma_wait3A_412, %dma_wait3A, %dma_wait3A_413] : memref<25000x2x128xi32, #tpu.memory_space<hbm>> -> memref<25x1x128xi32, #tpu.memory_space<hbm>>
      %dma_wait3A_415 = tpu.memref_squeeze %dma_wait3A_414 : memref<25x1x128xi32, #tpu.memory_space<hbm>> -> memref<25x128xi32, #tpu.memory_space<hbm>>
      %dma_wait3A_416 = tpu.memref_slice %arg10[%dma_wait3A_407] : memref<4x!tpu.dma_semaphore, #tpu.memory_space<semaphore_mem>> -> memref<1x!tpu.dma_semaphore, #tpu.memory_space<semaphore_mem>>
      %dma_wait3A_417 = tpu.memref_squeeze %dma_wait3A_416 : memref<1x!tpu.dma_semaphore, #tpu.memory_space<semaphore_mem>> -> memref<!tpu.dma_semaphore, #tpu.memory_space<semaphore_mem>>
      %dma_wait3A_418 = arith.constant 0 : i32
      %dma_wait3A_419 = arith.constant 0 : i32
      %dma_wait3A_420 = tpu.memref_slice %arg8[%dma_wait3A_406, %dma_wait3A_418, %dma_wait3A_419] : memref<4x25x128xi32, #tpu.memory_space<vmem>> -> memref<1x25x128xi32, #tpu.memory_space<vmem>>
      %dma_wait3A_421 = tpu.memref_squeeze %dma_wait3A_420 : memref<1x25x128xi32, #tpu.memory_space<vmem>> -> memref<25x128xi32, #tpu.memory_space<vmem>>
      %dma_wait3A_422 = arith.constant 0 : i32
      %dma_wait3A_423 = arith.constant 0 : i32
      %dma_wait3A_424 = tpu.memref_slice %arg4[%dma_wait3A_422, %dma_wait3A, %dma_wait3A_423] : memref<25000x2x128xi32, #tpu.memory_space<hbm>> -> memref<25x1x128xi32, #tpu.memory_space<hbm>>
      %dma_wait3A_425 = tpu.memref_squeeze %dma_wait3A_424 : memref<25x1x128xi32, #tpu.memory_space<hbm>> -> memref<25x128xi32, #tpu.memory_space<hbm>>
      tpu.wait_dma2 semaphore(%dma_wait3A_417 : memref<!tpu.dma_semaphore, #tpu.memory_space<semaphore_mem>>) src(%dma_wait3A_425 : memref<25x128xi32, #tpu.memory_space<hbm>>) dst(%dma_wait3A_421 : memref<25x128xi32, #tpu.memory_space<vmem>>)
      %dma_wait3A_426 = arith.constant 0 : i32
      %dma_wait3A_427 = arith.constant 0 : i32
      %dma_wait3A_428 = arith.constant 0 : i32
      %dma_wait3A_429 = arith.constant 0 : i32
      %dma_wait3A_430 = arith.constant 0 : i32
      %dma_wait3A_431 = arith.constant 0 : i32
      %dma_wait3A_432 = tpu.memref_slice %arg9[%dma_wait3A_428, %dma_wait3A_430, %dma_wait3A_431] : memref<4x25x128xf32, #tpu.memory_space<vmem>> -> memref<1x25x128xf32, #tpu.memory_space<vmem>>
      %dma_wait3A_433 = tpu.memref_squeeze %dma_wait3A_432 : memref<1x25x128xf32, #tpu.memory_space<vmem>> -> memref<25x128xf32, #tpu.memory_space<vmem>>
      %dma_wait3A_434 = arith.constant 0 : i32
      %dma_wait3A_435 = arith.constant 0 : i32
      %dma_wait3A_436 = tpu.memref_slice %arg5[%dma_wait3A_426, %dma_wait3A_434, %dma_wait3A_427, %dma_wait3A_435] : memref<2x25000x8x128xf32, #tpu.memory_space<hbm>> -> memref<1x25x1x128xf32, #tpu.memory_space<hbm>>
      %dma_wait3A_437 = tpu.memref_squeeze %dma_wait3A_436 : memref<1x25x1x128xf32, #tpu.memory_space<hbm>> -> memref<25x128xf32, #tpu.memory_space<hbm>>
      %dma_wait3A_438 = tpu.memref_slice %arg10[%dma_wait3A_429] : memref<4x!tpu.dma_semaphore, #tpu.memory_space<semaphore_mem>> -> memref<1x!tpu.dma_semaphore, #tpu.memory_space<semaphore_mem>>
      %dma_wait3A_439 = tpu.memref_squeeze %dma_wait3A_438 : memref<1x!tpu.dma_semaphore, #tpu.memory_space<semaphore_mem>> -> memref<!tpu.dma_semaphore, #tpu.memory_space<semaphore_mem>>
      %dma_wait3A_440 = arith.constant 0 : i32
      %dma_wait3A_441 = arith.constant 0 : i32
      %dma_wait3A_442 = tpu.memref_slice %arg9[%dma_wait3A_428, %dma_wait3A_440, %dma_wait3A_441] : memref<4x25x128xf32, #tpu.memory_space<vmem>> -> memref<1x25x128xf32, #tpu.memory_space<vmem>>
      %dma_wait3A_443 = tpu.memref_squeeze %dma_wait3A_442 : memref<1x25x128xf32, #tpu.memory_space<vmem>> -> memref<25x128xf32, #tpu.memory_space<vmem>>
      %dma_wait3A_444 = arith.constant 0 : i32
      %dma_wait3A_445 = arith.constant 0 : i32
      %dma_wait3A_446 = tpu.memref_slice %arg5[%dma_wait3A_426, %dma_wait3A_444, %dma_wait3A_427, %dma_wait3A_445] : memref<2x25000x8x128xf32, #tpu.memory_space<hbm>> -> memref<1x25x1x128xf32, #tpu.memory_space<hbm>>
      %dma_wait3A_447 = tpu.memref_squeeze %dma_wait3A_446 : memref<1x25x1x128xf32, #tpu.memory_space<hbm>> -> memref<25x128xf32, #tpu.memory_space<hbm>>
      tpu.wait_dma2 semaphore(%dma_wait3A_439 : memref<!tpu.dma_semaphore, #tpu.memory_space<semaphore_mem>>) src(%dma_wait3A_447 : memref<25x128xf32, #tpu.memory_space<hbm>>) dst(%dma_wait3A_443 : memref<25x128xf32, #tpu.memory_space<vmem>>)
      %parallel_loop3A = arith.constant 0 : i32
      %parallel_loop3A_448 = arith.constant 200 : i32
      %parallel_loop3A_449 = arith.constant 1 : i32
      scf.for %parallel_loop3A_606 = %parallel_loop3A to %parallel_loop3A_448 step %parallel_loop3A_449  : i32 {
        %parallel_loop3A_607 = arith.constant 3 : i32
        %parallel_loop3A_608 = arith.shrsi %parallel_loop3A_606, %parallel_loop3A_607 : i32
        %parallel_loop3A_609 = arith.constant 7 : i32
        %parallel_loop3A_610 = arith.andi %parallel_loop3A_606, %parallel_loop3A_609 : i32
        %parallel_loop3A_611 = arith.constant 16 : i32
        %parallel_loop3A_612 = arith.muli %parallel_loop3A_610, %parallel_loop3A_611 : i32
        %parallel_loop3A_613 = arith.constant 0 : i32
        %parallel_loop3A_614 = arith.index_cast %parallel_loop3A_613 : i32 to index
        %parallel_loop3A_615 = arith.index_cast %parallel_loop3A_608 : i32 to index
        %parallel_loop3A_616 = arith.index_cast %parallel_loop3A_612 : i32 to index
        %parallel_loop3A_617 = tpu.vector_load %arg8[%parallel_loop3A_614, %parallel_loop3A_615, %parallel_loop3A_616] {strides = array<i32>} : memref<4x25x128xi32, #tpu.memory_space<vmem>>, vector<16xi32>,
        %parallel_loop3A_618 = arith.constant 3 : i32
        %parallel_loop3A_619 = arith.shrsi %parallel_loop3A_606, %parallel_loop3A_618 : i32
        %parallel_loop3A_620 = arith.constant 7 : i32
        %parallel_loop3A_621 = arith.andi %parallel_loop3A_606, %parallel_loop3A_620 : i32
        %parallel_loop3A_622 = arith.constant 16 : i32
        %parallel_loop3A_623 = arith.muli %parallel_loop3A_621, %parallel_loop3A_622 : i32
        %parallel_loop3A_624 = arith.constant 0 : i32
        %parallel_loop3A_625 = arith.index_cast %parallel_loop3A_624 : i32 to index
        %parallel_loop3A_626 = arith.index_cast %parallel_loop3A_619 : i32 to index
        %parallel_loop3A_627 = arith.index_cast %parallel_loop3A_623 : i32 to index
        %parallel_loop3A_628 = tpu.vector_load %arg9[%parallel_loop3A_625, %parallel_loop3A_626, %parallel_loop3A_627] {strides = array<i32>} : memref<4x25x128xf32, #tpu.memory_space<vmem>>, vector<16xf32>,
        tpu.vector_store_idx %arg7[%parallel_loop3A_617], %parallel_loop3A_628 {add = true} : memref<100000xf32, #tpu.memory_space<vmem>>[vector<16xi32>], vector<16xf32>,
      } {sc.loop_unroll_factor = 8 : i64, sc.parallel_access}
      %lt3A_450 = arith.constant 124 : i32
      %lt3A_451 = arith.cmpi slt, %scan3A_405, %lt3A_450 : i32
      %convert_element_type3A = arith.extui %lt3A_451 : i1 to i32
      %cond3A = arith.constant 0 : i32
      %cond3A_452 = arith.cmpi ne, %convert_element_type3A, %cond3A : i32
      scf.if %cond3A_452 {
        %add3A_606 = arith.constant 1 : i32
        %add3A_607 = arith.addi %scan3A_405, %add3A_606 : i32
        %mul3A_608 = arith.constant 4 : i32
        %mul3A_609 = arith.muli %add3A_607, %mul3A_608 : i32
        %add3A_610 = arith.constant 0 : i32
        %add3A_611 = arith.addi %mul3A_609, %add3A_610 : i32
        %mul3A_612 = arith.constant 12500 : i32
        %mul3A_613 = arith.muli %arg0, %mul3A_612 : i32
        %mul3A_614 = arith.constant 25 : i32
        %mul3A_615 = arith.muli %add3A_611, %mul3A_614 : i32
        %add3A_616 = arith.addi %mul3A_613, %mul3A_615 : i32
        %dma_start3A_617 = arith.constant 0 : i32
        %dma_start3A_618 = arith.constant 0 : i32
        %dma_start3A_619 = arith.constant 0 : i32
        %dma_start3A_620 = arith.constant 0 : i32
        %dma_start3A_621 = arith.constant 0 : i32
        %dma_start3A_622 = tpu.memref_slice %arg8[%dma_start3A_618, %dma_start3A_620, %dma_start3A_621] : memref<4x25x128xi32, #tpu.memory_space<vmem>> -> memref<1x25x128xi32, #tpu.memory_space<vmem>>
        %dma_start3A_623 = tpu.memref_squeeze %dma_start3A_622 : memref<1x25x128xi32, #tpu.memory_space<vmem>> -> memref<25x128xi32, #tpu.memory_space<vmem>>
        %dma_start3A_624 = arith.constant 0 : i32
        %dma_start3A_625 = tpu.memref_slice %arg4[%add3A_616, %dma_start3A_617, %dma_start3A_624] : memref<25000x2x128xi32, #tpu.memory_space<hbm>> -> memref<25x1x128xi32, #tpu.memory_space<hbm>>
        %dma_start3A_626 = tpu.memref_squeeze %dma_start3A_625 : memref<25x1x128xi32, #tpu.memory_space<hbm>> -> memref<25x128xi32, #tpu.memory_space<hbm>>
        %dma_start3A_627 = tpu.memref_slice %arg10[%dma_start3A_619] : memref<4x!tpu.dma_semaphore, #tpu.memory_space<semaphore_mem>> -> memref<1x!tpu.dma_semaphore, #tpu.memory_space<semaphore_mem>>
        %dma_start3A_628 = tpu.memref_squeeze %dma_start3A_627 : memref<1x!tpu.dma_semaphore, #tpu.memory_space<semaphore_mem>> -> memref<!tpu.dma_semaphore, #tpu.memory_space<semaphore_mem>>
        %dma_start3A_629 = arith.constant 0 : i32
        %dma_start3A_630 = arith.constant 0 : i32
        %dma_start3A_631 = tpu.memref_slice %arg8[%dma_start3A_618, %dma_start3A_629, %dma_start3A_630] : memref<4x25x128xi32, #tpu.memory_space<vmem>> -> memref<1x25x128xi32, #tpu.memory_space<vmem>>
        %dma_start3A_632 = tpu.memref_squeeze %dma_start3A_631 : memref<1x25x128xi32, #tpu.memory_space<vmem>> -> memref<25x128xi32, #tpu.memory_space<vmem>>
        %dma_start3A_633 = arith.constant 0 : i32
        %dma_start3A_634 = tpu.memref_slice %arg4[%add3A_616, %dma_start3A_617, %dma_start3A_633] : memref<25000x2x128xi32, #tpu.memory_space<hbm>> -> memref<25x1x128xi32, #tpu.memory_space<hbm>>
        %dma_start3A_635 = tpu.memref_squeeze %dma_start3A_634 : memref<25x1x128xi32, #tpu.memory_space<hbm>> -> memref<25x128xi32, #tpu.memory_space<hbm>>
        tpu.enqueue_dma source(%dma_start3A_635 : memref<25x128xi32, #tpu.memory_space<hbm>>) target(%dma_start3A_632 : memref<25x128xi32, #tpu.memory_space<vmem>>) target_semaphore(%dma_start3A_628 : memref<!tpu.dma_semaphore, #tpu.memory_space<semaphore_mem>>)
        %mul3A_636 = arith.constant 12500 : i32
        %mul3A_637 = arith.muli %arg0, %mul3A_636 : i32
        %mul3A_638 = arith.constant 25 : i32
        %mul3A_639 = arith.muli %add3A_611, %mul3A_638 : i32
        %add3A_640 = arith.addi %mul3A_637, %mul3A_639 : i32
        %dma_start3A_641 = arith.constant 0 : i32
        %dma_start3A_642 = arith.constant 0 : i32
        %dma_start3A_643 = arith.constant 0 : i32
        %dma_start3A_644 = arith.constant 0 : i32
        %dma_start3A_645 = tpu.memref_slice %arg9[%dma_start3A_641, %dma_start3A_643, %dma_start3A_644] : memref<4x25x128xf32, #tpu.memory_space<vmem>> -> memref<1x25x128xf32, #tpu.memory_space<vmem>>
        %dma_start3A_646 = tpu.memref_squeeze %dma_start3A_645 : memref<1x25x128xf32, #tpu.memory_space<vmem>> -> memref<25x128xf32, #tpu.memory_space<vmem>>
        %dma_start3A_647 = arith.constant 0 : i32
        %dma_start3A_648 = tpu.memref_slice %arg5[%select_n3A, %add3A_640, %select_n3A_28, %dma_start3A_647] : memref<2x25000x8x128xf32, #tpu.memory_space<hbm>> -> memref<1x25x1x128xf32, #tpu.memory_space<hbm>>
        %dma_start3A_649 = tpu.memref_squeeze %dma_start3A_648 : memref<1x25x1x128xf32, #tpu.memory_space<hbm>> -> memref<25x128xf32, #tpu.memory_space<hbm>>
        %dma_start3A_650 = tpu.memref_slice %arg10[%dma_start3A_642] : memref<4x!tpu.dma_semaphore, #tpu.memory_space<semaphore_mem>> -> memref<1x!tpu.dma_semaphore, #tpu.memory_space<semaphore_mem>>
        %dma_start3A_651 = tpu.memref_squeeze %dma_start3A_650 : memref<1x!tpu.dma_semaphore, #tpu.memory_space<semaphore_mem>> -> memref<!tpu.dma_semaphore, #tpu.memory_space<semaphore_mem>>
        %dma_start3A_652 = arith.constant 0 : i32
        %dma_start3A_653 = arith.constant 0 : i32
        %dma_start3A_654 = tpu.memref_slice %arg9[%dma_start3A_641, %dma_start3A_652, %dma_start3A_653] : memref<4x25x128xf32, #tpu.memory_space<vmem>> -> memref<1x25x128xf32, #tpu.memory_space<vmem>>
        %dma_start3A_655 = tpu.memref_squeeze %dma_start3A_654 : memref<1x25x128xf32, #tpu.memory_space<vmem>> -> memref<25x128xf32, #tpu.memory_space<vmem>>
        %dma_start3A_656 = arith.constant 0 : i32
        %dma_start3A_657 = tpu.memref_slice %arg5[%select_n3A, %add3A_640, %select_n3A_28, %dma_start3A_656] : memref<2x25000x8x128xf32, #tpu.memory_space<hbm>> -> memref<1x25x1x128xf32, #tpu.memory_space<hbm>>
        %dma_start3A_658 = tpu.memref_squeeze %dma_start3A_657 : memref<1x25x1x128xf32, #tpu.memory_space<hbm>> -> memref<25x128xf32, #tpu.memory_space<hbm>>
        tpu.enqueue_dma source(%dma_start3A_658 : memref<25x128xf32, #tpu.memory_space<hbm>>) target(%dma_start3A_655 : memref<25x128xf32, #tpu.memory_space<vmem>>) target_semaphore(%dma_start3A_651 : memref<!tpu.dma_semaphore, #tpu.memory_space<semaphore_mem>>)
      } else {
      }
      %dma_wait3A_453 = arith.constant 0 : i32
      %dma_wait3A_454 = arith.constant 1 : i32
      %dma_wait3A_455 = arith.constant 1 : i32
      %dma_wait3A_456 = arith.constant 0 : i32
      %dma_wait3A_457 = arith.constant 0 : i32
      %dma_wait3A_458 = tpu.memref_slice %arg8[%dma_wait3A_454, %dma_wait3A_456, %dma_wait3A_457] : memref<4x25x128xi32, #tpu.memory_space<vmem>> -> memref<1x25x128xi32, #tpu.memory_space<vmem>>
      %dma_wait3A_459 = tpu.memref_squeeze %dma_wait3A_458 : memref<1x25x128xi32, #tpu.memory_space<vmem>> -> memref<25x128xi32, #tpu.memory_space<vmem>>
      %dma_wait3A_460 = arith.constant 0 : i32
      %dma_wait3A_461 = arith.constant 0 : i32
      %dma_wait3A_462 = tpu.memref_slice %arg4[%dma_wait3A_460, %dma_wait3A_453, %dma_wait3A_461] : memref<25000x2x128xi32, #tpu.memory_space<hbm>> -> memref<25x1x128xi32, #tpu.memory_space<hbm>>
      %dma_wait3A_463 = tpu.memref_squeeze %dma_wait3A_462 : memref<25x1x128xi32, #tpu.memory_space<hbm>> -> memref<25x128xi32, #tpu.memory_space<hbm>>
      %dma_wait3A_464 = tpu.memref_slice %arg10[%dma_wait3A_455] : memref<4x!tpu.dma_semaphore, #tpu.memory_space<semaphore_mem>> -> memref<1x!tpu.dma_semaphore, #tpu.memory_space<semaphore_mem>>
      %dma_wait3A_465 = tpu.memref_squeeze %dma_wait3A_464 : memref<1x!tpu.dma_semaphore, #tpu.memory_space<semaphore_mem>> -> memref<!tpu.dma_semaphore, #tpu.memory_space<semaphore_mem>>
      %dma_wait3A_466 = arith.constant 0 : i32
      %dma_wait3A_467 = arith.constant 0 : i32
      %dma_wait3A_468 = tpu.memref_slice %arg8[%dma_wait3A_454, %dma_wait3A_466, %dma_wait3A_467] : memref<4x25x128xi32, #tpu.memory_space<vmem>> -> memref<1x25x128xi32, #tpu.memory_space<vmem>>
      %dma_wait3A_469 = tpu.memref_squeeze %dma_wait3A_468 : memref<1x25x128xi32, #tpu.memory_space<vmem>> -> memref<25x128xi32, #tpu.memory_space<vmem>>
      %dma_wait3A_470 = arith.constant 0 : i32
      %dma_wait3A_471 = arith.constant 0 : i32
      %dma_wait3A_472 = tpu.memref_slice %arg4[%dma_wait3A_470, %dma_wait3A_453, %dma_wait3A_471] : memref<25000x2x128xi32, #tpu.memory_space<hbm>> -> memref<25x1x128xi32, #tpu.memory_space<hbm>>
      %dma_wait3A_473 = tpu.memref_squeeze %dma_wait3A_472 : memref<25x1x128xi32, #tpu.memory_space<hbm>> -> memref<25x128xi32, #tpu.memory_space<hbm>>
      tpu.wait_dma2 semaphore(%dma_wait3A_465 : memref<!tpu.dma_semaphore, #tpu.memory_space<semaphore_mem>>) src(%dma_wait3A_473 : memref<25x128xi32, #tpu.memory_space<hbm>>) dst(%dma_wait3A_469 : memref<25x128xi32, #tpu.memory_space<vmem>>)
      %dma_wait3A_474 = arith.constant 0 : i32
      %dma_wait3A_475 = arith.constant 0 : i32
      %dma_wait3A_476 = arith.constant 1 : i32
      %dma_wait3A_477 = arith.constant 1 : i32
      %dma_wait3A_478 = arith.constant 0 : i32
      %dma_wait3A_479 = arith.constant 0 : i32
      %dma_wait3A_480 = tpu.memref_slice %arg9[%dma_wait3A_476, %dma_wait3A_478, %dma_wait3A_479] : memref<4x25x128xf32, #tpu.memory_space<vmem>> -> memref<1x25x128xf32, #tpu.memory_space<vmem>>
      %dma_wait3A_481 = tpu.memref_squeeze %dma_wait3A_480 : memref<1x25x128xf32, #tpu.memory_space<vmem>> -> memref<25x128xf32, #tpu.memory_space<vmem>>
      %dma_wait3A_482 = arith.constant 0 : i32
      %dma_wait3A_483 = arith.constant 0 : i32
      %dma_wait3A_484 = tpu.memref_slice %arg5[%dma_wait3A_474, %dma_wait3A_482, %dma_wait3A_475, %dma_wait3A_483] : memref<2x25000x8x128xf32, #tpu.memory_space<hbm>> -> memref<1x25x1x128xf32, #tpu.memory_space<hbm>>
      %dma_wait3A_485 = tpu.memref_squeeze %dma_wait3A_484 : memref<1x25x1x128xf32, #tpu.memory_space<hbm>> -> memref<25x128xf32, #tpu.memory_space<hbm>>
      %dma_wait3A_486 = tpu.memref_slice %arg10[%dma_wait3A_477] : memref<4x!tpu.dma_semaphore, #tpu.memory_space<semaphore_mem>> -> memref<1x!tpu.dma_semaphore, #tpu.memory_space<semaphore_mem>>
      %dma_wait3A_487 = tpu.memref_squeeze %dma_wait3A_486 : memref<1x!tpu.dma_semaphore, #tpu.memory_space<semaphore_mem>> -> memref<!tpu.dma_semaphore, #tpu.memory_space<semaphore_mem>>
      %dma_wait3A_488 = arith.constant 0 : i32
      %dma_wait3A_489 = arith.constant 0 : i32
      %dma_wait3A_490 = tpu.memref_slice %arg9[%dma_wait3A_476, %dma_wait3A_488, %dma_wait3A_489] : memref<4x25x128xf32, #tpu.memory_space<vmem>> -> memref<1x25x128xf32, #tpu.memory_space<vmem>>
      %dma_wait3A_491 = tpu.memref_squeeze %dma_wait3A_490 : memref<1x25x128xf32, #tpu.memory_space<vmem>> -> memref<25x128xf32, #tpu.memory_space<vmem>>
      %dma_wait3A_492 = arith.constant 0 : i32
      %dma_wait3A_493 = arith.constant 0 : i32
      %dma_wait3A_494 = tpu.memref_slice %arg5[%dma_wait3A_474, %dma_wait3A_492, %dma_wait3A_475, %dma_wait3A_493] : memref<2x25000x8x128xf32, #tpu.memory_space<hbm>> -> memref<1x25x1x128xf32, #tpu.memory_space<hbm>>
      %dma_wait3A_495 = tpu.memref_squeeze %dma_wait3A_494 : memref<1x25x1x128xf32, #tpu.memory_space<hbm>> -> memref<25x128xf32, #tpu.memory_space<hbm>>
      tpu.wait_dma2 semaphore(%dma_wait3A_487 : memref<!tpu.dma_semaphore, #tpu.memory_space<semaphore_mem>>) src(%dma_wait3A_495 : memref<25x128xf32, #tpu.memory_space<hbm>>) dst(%dma_wait3A_491 : memref<25x128xf32, #tpu.memory_space<vmem>>)
      %parallel_loop3A_496 = arith.constant 0 : i32
      %parallel_loop3A_497 = arith.constant 200 : i32
      %parallel_loop3A_498 = arith.constant 1 : i32
      scf.for %parallel_loop3A_606 = %parallel_loop3A_496 to %parallel_loop3A_497 step %parallel_loop3A_498  : i32 {
        %parallel_loop3A_607 = arith.constant 3 : i32
        %parallel_loop3A_608 = arith.shrsi %parallel_loop3A_606, %parallel_loop3A_607 : i32
        %parallel_loop3A_609 = arith.constant 7 : i32
        %parallel_loop3A_610 = arith.andi %parallel_loop3A_606, %parallel_loop3A_609 : i32
        %parallel_loop3A_611 = arith.constant 16 : i32
        %parallel_loop3A_612 = arith.muli %parallel_loop3A_610, %parallel_loop3A_611 : i32
        %parallel_loop3A_613 = arith.constant 1 : i32
        %parallel_loop3A_614 = arith.index_cast %parallel_loop3A_613 : i32 to index
        %parallel_loop3A_615 = arith.index_cast %parallel_loop3A_608 : i32 to index
        %parallel_loop3A_616 = arith.index_cast %parallel_loop3A_612 : i32 to index
        %parallel_loop3A_617 = tpu.vector_load %arg8[%parallel_loop3A_614, %parallel_loop3A_615, %parallel_loop3A_616] {strides = array<i32>} : memref<4x25x128xi32, #tpu.memory_space<vmem>>, vector<16xi32>,
        %parallel_loop3A_618 = arith.constant 3 : i32
        %parallel_loop3A_619 = arith.shrsi %parallel_loop3A_606, %parallel_loop3A_618 : i32
        %parallel_loop3A_620 = arith.constant 7 : i32
        %parallel_loop3A_621 = arith.andi %parallel_loop3A_606, %parallel_loop3A_620 : i32
        %parallel_loop3A_622 = arith.constant 16 : i32
        %parallel_loop3A_623 = arith.muli %parallel_loop3A_621, %parallel_loop3A_622 : i32
        %parallel_loop3A_624 = arith.constant 1 : i32
        %parallel_loop3A_625 = arith.index_cast %parallel_loop3A_624 : i32 to index
        %parallel_loop3A_626 = arith.index_cast %parallel_loop3A_619 : i32 to index
        %parallel_loop3A_627 = arith.index_cast %parallel_loop3A_623 : i32 to index
        %parallel_loop3A_628 = tpu.vector_load %arg9[%parallel_loop3A_625, %parallel_loop3A_626, %parallel_loop3A_627] {strides = array<i32>} : memref<4x25x128xf32, #tpu.memory_space<vmem>>, vector<16xf32>,
        tpu.vector_store_idx %arg7[%parallel_loop3A_617], %parallel_loop3A_628 {add = true} : memref<100000xf32, #tpu.memory_space<vmem>>[vector<16xi32>], vector<16xf32>,
      } {sc.loop_unroll_factor = 8 : i64, sc.parallel_access}
      %lt3A_499 = arith.constant 124 : i32
      %lt3A_500 = arith.cmpi slt, %scan3A_405, %lt3A_499 : i32
      %convert_element_type3A_501 = arith.extui %lt3A_500 : i1 to i32
      %cond3A_502 = arith.constant 0 : i32
      %cond3A_503 = arith.cmpi ne, %convert_element_type3A_501, %cond3A_502 : i32
      scf.if %cond3A_503 {
        %add3A_606 = arith.constant 1 : i32
        %add3A_607 = arith.addi %scan3A_405, %add3A_606 : i32
        %mul3A_608 = arith.constant 4 : i32
        %mul3A_609 = arith.muli %add3A_607, %mul3A_608 : i32
        %add3A_610 = arith.constant 1 : i32
        %add3A_611 = arith.addi %mul3A_609, %add3A_610 : i32
        %mul3A_612 = arith.constant 12500 : i32
        %mul3A_613 = arith.muli %arg0, %mul3A_612 : i32
        %mul3A_614 = arith.constant 25 : i32
        %mul3A_615 = arith.muli %add3A_611, %mul3A_614 : i32
        %add3A_616 = arith.addi %mul3A_613, %mul3A_615 : i32
        %dma_start3A_617 = arith.constant 0 : i32
        %dma_start3A_618 = arith.constant 1 : i32
        %dma_start3A_619 = arith.constant 1 : i32
        %dma_start3A_620 = arith.constant 0 : i32
        %dma_start3A_621 = arith.constant 0 : i32
        %dma_start3A_622 = tpu.memref_slice %arg8[%dma_start3A_618, %dma_start3A_620, %dma_start3A_621] : memref<4x25x128xi32, #tpu.memory_space<vmem>> -> memref<1x25x128xi32, #tpu.memory_space<vmem>>
        %dma_start3A_623 = tpu.memref_squeeze %dma_start3A_622 : memref<1x25x128xi32, #tpu.memory_space<vmem>> -> memref<25x128xi32, #tpu.memory_space<vmem>>
        %dma_start3A_624 = arith.constant 0 : i32
        %dma_start3A_625 = tpu.memref_slice %arg4[%add3A_616, %dma_start3A_617, %dma_start3A_624] : memref<25000x2x128xi32, #tpu.memory_space<hbm>> -> memref<25x1x128xi32, #tpu.memory_space<hbm>>
        %dma_start3A_626 = tpu.memref_squeeze %dma_start3A_625 : memref<25x1x128xi32, #tpu.memory_space<hbm>> -> memref<25x128xi32, #tpu.memory_space<hbm>>
        %dma_start3A_627 = tpu.memref_slice %arg10[%dma_start3A_619] : memref<4x!tpu.dma_semaphore, #tpu.memory_space<semaphore_mem>> -> memref<1x!tpu.dma_semaphore, #tpu.memory_space<semaphore_mem>>
        %dma_start3A_628 = tpu.memref_squeeze %dma_start3A_627 : memref<1x!tpu.dma_semaphore, #tpu.memory_space<semaphore_mem>> -> memref<!tpu.dma_semaphore, #tpu.memory_space<semaphore_mem>>
        %dma_start3A_629 = arith.constant 0 : i32
        %dma_start3A_630 = arith.constant 0 : i32
        %dma_start3A_631 = tpu.memref_slice %arg8[%dma_start3A_618, %dma_start3A_629, %dma_start3A_630] : memref<4x25x128xi32, #tpu.memory_space<vmem>> -> memref<1x25x128xi32, #tpu.memory_space<vmem>>
        %dma_start3A_632 = tpu.memref_squeeze %dma_start3A_631 : memref<1x25x128xi32, #tpu.memory_space<vmem>> -> memref<25x128xi32, #tpu.memory_space<vmem>>
        %dma_start3A_633 = arith.constant 0 : i32
        %dma_start3A_634 = tpu.memref_slice %arg4[%add3A_616, %dma_start3A_617, %dma_start3A_633] : memref<25000x2x128xi32, #tpu.memory_space<hbm>> -> memref<25x1x128xi32, #tpu.memory_space<hbm>>
        %dma_start3A_635 = tpu.memref_squeeze %dma_start3A_634 : memref<25x1x128xi32, #tpu.memory_space<hbm>> -> memref<25x128xi32, #tpu.memory_space<hbm>>
        tpu.enqueue_dma source(%dma_start3A_635 : memref<25x128xi32, #tpu.memory_space<hbm>>) target(%dma_start3A_632 : memref<25x128xi32, #tpu.memory_space<vmem>>) target_semaphore(%dma_start3A_628 : memref<!tpu.dma_semaphore, #tpu.memory_space<semaphore_mem>>)
        %mul3A_636 = arith.constant 12500 : i32
        %mul3A_637 = arith.muli %arg0, %mul3A_636 : i32
        %mul3A_638 = arith.constant 25 : i32
        %mul3A_639 = arith.muli %add3A_611, %mul3A_638 : i32
        %add3A_640 = arith.addi %mul3A_637, %mul3A_639 : i32
        %dma_start3A_641 = arith.constant 1 : i32
        %dma_start3A_642 = arith.constant 1 : i32
        %dma_start3A_643 = arith.constant 0 : i32
        %dma_start3A_644 = arith.constant 0 : i32
        %dma_start3A_645 = tpu.memref_slice %arg9[%dma_start3A_641, %dma_start3A_643, %dma_start3A_644] : memref<4x25x128xf32, #tpu.memory_space<vmem>> -> memref<1x25x128xf32, #tpu.memory_space<vmem>>
        %dma_start3A_646 = tpu.memref_squeeze %dma_start3A_645 : memref<1x25x128xf32, #tpu.memory_space<vmem>> -> memref<25x128xf32, #tpu.memory_space<vmem>>
        %dma_start3A_647 = arith.constant 0 : i32
        %dma_start3A_648 = tpu.memref_slice %arg5[%select_n3A, %add3A_640, %select_n3A_28, %dma_start3A_647] : memref<2x25000x8x128xf32, #tpu.memory_space<hbm>> -> memref<1x25x1x128xf32, #tpu.memory_space<hbm>>
        %dma_start3A_649 = tpu.memref_squeeze %dma_start3A_648 : memref<1x25x1x128xf32, #tpu.memory_space<hbm>> -> memref<25x128xf32, #tpu.memory_space<hbm>>
        %dma_start3A_650 = tpu.memref_slice %arg10[%dma_start3A_642] : memref<4x!tpu.dma_semaphore, #tpu.memory_space<semaphore_mem>> -> memref<1x!tpu.dma_semaphore, #tpu.memory_space<semaphore_mem>>
        %dma_start3A_651 = tpu.memref_squeeze %dma_start3A_650 : memref<1x!tpu.dma_semaphore, #tpu.memory_space<semaphore_mem>> -> memref<!tpu.dma_semaphore, #tpu.memory_space<semaphore_mem>>
        %dma_start3A_652 = arith.constant 0 : i32
        %dma_start3A_653 = arith.constant 0 : i32
        %dma_start3A_654 = tpu.memref_slice %arg9[%dma_start3A_641, %dma_start3A_652, %dma_start3A_653] : memref<4x25x128xf32, #tpu.memory_space<vmem>> -> memref<1x25x128xf32, #tpu.memory_space<vmem>>
        %dma_start3A_655 = tpu.memref_squeeze %dma_start3A_654 : memref<1x25x128xf32, #tpu.memory_space<vmem>> -> memref<25x128xf32, #tpu.memory_space<vmem>>
        %dma_start3A_656 = arith.constant 0 : i32
        %dma_start3A_657 = tpu.memref_slice %arg5[%select_n3A, %add3A_640, %select_n3A_28, %dma_start3A_656] : memref<2x25000x8x128xf32, #tpu.memory_space<hbm>> -> memref<1x25x1x128xf32, #tpu.memory_space<hbm>>
        %dma_start3A_658 = tpu.memref_squeeze %dma_start3A_657 : memref<1x25x1x128xf32, #tpu.memory_space<hbm>> -> memref<25x128xf32, #tpu.memory_space<hbm>>
        tpu.enqueue_dma source(%dma_start3A_658 : memref<25x128xf32, #tpu.memory_space<hbm>>) target(%dma_start3A_655 : memref<25x128xf32, #tpu.memory_space<vmem>>) target_semaphore(%dma_start3A_651 : memref<!tpu.dma_semaphore, #tpu.memory_space<semaphore_mem>>)
      } else {
      }
      %dma_wait3A_504 = arith.constant 0 : i32
      %dma_wait3A_505 = arith.constant 2 : i32
      %dma_wait3A_506 = arith.constant 2 : i32
      %dma_wait3A_507 = arith.constant 0 : i32
      %dma_wait3A_508 = arith.constant 0 : i32
      %dma_wait3A_509 = tpu.memref_slice %arg8[%dma_wait3A_505, %dma_wait3A_507, %dma_wait3A_508] : memref<4x25x128xi32, #tpu.memory_space<vmem>> -> memref<1x25x128xi32, #tpu.memory_space<vmem>>
      %dma_wait3A_510 = tpu.memref_squeeze %dma_wait3A_509 : memref<1x25x128xi32, #tpu.memory_space<vmem>> -> memref<25x128xi32, #tpu.memory_space<vmem>>
      %dma_wait3A_511 = arith.constant 0 : i32
      %dma_wait3A_512 = arith.constant 0 : i32
      %dma_wait3A_513 = tpu.memref_slice %arg4[%dma_wait3A_511, %dma_wait3A_504, %dma_wait3A_512] : memref<25000x2x128xi32, #tpu.memory_space<hbm>> -> memref<25x1x128xi32, #tpu.memory_space<hbm>>
      %dma_wait3A_514 = tpu.memref_squeeze %dma_wait3A_513 : memref<25x1x128xi32, #tpu.memory_space<hbm>> -> memref<25x128xi32, #tpu.memory_space<hbm>>
      %dma_wait3A_515 = tpu.memref_slice %arg10[%dma_wait3A_506] : memref<4x!tpu.dma_semaphore, #tpu.memory_space<semaphore_mem>> -> memref<1x!tpu.dma_semaphore, #tpu.memory_space<semaphore_mem>>
      %dma_wait3A_516 = tpu.memref_squeeze %dma_wait3A_515 : memref<1x!tpu.dma_semaphore, #tpu.memory_space<semaphore_mem>> -> memref<!tpu.dma_semaphore, #tpu.memory_space<semaphore_mem>>
      %dma_wait3A_517 = arith.constant 0 : i32
      %dma_wait3A_518 = arith.constant 0 : i32
      %dma_wait3A_519 = tpu.memref_slice %arg8[%dma_wait3A_505, %dma_wait3A_517, %dma_wait3A_518] : memref<4x25x128xi32, #tpu.memory_space<vmem>> -> memref<1x25x128xi32, #tpu.memory_space<vmem>>
      %dma_wait3A_520 = tpu.memref_squeeze %dma_wait3A_519 : memref<1x25x128xi32, #tpu.memory_space<vmem>> -> memref<25x128xi32, #tpu.memory_space<vmem>>
      %dma_wait3A_521 = arith.constant 0 : i32
      %dma_wait3A_522 = arith.constant 0 : i32
      %dma_wait3A_523 = tpu.memref_slice %arg4[%dma_wait3A_521, %dma_wait3A_504, %dma_wait3A_522] : memref<25000x2x128xi32, #tpu.memory_space<hbm>> -> memref<25x1x128xi32, #tpu.memory_space<hbm>>
      %dma_wait3A_524 = tpu.memref_squeeze %dma_wait3A_523 : memref<25x1x128xi32, #tpu.memory_space<hbm>> -> memref<25x128xi32, #tpu.memory_space<hbm>>
      tpu.wait_dma2 semaphore(%dma_wait3A_516 : memref<!tpu.dma_semaphore, #tpu.memory_space<semaphore_mem>>) src(%dma_wait3A_524 : memref<25x128xi32, #tpu.memory_space<hbm>>) dst(%dma_wait3A_520 : memref<25x128xi32, #tpu.memory_space<vmem>>)
      %dma_wait3A_525 = arith.constant 0 : i32
      %dma_wait3A_526 = arith.constant 0 : i32
      %dma_wait3A_527 = arith.constant 2 : i32
      %dma_wait3A_528 = arith.constant 2 : i32
      %dma_wait3A_529 = arith.constant 0 : i32
      %dma_wait3A_530 = arith.constant 0 : i32
      %dma_wait3A_531 = tpu.memref_slice %arg9[%dma_wait3A_527, %dma_wait3A_529, %dma_wait3A_530] : memref<4x25x128xf32, #tpu.memory_space<vmem>> -> memref<1x25x128xf32, #tpu.memory_space<vmem>>
      %dma_wait3A_532 = tpu.memref_squeeze %dma_wait3A_531 : memref<1x25x128xf32, #tpu.memory_space<vmem>> -> memref<25x128xf32, #tpu.memory_space<vmem>>
      %dma_wait3A_533 = arith.constant 0 : i32
      %dma_wait3A_534 = arith.constant 0 : i32
      %dma_wait3A_535 = tpu.memref_slice %arg5[%dma_wait3A_525, %dma_wait3A_533, %dma_wait3A_526, %dma_wait3A_534] : memref<2x25000x8x128xf32, #tpu.memory_space<hbm>> -> memref<1x25x1x128xf32, #tpu.memory_space<hbm>>
      %dma_wait3A_536 = tpu.memref_squeeze %dma_wait3A_535 : memref<1x25x1x128xf32, #tpu.memory_space<hbm>> -> memref<25x128xf32, #tpu.memory_space<hbm>>
      %dma_wait3A_537 = tpu.memref_slice %arg10[%dma_wait3A_528] : memref<4x!tpu.dma_semaphore, #tpu.memory_space<semaphore_mem>> -> memref<1x!tpu.dma_semaphore, #tpu.memory_space<semaphore_mem>>
      %dma_wait3A_538 = tpu.memref_squeeze %dma_wait3A_537 : memref<1x!tpu.dma_semaphore, #tpu.memory_space<semaphore_mem>> -> memref<!tpu.dma_semaphore, #tpu.memory_space<semaphore_mem>>
      %dma_wait3A_539 = arith.constant 0 : i32
      %dma_wait3A_540 = arith.constant 0 : i32
      %dma_wait3A_541 = tpu.memref_slice %arg9[%dma_wait3A_527, %dma_wait3A_539, %dma_wait3A_540] : memref<4x25x128xf32, #tpu.memory_space<vmem>> -> memref<1x25x128xf32, #tpu.memory_space<vmem>>
      %dma_wait3A_542 = tpu.memref_squeeze %dma_wait3A_541 : memref<1x25x128xf32, #tpu.memory_space<vmem>> -> memref<25x128xf32, #tpu.memory_space<vmem>>
      %dma_wait3A_543 = arith.constant 0 : i32
      %dma_wait3A_544 = arith.constant 0 : i32
      %dma_wait3A_545 = tpu.memref_slice %arg5[%dma_wait3A_525, %dma_wait3A_543, %dma_wait3A_526, %dma_wait3A_544] : memref<2x25000x8x128xf32, #tpu.memory_space<hbm>> -> memref<1x25x1x128xf32, #tpu.memory_space<hbm>>
      %dma_wait3A_546 = tpu.memref_squeeze %dma_wait3A_545 : memref<1x25x1x128xf32, #tpu.memory_space<hbm>> -> memref<25x128xf32, #tpu.memory_space<hbm>>
      tpu.wait_dma2 semaphore(%dma_wait3A_538 : memref<!tpu.dma_semaphore, #tpu.memory_space<semaphore_mem>>) src(%dma_wait3A_546 : memref<25x128xf32, #tpu.memory_space<hbm>>) dst(%dma_wait3A_542 : memref<25x128xf32, #tpu.memory_space<vmem>>)
      %parallel_loop3A_547 = arith.constant 0 : i32
      %parallel_loop3A_548 = arith.constant 200 : i32
      %parallel_loop3A_549 = arith.constant 1 : i32
      scf.for %parallel_loop3A_606 = %parallel_loop3A_547 to %parallel_loop3A_548 step %parallel_loop3A_549  : i32 {
        %parallel_loop3A_607 = arith.constant 3 : i32
        %parallel_loop3A_608 = arith.shrsi %parallel_loop3A_606, %parallel_loop3A_607 : i32
        %parallel_loop3A_609 = arith.constant 7 : i32
        %parallel_loop3A_610 = arith.andi %parallel_loop3A_606, %parallel_loop3A_609 : i32
        %parallel_loop3A_611 = arith.constant 16 : i32
        %parallel_loop3A_612 = arith.muli %parallel_loop3A_610, %parallel_loop3A_611 : i32
        %parallel_loop3A_613 = arith.constant 2 : i32
        %parallel_loop3A_614 = arith.index_cast %parallel_loop3A_613 : i32 to index
        %parallel_loop3A_615 = arith.index_cast %parallel_loop3A_608 : i32 to index
        %parallel_loop3A_616 = arith.index_cast %parallel_loop3A_612 : i32 to index
        %parallel_loop3A_617 = tpu.vector_load %arg8[%parallel_loop3A_614, %parallel_loop3A_615, %parallel_loop3A_616] {strides = array<i32>} : memref<4x25x128xi32, #tpu.memory_space<vmem>>, vector<16xi32>,
        %parallel_loop3A_618 = arith.constant 3 : i32
        %parallel_loop3A_619 = arith.shrsi %parallel_loop3A_606, %parallel_loop3A_618 : i32
        %parallel_loop3A_620 = arith.constant 7 : i32
        %parallel_loop3A_621 = arith.andi %parallel_loop3A_606, %parallel_loop3A_620 : i32
        %parallel_loop3A_622 = arith.constant 16 : i32
        %parallel_loop3A_623 = arith.muli %parallel_loop3A_621, %parallel_loop3A_622 : i32
        %parallel_loop3A_624 = arith.constant 2 : i32
        %parallel_loop3A_625 = arith.index_cast %parallel_loop3A_624 : i32 to index
        %parallel_loop3A_626 = arith.index_cast %parallel_loop3A_619 : i32 to index
        %parallel_loop3A_627 = arith.index_cast %parallel_loop3A_623 : i32 to index
        %parallel_loop3A_628 = tpu.vector_load %arg9[%parallel_loop3A_625, %parallel_loop3A_626, %parallel_loop3A_627] {strides = array<i32>} : memref<4x25x128xf32, #tpu.memory_space<vmem>>, vector<16xf32>,
        tpu.vector_store_idx %arg7[%parallel_loop3A_617], %parallel_loop3A_628 {add = true} : memref<100000xf32, #tpu.memory_space<vmem>>[vector<16xi32>], vector<16xf32>,
      } {sc.loop_unroll_factor = 8 : i64, sc.parallel_access}
      %lt3A_550 = arith.constant 124 : i32
      %lt3A_551 = arith.cmpi slt, %scan3A_405, %lt3A_550 : i32
      %convert_element_type3A_552 = arith.extui %lt3A_551 : i1 to i32
      %cond3A_553 = arith.constant 0 : i32
      %cond3A_554 = arith.cmpi ne, %convert_element_type3A_552, %cond3A_553 : i32
      scf.if %cond3A_554 {
        %add3A_606 = arith.constant 1 : i32
        %add3A_607 = arith.addi %scan3A_405, %add3A_606 : i32
        %mul3A_608 = arith.constant 4 : i32
        %mul3A_609 = arith.muli %add3A_607, %mul3A_608 : i32
        %add3A_610 = arith.constant 2 : i32
        %add3A_611 = arith.addi %mul3A_609, %add3A_610 : i32
        %mul3A_612 = arith.constant 12500 : i32
        %mul3A_613 = arith.muli %arg0, %mul3A_612 : i32
        %mul3A_614 = arith.constant 25 : i32
        %mul3A_615 = arith.muli %add3A_611, %mul3A_614 : i32
        %add3A_616 = arith.addi %mul3A_613, %mul3A_615 : i32
        %dma_start3A_617 = arith.constant 0 : i32
        %dma_start3A_618 = arith.constant 2 : i32
        %dma_start3A_619 = arith.constant 2 : i32
        %dma_start3A_620 = arith.constant 0 : i32
        %dma_start3A_621 = arith.constant 0 : i32
        %dma_start3A_622 = tpu.memref_slice %arg8[%dma_start3A_618, %dma_start3A_620, %dma_start3A_621] : memref<4x25x128xi32, #tpu.memory_space<vmem>> -> memref<1x25x128xi32, #tpu.memory_space<vmem>>
        %dma_start3A_623 = tpu.memref_squeeze %dma_start3A_622 : memref<1x25x128xi32, #tpu.memory_space<vmem>> -> memref<25x128xi32, #tpu.memory_space<vmem>>
        %dma_start3A_624 = arith.constant 0 : i32
        %dma_start3A_625 = tpu.memref_slice %arg4[%add3A_616, %dma_start3A_617, %dma_start3A_624] : memref<25000x2x128xi32, #tpu.memory_space<hbm>> -> memref<25x1x128xi32, #tpu.memory_space<hbm>>
        %dma_start3A_626 = tpu.memref_squeeze %dma_start3A_625 : memref<25x1x128xi32, #tpu.memory_space<hbm>> -> memref<25x128xi32, #tpu.memory_space<hbm>>
        %dma_start3A_627 = tpu.memref_slice %arg10[%dma_start3A_619] : memref<4x!tpu.dma_semaphore, #tpu.memory_space<semaphore_mem>> -> memref<1x!tpu.dma_semaphore, #tpu.memory_space<semaphore_mem>>
        %dma_start3A_628 = tpu.memref_squeeze %dma_start3A_627 : memref<1x!tpu.dma_semaphore, #tpu.memory_space<semaphore_mem>> -> memref<!tpu.dma_semaphore, #tpu.memory_space<semaphore_mem>>
        %dma_start3A_629 = arith.constant 0 : i32
        %dma_start3A_630 = arith.constant 0 : i32
        %dma_start3A_631 = tpu.memref_slice %arg8[%dma_start3A_618, %dma_start3A_629, %dma_start3A_630] : memref<4x25x128xi32, #tpu.memory_space<vmem>> -> memref<1x25x128xi32, #tpu.memory_space<vmem>>
        %dma_start3A_632 = tpu.memref_squeeze %dma_start3A_631 : memref<1x25x128xi32, #tpu.memory_space<vmem>> -> memref<25x128xi32, #tpu.memory_space<vmem>>
        %dma_start3A_633 = arith.constant 0 : i32
        %dma_start3A_634 = tpu.memref_slice %arg4[%add3A_616, %dma_start3A_617, %dma_start3A_633] : memref<25000x2x128xi32, #tpu.memory_space<hbm>> -> memref<25x1x128xi32, #tpu.memory_space<hbm>>
        %dma_start3A_635 = tpu.memref_squeeze %dma_start3A_634 : memref<25x1x128xi32, #tpu.memory_space<hbm>> -> memref<25x128xi32, #tpu.memory_space<hbm>>
        tpu.enqueue_dma source(%dma_start3A_635 : memref<25x128xi32, #tpu.memory_space<hbm>>) target(%dma_start3A_632 : memref<25x128xi32, #tpu.memory_space<vmem>>) target_semaphore(%dma_start3A_628 : memref<!tpu.dma_semaphore, #tpu.memory_space<semaphore_mem>>)
        %mul3A_636 = arith.constant 12500 : i32
        %mul3A_637 = arith.muli %arg0, %mul3A_636 : i32
        %mul3A_638 = arith.constant 25 : i32
        %mul3A_639 = arith.muli %add3A_611, %mul3A_638 : i32
        %add3A_640 = arith.addi %mul3A_637, %mul3A_639 : i32
        %dma_start3A_641 = arith.constant 2 : i32
        %dma_start3A_642 = arith.constant 2 : i32
        %dma_start3A_643 = arith.constant 0 : i32
        %dma_start3A_644 = arith.constant 0 : i32
        %dma_start3A_645 = tpu.memref_slice %arg9[%dma_start3A_641, %dma_start3A_643, %dma_start3A_644] : memref<4x25x128xf32, #tpu.memory_space<vmem>> -> memref<1x25x128xf32, #tpu.memory_space<vmem>>
        %dma_start3A_646 = tpu.memref_squeeze %dma_start3A_645 : memref<1x25x128xf32, #tpu.memory_space<vmem>> -> memref<25x128xf32, #tpu.memory_space<vmem>>
        %dma_start3A_647 = arith.constant 0 : i32
        %dma_start3A_648 = tpu.memref_slice %arg5[%select_n3A, %add3A_640, %select_n3A_28, %dma_start3A_647] : memref<2x25000x8x128xf32, #tpu.memory_space<hbm>> -> memref<1x25x1x128xf32, #tpu.memory_space<hbm>>
        %dma_start3A_649 = tpu.memref_squeeze %dma_start3A_648 : memref<1x25x1x128xf32, #tpu.memory_space<hbm>> -> memref<25x128xf32, #tpu.memory_space<hbm>>
        %dma_start3A_650 = tpu.memref_slice %arg10[%dma_start3A_642] : memref<4x!tpu.dma_semaphore, #tpu.memory_space<semaphore_mem>> -> memref<1x!tpu.dma_semaphore, #tpu.memory_space<semaphore_mem>>
        %dma_start3A_651 = tpu.memref_squeeze %dma_start3A_650 : memref<1x!tpu.dma_semaphore, #tpu.memory_space<semaphore_mem>> -> memref<!tpu.dma_semaphore, #tpu.memory_space<semaphore_mem>>
        %dma_start3A_652 = arith.constant 0 : i32
        %dma_start3A_653 = arith.constant 0 : i32
        %dma_start3A_654 = tpu.memref_slice %arg9[%dma_start3A_641, %dma_start3A_652, %dma_start3A_653] : memref<4x25x128xf32, #tpu.memory_space<vmem>> -> memref<1x25x128xf32, #tpu.memory_space<vmem>>
        %dma_start3A_655 = tpu.memref_squeeze %dma_start3A_654 : memref<1x25x128xf32, #tpu.memory_space<vmem>> -> memref<25x128xf32, #tpu.memory_space<vmem>>
        %dma_start3A_656 = arith.constant 0 : i32
        %dma_start3A_657 = tpu.memref_slice %arg5[%select_n3A, %add3A_640, %select_n3A_28, %dma_start3A_656] : memref<2x25000x8x128xf32, #tpu.memory_space<hbm>> -> memref<1x25x1x128xf32, #tpu.memory_space<hbm>>
        %dma_start3A_658 = tpu.memref_squeeze %dma_start3A_657 : memref<1x25x1x128xf32, #tpu.memory_space<hbm>> -> memref<25x128xf32, #tpu.memory_space<hbm>>
        tpu.enqueue_dma source(%dma_start3A_658 : memref<25x128xf32, #tpu.memory_space<hbm>>) target(%dma_start3A_655 : memref<25x128xf32, #tpu.memory_space<vmem>>) target_semaphore(%dma_start3A_651 : memref<!tpu.dma_semaphore, #tpu.memory_space<semaphore_mem>>)
      } else {
      }
      %dma_wait3A_555 = arith.constant 0 : i32
      %dma_wait3A_556 = arith.constant 3 : i32
      %dma_wait3A_557 = arith.constant 3 : i32
      %dma_wait3A_558 = arith.constant 0 : i32
      %dma_wait3A_559 = arith.constant 0 : i32
      %dma_wait3A_560 = tpu.memref_slice %arg8[%dma_wait3A_556, %dma_wait3A_558, %dma_wait3A_559] : memref<4x25x128xi32, #tpu.memory_space<vmem>> -> memref<1x25x128xi32, #tpu.memory_space<vmem>>
      %dma_wait3A_561 = tpu.memref_squeeze %dma_wait3A_560 : memref<1x25x128xi32, #tpu.memory_space<vmem>> -> memref<25x128xi32, #tpu.memory_space<vmem>>
      %dma_wait3A_562 = arith.constant 0 : i32
      %dma_wait3A_563 = arith.constant 0 : i32
      %dma_wait3A_564 = tpu.memref_slice %arg4[%dma_wait3A_562, %dma_wait3A_555, %dma_wait3A_563] : memref<25000x2x128xi32, #tpu.memory_space<hbm>> -> memref<25x1x128xi32, #tpu.memory_space<hbm>>
      %dma_wait3A_565 = tpu.memref_squeeze %dma_wait3A_564 : memref<25x1x128xi32, #tpu.memory_space<hbm>> -> memref<25x128xi32, #tpu.memory_space<hbm>>
      %dma_wait3A_566 = tpu.memref_slice %arg10[%dma_wait3A_557] : memref<4x!tpu.dma_semaphore, #tpu.memory_space<semaphore_mem>> -> memref<1x!tpu.dma_semaphore, #tpu.memory_space<semaphore_mem>>
      %dma_wait3A_567 = tpu.memref_squeeze %dma_wait3A_566 : memref<1x!tpu.dma_semaphore, #tpu.memory_space<semaphore_mem>> -> memref<!tpu.dma_semaphore, #tpu.memory_space<semaphore_mem>>
      %dma_wait3A_568 = arith.constant 0 : i32
      %dma_wait3A_569 = arith.constant 0 : i32
      %dma_wait3A_570 = tpu.memref_slice %arg8[%dma_wait3A_556, %dma_wait3A_568, %dma_wait3A_569] : memref<4x25x128xi32, #tpu.memory_space<vmem>> -> memref<1x25x128xi32, #tpu.memory_space<vmem>>
      %dma_wait3A_571 = tpu.memref_squeeze %dma_wait3A_570 : memref<1x25x128xi32, #tpu.memory_space<vmem>> -> memref<25x128xi32, #tpu.memory_space<vmem>>
      %dma_wait3A_572 = arith.constant 0 : i32
      %dma_wait3A_573 = arith.constant 0 : i32
      %dma_wait3A_574 = tpu.memref_slice %arg4[%dma_wait3A_572, %dma_wait3A_555, %dma_wait3A_573] : memref<25000x2x128xi32, #tpu.memory_space<hbm>> -> memref<25x1x128xi32, #tpu.memory_space<hbm>>
      %dma_wait3A_575 = tpu.memref_squeeze %dma_wait3A_574 : memref<25x1x128xi32, #tpu.memory_space<hbm>> -> memref<25x128xi32, #tpu.memory_space<hbm>>
      tpu.wait_dma2 semaphore(%dma_wait3A_567 : memref<!tpu.dma_semaphore, #tpu.memory_space<semaphore_mem>>) src(%dma_wait3A_575 : memref<25x128xi32, #tpu.memory_space<hbm>>) dst(%dma_wait3A_571 : memref<25x128xi32, #tpu.memory_space<vmem>>)
      %dma_wait3A_576 = arith.constant 0 : i32
      %dma_wait3A_577 = arith.constant 0 : i32
      %dma_wait3A_578 = arith.constant 3 : i32
      %dma_wait3A_579 = arith.constant 3 : i32
      %dma_wait3A_580 = arith.constant 0 : i32
      %dma_wait3A_581 = arith.constant 0 : i32
      %dma_wait3A_582 = tpu.memref_slice %arg9[%dma_wait3A_578, %dma_wait3A_580, %dma_wait3A_581] : memref<4x25x128xf32, #tpu.memory_space<vmem>> -> memref<1x25x128xf32, #tpu.memory_space<vmem>>
      %dma_wait3A_583 = tpu.memref_squeeze %dma_wait3A_582 : memref<1x25x128xf32, #tpu.memory_space<vmem>> -> memref<25x128xf32, #tpu.memory_space<vmem>>
      %dma_wait3A_584 = arith.constant 0 : i32
      %dma_wait3A_585 = arith.constant 0 : i32
      %dma_wait3A_586 = tpu.memref_slice %arg5[%dma_wait3A_576, %dma_wait3A_584, %dma_wait3A_577, %dma_wait3A_585] : memref<2x25000x8x128xf32, #tpu.memory_space<hbm>> -> memref<1x25x1x128xf32, #tpu.memory_space<hbm>>
      %dma_wait3A_587 = tpu.memref_squeeze %dma_wait3A_586 : memref<1x25x1x128xf32, #tpu.memory_space<hbm>> -> memref<25x128xf32, #tpu.memory_space<hbm>>
      %dma_wait3A_588 = tpu.memref_slice %arg10[%dma_wait3A_579] : memref<4x!tpu.dma_semaphore, #tpu.memory_space<semaphore_mem>> -> memref<1x!tpu.dma_semaphore, #tpu.memory_space<semaphore_mem>>
      %dma_wait3A_589 = tpu.memref_squeeze %dma_wait3A_588 : memref<1x!tpu.dma_semaphore, #tpu.memory_space<semaphore_mem>> -> memref<!tpu.dma_semaphore, #tpu.memory_space<semaphore_mem>>
      %dma_wait3A_590 = arith.constant 0 : i32
      %dma_wait3A_591 = arith.constant 0 : i32
      %dma_wait3A_592 = tpu.memref_slice %arg9[%dma_wait3A_578, %dma_wait3A_590, %dma_wait3A_591] : memref<4x25x128xf32, #tpu.memory_space<vmem>> -> memref<1x25x128xf32, #tpu.memory_space<vmem>>
      %dma_wait3A_593 = tpu.memref_squeeze %dma_wait3A_592 : memref<1x25x128xf32, #tpu.memory_space<vmem>> -> memref<25x128xf32, #tpu.memory_space<vmem>>
      %dma_wait3A_594 = arith.constant 0 : i32
      %dma_wait3A_595 = arith.constant 0 : i32
      %dma_wait3A_596 = tpu.memref_slice %arg5[%dma_wait3A_576, %dma_wait3A_594, %dma_wait3A_577, %dma_wait3A_595] : memref<2x25000x8x128xf32, #tpu.memory_space<hbm>> -> memref<1x25x1x128xf32, #tpu.memory_space<hbm>>
      %dma_wait3A_597 = tpu.memref_squeeze %dma_wait3A_596 : memref<1x25x1x128xf32, #tpu.memory_space<hbm>> -> memref<25x128xf32, #tpu.memory_space<hbm>>
      tpu.wait_dma2 semaphore(%dma_wait3A_589 : memref<!tpu.dma_semaphore, #tpu.memory_space<semaphore_mem>>) src(%dma_wait3A_597 : memref<25x128xf32, #tpu.memory_space<hbm>>) dst(%dma_wait3A_593 : memref<25x128xf32, #tpu.memory_space<vmem>>)
      %parallel_loop3A_598 = arith.constant 0 : i32
      %parallel_loop3A_599 = arith.constant 200 : i32
      %parallel_loop3A_600 = arith.constant 1 : i32
      scf.for %parallel_loop3A_606 = %parallel_loop3A_598 to %parallel_loop3A_599 step %parallel_loop3A_600  : i32 {
        %parallel_loop3A_607 = arith.constant 3 : i32
        %parallel_loop3A_608 = arith.shrsi %parallel_loop3A_606, %parallel_loop3A_607 : i32
        %parallel_loop3A_609 = arith.constant 7 : i32
        %parallel_loop3A_610 = arith.andi %parallel_loop3A_606, %parallel_loop3A_609 : i32
        %parallel_loop3A_611 = arith.constant 16 : i32
        %parallel_loop3A_612 = arith.muli %parallel_loop3A_610, %parallel_loop3A_611 : i32
        %parallel_loop3A_613 = arith.constant 3 : i32
        %parallel_loop3A_614 = arith.index_cast %parallel_loop3A_613 : i32 to index
        %parallel_loop3A_615 = arith.index_cast %parallel_loop3A_608 : i32 to index
        %parallel_loop3A_616 = arith.index_cast %parallel_loop3A_612 : i32 to index
        %parallel_loop3A_617 = tpu.vector_load %arg8[%parallel_loop3A_614, %parallel_loop3A_615, %parallel_loop3A_616] {strides = array<i32>} : memref<4x25x128xi32, #tpu.memory_space<vmem>>, vector<16xi32>,
        %parallel_loop3A_618 = arith.constant 3 : i32
        %parallel_loop3A_619 = arith.shrsi %parallel_loop3A_606, %parallel_loop3A_618 : i32
        %parallel_loop3A_620 = arith.constant 7 : i32
        %parallel_loop3A_621 = arith.andi %parallel_loop3A_606, %parallel_loop3A_620 : i32
        %parallel_loop3A_622 = arith.constant 16 : i32
        %parallel_loop3A_623 = arith.muli %parallel_loop3A_621, %parallel_loop3A_622 : i32
        %parallel_loop3A_624 = arith.constant 3 : i32
        %parallel_loop3A_625 = arith.index_cast %parallel_loop3A_624 : i32 to index
        %parallel_loop3A_626 = arith.index_cast %parallel_loop3A_619 : i32 to index
        %parallel_loop3A_627 = arith.index_cast %parallel_loop3A_623 : i32 to index
        %parallel_loop3A_628 = tpu.vector_load %arg9[%parallel_loop3A_625, %parallel_loop3A_626, %parallel_loop3A_627] {strides = array<i32>} : memref<4x25x128xf32, #tpu.memory_space<vmem>>, vector<16xf32>,
        tpu.vector_store_idx %arg7[%parallel_loop3A_617], %parallel_loop3A_628 {add = true} : memref<100000xf32, #tpu.memory_space<vmem>>[vector<16xi32>], vector<16xf32>,
      } {sc.loop_unroll_factor = 8 : i64, sc.parallel_access}
      %lt3A_601 = arith.constant 124 : i32
      %lt3A_602 = arith.cmpi slt, %scan3A_405, %lt3A_601 : i32
      %convert_element_type3A_603 = arith.extui %lt3A_602 : i1 to i32
      %cond3A_604 = arith.constant 0 : i32
      %cond3A_605 = arith.cmpi ne, %convert_element_type3A_603, %cond3A_604 : i32
      scf.if %cond3A_605 {
        %add3A_606 = arith.constant 1 : i32
        %add3A_607 = arith.addi %scan3A_405, %add3A_606 : i32
        %mul3A_608 = arith.constant 4 : i32
        %mul3A_609 = arith.muli %add3A_607, %mul3A_608 : i32
        %add3A_610 = arith.constant 3 : i32
        %add3A_611 = arith.addi %mul3A_609, %add3A_610 : i32
        %mul3A_612 = arith.constant 12500 : i32
        %mul3A_613 = arith.muli %arg0, %mul3A_612 : i32
        %mul3A_614 = arith.constant 25 : i32
        %mul3A_615 = arith.muli %add3A_611, %mul3A_614 : i32
        %add3A_616 = arith.addi %mul3A_613, %mul3A_615 : i32
        %dma_start3A_617 = arith.constant 0 : i32
        %dma_start3A_618 = arith.constant 3 : i32
        %dma_start3A_619 = arith.constant 3 : i32
        %dma_start3A_620 = arith.constant 0 : i32
        %dma_start3A_621 = arith.constant 0 : i32
        %dma_start3A_622 = tpu.memref_slice %arg8[%dma_start3A_618, %dma_start3A_620, %dma_start3A_621] : memref<4x25x128xi32, #tpu.memory_space<vmem>> -> memref<1x25x128xi32, #tpu.memory_space<vmem>>
        %dma_start3A_623 = tpu.memref_squeeze %dma_start3A_622 : memref<1x25x128xi32, #tpu.memory_space<vmem>> -> memref<25x128xi32, #tpu.memory_space<vmem>>
        %dma_start3A_624 = arith.constant 0 : i32
        %dma_start3A_625 = tpu.memref_slice %arg4[%add3A_616, %dma_start3A_617, %dma_start3A_624] : memref<25000x2x128xi32, #tpu.memory_space<hbm>> -> memref<25x1x128xi32, #tpu.memory_space<hbm>>
        %dma_start3A_626 = tpu.memref_squeeze %dma_start3A_625 : memref<25x1x128xi32, #tpu.memory_space<hbm>> -> memref<25x128xi32, #tpu.memory_space<hbm>>
        %dma_start3A_627 = tpu.memref_slice %arg10[%dma_start3A_619] : memref<4x!tpu.dma_semaphore, #tpu.memory_space<semaphore_mem>> -> memref<1x!tpu.dma_semaphore, #tpu.memory_space<semaphore_mem>>
        %dma_start3A_628 = tpu.memref_squeeze %dma_start3A_627 : memref<1x!tpu.dma_semaphore, #tpu.memory_space<semaphore_mem>> -> memref<!tpu.dma_semaphore, #tpu.memory_space<semaphore_mem>>
        %dma_start3A_629 = arith.constant 0 : i32
        %dma_start3A_630 = arith.constant 0 : i32
        %dma_start3A_631 = tpu.memref_slice %arg8[%dma_start3A_618, %dma_start3A_629, %dma_start3A_630] : memref<4x25x128xi32, #tpu.memory_space<vmem>> -> memref<1x25x128xi32, #tpu.memory_space<vmem>>
        %dma_start3A_632 = tpu.memref_squeeze %dma_start3A_631 : memref<1x25x128xi32, #tpu.memory_space<vmem>> -> memref<25x128xi32, #tpu.memory_space<vmem>>
        %dma_start3A_633 = arith.constant 0 : i32
        %dma_start3A_634 = tpu.memref_slice %arg4[%add3A_616, %dma_start3A_617, %dma_start3A_633] : memref<25000x2x128xi32, #tpu.memory_space<hbm>> -> memref<25x1x128xi32, #tpu.memory_space<hbm>>
        %dma_start3A_635 = tpu.memref_squeeze %dma_start3A_634 : memref<25x1x128xi32, #tpu.memory_space<hbm>> -> memref<25x128xi32, #tpu.memory_space<hbm>>
        tpu.enqueue_dma source(%dma_start3A_635 : memref<25x128xi32, #tpu.memory_space<hbm>>) target(%dma_start3A_632 : memref<25x128xi32, #tpu.memory_space<vmem>>) target_semaphore(%dma_start3A_628 : memref<!tpu.dma_semaphore, #tpu.memory_space<semaphore_mem>>)
        %mul3A_636 = arith.constant 12500 : i32
        %mul3A_637 = arith.muli %arg0, %mul3A_636 : i32
        %mul3A_638 = arith.constant 25 : i32
        %mul3A_639 = arith.muli %add3A_611, %mul3A_638 : i32
        %add3A_640 = arith.addi %mul3A_637, %mul3A_639 : i32
        %dma_start3A_641 = arith.constant 3 : i32
        %dma_start3A_642 = arith.constant 3 : i32
        %dma_start3A_643 = arith.constant 0 : i32
        %dma_start3A_644 = arith.constant 0 : i32
        %dma_start3A_645 = tpu.memref_slice %arg9[%dma_start3A_641, %dma_start3A_643, %dma_start3A_644] : memref<4x25x128xf32, #tpu.memory_space<vmem>> -> memref<1x25x128xf32, #tpu.memory_space<vmem>>
        %dma_start3A_646 = tpu.memref_squeeze %dma_start3A_645 : memref<1x25x128xf32, #tpu.memory_space<vmem>> -> memref<25x128xf32, #tpu.memory_space<vmem>>
        %dma_start3A_647 = arith.constant 0 : i32
        %dma_start3A_648 = tpu.memref_slice %arg5[%select_n3A, %add3A_640, %select_n3A_28, %dma_start3A_647] : memref<2x25000x8x128xf32, #tpu.memory_space<hbm>> -> memref<1x25x1x128xf32, #tpu.memory_space<hbm>>
        %dma_start3A_649 = tpu.memref_squeeze %dma_start3A_648 : memref<1x25x1x128xf32, #tpu.memory_space<hbm>> -> memref<25x128xf32, #tpu.memory_space<hbm>>
        %dma_start3A_650 = tpu.memref_slice %arg10[%dma_start3A_642] : memref<4x!tpu.dma_semaphore, #tpu.memory_space<semaphore_mem>> -> memref<1x!tpu.dma_semaphore, #tpu.memory_space<semaphore_mem>>
        %dma_start3A_651 = tpu.memref_squeeze %dma_start3A_650 : memref<1x!tpu.dma_semaphore, #tpu.memory_space<semaphore_mem>> -> memref<!tpu.dma_semaphore, #tpu.memory_space<semaphore_mem>>
        %dma_start3A_652 = arith.constant 0 : i32
        %dma_start3A_653 = arith.constant 0 : i32
        %dma_start3A_654 = tpu.memref_slice %arg9[%dma_start3A_641, %dma_start3A_652, %dma_start3A_653] : memref<4x25x128xf32, #tpu.memory_space<vmem>> -> memref<1x25x128xf32, #tpu.memory_space<vmem>>
        %dma_start3A_655 = tpu.memref_squeeze %dma_start3A_654 : memref<1x25x128xf32, #tpu.memory_space<vmem>> -> memref<25x128xf32, #tpu.memory_space<vmem>>
        %dma_start3A_656 = arith.constant 0 : i32
        %dma_start3A_657 = tpu.memref_slice %arg5[%select_n3A, %add3A_640, %select_n3A_28, %dma_start3A_656] : memref<2x25000x8x128xf32, #tpu.memory_space<hbm>> -> memref<1x25x1x128xf32, #tpu.memory_space<hbm>>
        %dma_start3A_658 = tpu.memref_squeeze %dma_start3A_657 : memref<1x25x1x128xf32, #tpu.memory_space<hbm>> -> memref<25x128xf32, #tpu.memory_space<hbm>>
        tpu.enqueue_dma source(%dma_start3A_658 : memref<25x128xf32, #tpu.memory_space<hbm>>) target(%dma_start3A_655 : memref<25x128xf32, #tpu.memory_space<vmem>>) target_semaphore(%dma_start3A_651 : memref<!tpu.dma_semaphore, #tpu.memory_space<semaphore_mem>>)
      } else {
      }
    }
    %scan3A_404 = arith.constant 125 : i32
    "tpu.region"() ({
      %run_scoped3A = tpu.sem_alloc : memref<!tpu.dma_semaphore, #tpu.memory_space<semaphore_mem>>
      %dma_start3A_405 = arith.constant 0 : i32
      %dma_start3A_406 = tpu.memref_slice %arg6[%arg0, %arg1, %dma_start3A_405] : memref<2x16x100000xf32, #tpu.memory_space<hbm>> -> memref<1x1x100000xf32, #tpu.memory_space<hbm>>
      %dma_start3A_407 = tpu.memref_squeeze %dma_start3A_406 : memref<1x1x100000xf32, #tpu.memory_space<hbm>> -> memref<100000xf32, #tpu.memory_space<hbm>>
      %dma_start3A_408 = arith.constant 0 : i32
      %dma_start3A_409 = tpu.memref_slice %arg6[%arg0, %arg1, %dma_start3A_408] : memref<2x16x100000xf32, #tpu.memory_space<hbm>> -> memref<1x1x100000xf32, #tpu.memory_space<hbm>>
      %dma_start3A_410 = tpu.memref_squeeze %dma_start3A_409 : memref<1x1x100000xf32, #tpu.memory_space<hbm>> -> memref<100000xf32, #tpu.memory_space<hbm>>
      tpu.enqueue_dma source(%arg7 : memref<100000xf32, #tpu.memory_space<vmem>>) target(%dma_start3A_410 : memref<100000xf32, #tpu.memory_space<hbm>>) target_semaphore(%run_scoped3A : memref<!tpu.dma_semaphore, #tpu.memory_space<semaphore_mem>>)
      %dma_wait3A = arith.constant 0 : i32
      %dma_wait3A_411 = tpu.memref_slice %arg6[%arg0, %arg1, %dma_wait3A] : memref<2x16x100000xf32, #tpu.memory_space<hbm>> -> memref<1x1x100000xf32, #tpu.memory_space<hbm>>
      %dma_wait3A_412 = tpu.memref_squeeze %dma_wait3A_411 : memref<1x1x100000xf32, #tpu.memory_space<hbm>> -> memref<100000xf32, #tpu.memory_space<hbm>>
      %dma_wait3A_413 = arith.constant 0 : i32
      %dma_wait3A_414 = tpu.memref_slice %arg6[%arg0, %arg1, %dma_wait3A_413] : memref<2x16x100000xf32, #tpu.memory_space<hbm>> -> memref<1x1x100000xf32, #tpu.memory_space<hbm>>
      %dma_wait3A_415 = tpu.memref_squeeze %dma_wait3A_414 : memref<1x1x100000xf32, #tpu.memory_space<hbm>> -> memref<100000xf32, #tpu.memory_space<hbm>>
      tpu.wait_dma2 semaphore(%run_scoped3A : memref<!tpu.dma_semaphore, #tpu.memory_space<semaphore_mem>>) src(%arg7 : memref<100000xf32, #tpu.memory_space<vmem>>) dst(%dma_wait3A_415 : memref<100000xf32, #tpu.memory_space<hbm>>)
      tpu.yield
    }) : () -> ()
    return
  }
}

module attributes {stable_mosaic.version = 14 : i64} {
  func.func @_add_body(%arg0: i32, %arg1: memref<2x16x6400xf32, #tpu.memory_space<vmem>>, %arg2: memref<16x6400xf32, #tpu.memory_space<vmem>>) attributes {dimension_semantics = [#tpu.dimension_semantics<arbitrary>], iteration_bounds = array<i64: 16>, scalar_prefetch = 0 : i64, scratch_operands = 0 : i64, tpu.core_type = #tpu.core_type<tc>, window_params = [{transform_indices = @transform_0, window_bounds = array<i64: 2, 16, 6400>}, {transform_indices = @transform_1, window_bounds = array<i64: 16, 6400>}]} {
    %get3A = arith.constant 0 : index
    %get3A_0 = arith.constant 0 : index
    %get3A_1 = arith.constant 0 : index
    %get3A_2 = vector.load %arg1[%get3A, %get3A_0, %get3A_1] : memref<2x16x6400xf32, #tpu.memory_space<vmem>>, vector<1x16x6400xf32>
    %get3A_3 = vector.shape_cast %get3A_2 : vector<1x16x6400xf32> to vector<16x6400xf32>
    %get3A_4 = arith.constant 1 : index
    %get3A_5 = arith.constant 0 : index
    %get3A_6 = arith.constant 0 : index
    %get3A_7 = vector.load %arg1[%get3A_4, %get3A_5, %get3A_6] : memref<2x16x6400xf32, #tpu.memory_space<vmem>>, vector<1x16x6400xf32>
    %get3A_8 = vector.shape_cast %get3A_7 : vector<1x16x6400xf32> to vector<16x6400xf32>
    %add3A = arith.addf %get3A_3, %get3A_8 : vector<16x6400xf32>
    %swap3A = arith.constant 0 : index
    %swap3A_9 = arith.constant 0 : index
    %swap3A_10 = vector.load %arg2[%swap3A, %swap3A_9] : memref<16x6400xf32, #tpu.memory_space<vmem>>, vector<16x6400xf32>
    tpu.vector_store %arg2[%swap3A, %swap3A_9], %add3A {strides = array<i32>} : memref<16x6400xf32, #tpu.memory_space<vmem>>, vector<16x6400xf32>,
    return
  }
  func.func @transform_0(%arg0: i32) -> (i32, i32, i32) {
    %c0_i32 = arith.constant 0 : i32
    %c0_i32_0 = arith.constant 0 : i32
    %c0_i32_1 = arith.constant 0 : i32
    return %c0_i32, %c0_i32_0, %arg0 : i32, i32, i32
  }
  func.func @transform_1(%arg0: i32) -> (i32, i32) {
    %c0_i32 = arith.constant 0 : i32
    %c0_i32_0 = arith.constant 0 : i32
    return %c0_i32, %arg0 : i32, i32
  }
}

</mosaic_0001>

<sc_bundles>
// kernel: kernel.4.cloned.1.call-start
scs
__scs_entry_jumppad:
0x0: {  	(pc) =	sbr.rel $0x88, $3  }
0x1: {  	(tag) =	ssettag $0x0;
	lr =	simm.s32 $0x1  }
0x2: {  	[smem:$0x3F9D] =	sst lr;
	_ =	strace $0xD0000000  }
0x3: {  	_ = 	snop  }
0x4: {  	_ = 	snop  }
0x5: {  	_ = 	snop  }
0x6: {  	_ = 	snop  }
0x7: {  	_ = 	snop  }
__scs_overlays_trampoline_lowered:
0x8: {  	[smem:$0x3FAC] =	sst s0  }
0x9: {  	[smem:$0x3FAD] =	sst s1  }
0xa: {  	[smem:$0x3FAE] =	sst s2  }
0xb: {  	[smem:$0x3FAF] =	sst s3  }
0xc: {  	[smem:$0x3FB0] =	sst s4  }
0xd: {  	[smem:$0x3FB1] =	sst s5  }
0xe: {  	[smem:$0x3FB2] =	sst s6  }
0xf: {  	[smem:$0x3FB3] =	sst s7  }
0x10: {  	[smem:$0x3FB4] =	sst s8  }
0x11: {  	[smem:$0x3FB5] =	sst s9;
	s0 =	simm.s32 @!p0 $0x0  }
0x12: {  	s1 =	sld [smem:$0x3F9B];
	s0 =	simm.s32 @p0 $0x1  }
0x13: {  	[smem:$0x3FB6] =	sst s0;
	s0 =	simm.s32 @!p1 $0x0  }
0x14: {  	s2 =	sld [smem:$0x3F9A];
	s0 =	simm.s32 @p1 $0x1  }
0x15: {  	[smem:$0x3FB7] =	sst s0;
	s0 =	simm.s32 @!p2 $0x0  }
0x16: {  	s3 =	sld [smem:$0x3FDB];
	s0 =	simm.s32 @p2 $0x1  }
0x17: {  	s4 =	simm.s32 $0x1BF5;
	[smem:$0x3FB9] =	sst s0  }
0x18: {  	s0 =	sld [smem:$0x3F9C];
	_ =	swait.ge [sflag:s4], $0x0  }
0x19: {  	s7 =	sld [smem:$0x3F9D]  }
0x1a: {  	s8 =	sadd.s32 $0xFFFFE003, lr  }
0x1b: {  	s9 =	sadd.s32 $0xFFFFFEF7, lr;
	s5 =	simm.s32 $0xFFFFFFFF;
	p2 =	slt.u32 s8, $0xFFFFF086  }
0x1c: {  	p1 =	slt.u32 s9, $0xF7A;
	s5 =	simm.s32 @!p2 $0x0  }
0x1d: {  	s5 =	simm.s32 @p1 $0x1;
	p0 =	seq.s32 s7, s2  }
0x1e: {  	s7 =	smul.u32 @!p0 $0xF7A, s2;
	p2 =	seq.s32 @!p0 s5, $0x0  }
0x1f: {  	s9 =	smul.u32 $0xF7A, s1;
	s8 =	simm.s32 @!p0 $0x1BF5;
	p2 =	por !p2, p0  }
0x20: {  	[sflag:s8] =	ssyncset.s32 @!p0 $0xFFFFF086;
	s6 =	sadd.s32 @!p0 s3, s7;
	s7 =	simm.s32 @!p0 $0x108  }
0x21: {  	s3 =	sadd.s32 s3, s9;
	s6 =	sadd.s32 @!p0 $0x88, s6;
	s7 =	simm.s32 @p2 $0x1082  }
0x22: {  	[simem:s7], [sflag:s8] =	dma.local @!p0 [hbm:s6], $0xF7A  }
0x23: {  	s9 =	sor.u32 $0xD0000000, s2;
	s6 =	simm.s32 $0x108;
	_ =	swait.ge @!p0 [sflag:s8], $0x0  }
0x24: {  	s3 =	sadd.s32 $0x88, s3;
	s6 =	simm.s32 @!p1 $0x1082;
	[sflag:s4] =	ssyncset.s32 $0xFFFFF086  }
0x25: {  	[simem:s6], [sflag:s4] =	dma.local [hbm:s3], $0xF7A  }
0x26: {  	[smem:$0x3F9D] =	sst s1;
	(tag) =	ssettag s2;
	_ =	strace s9  }
0x27: {  	s1 =	sld [smem:$0x3FAD]  }
0x28: {  	s2 =	sld [smem:$0x3FAE]  }
0x29: {  	s4 =	sld [smem:$0x3FB0]  }
0x2a: {  	p0 =	seq.s32 s5, $0x0;
	s5 =	sld [smem:$0x3FB1]  }
0x2b: {  	s6 =	sld [smem:$0x3FB2]  }
0x2c: {  	s7 =	sld [smem:$0x3FB3]  }
0x2d: {  	s3 =	simm.s32 $0x108;
	s8 =	sld [smem:$0x3FB4]  }
0x2e: {  	s3 =	simm.s32 @!p0 $0x1082;
	s9 =	sld [smem:$0x3FB5]  }
0x2f: {  	lr =	sadd.s32 s0, s3;
	s0 =	sld [smem:$0x3FAC]  }
0x30: {  	s3 =	sld [smem:$0x3FAF]  }
0x31: {  	[smem:$0x3FB8] =	sst s10  }
0x32: {  	s10 =	sld [smem:$0x3FB6];
	_ =	sdelay $0x3  }
0x33: {  	p0 =	seq.s32 s10, $0x1;
	s10 =	sld [smem:$0x3FB8];
	_ =	sdelay $0x3  }
0x34: {  	[smem:$0x3FB8] =	sst s10  }
0x35: {  	s10 =	sld [smem:$0x3FB7];
	_ =	sdelay $0x3  }
0x36: {  	p1 =	seq.s32 s10, $0x1;
	s10 =	sld [smem:$0x3FB8];
	_ =	sdelay $0x3  }
0x37: {  	[smem:$0x3FB8] =	sst s10  }
0x38: {  	s10 =	sld [smem:$0x3FB9]  }
0x39: {  	_ = 	snop;
	(pc) =	sbr.ind lr, $3  }
0x3a: {  	_ = 	snop  }
0x3b: {  	_ = 	snop  }
0x3c: {  	p2 =	seq.s32 s10, $0x1;
	s10 =	sld [smem:$0x3FB8]  }
0x3d: {  	_ =	shalt  }
0x3e: {  	_ =	shalt  }
0x3f: {  	_ =	shalt  }
0x40: {  	_ =	shalt  }
0x41: {  	_ =	shalt  }
0x42: {  	_ =	shalt  }
0x43: {  	_ =	shalt  }
0x44: {  	_ =	shalt  }
0x45: {  	_ =	shalt  }
0x46: {  	_ =	shalt  }
0x47: {  	_ =	shalt  }
0x48: {  	_ =	shalt  }
0x49: {  	_ =	shalt  }
0x4a: {  	_ =	shalt  }
0x4b: {  	_ =	shalt  }
0x4c: {  	_ =	shalt  }
0x4d: {  	_ =	shalt  }
0x4e: {  	_ =	shalt  }
0x4f: {  	_ =	shalt  }
0x50: {  	_ =	shalt  }
0x51: {  	_ =	shalt  }
0x52: {  	_ =	shalt  }
0x53: {  	_ =	shalt  }
0x54: {  	_ =	shalt  }
0x55: {  	_ =	shalt  }
0x56: {  	_ =	shalt  }
0x57: {  	_ =	shalt  }
0x58: {  	_ =	shalt  }
0x59: {  	_ =	shalt  }
0x5a: {  	_ =	shalt  }
0x5b: {  	_ =	shalt  }
0x5c: {  	_ =	shalt  }
0x5d: {  	_ =	shalt  }
0x5e: {  	_ =	shalt  }
0x5f: {  	_ =	shalt  }
0x60: {  	_ =	shalt  }
0x61: {  	_ =	shalt  }
0x62: {  	_ =	shalt  }
0x63: {  	_ =	shalt  }
0x64: {  	_ =	shalt  }
0x65: {  	_ =	shalt  }
0x66: {  	_ =	shalt  }
0x67: {  	_ =	shalt  }
0x68: {  	_ =	shalt  }
0x69: {  	_ =	shalt  }
0x6a: {  	_ =	shalt  }
0x6b: {  	_ =	shalt  }
0x6c: {  	_ =	shalt  }
0x6d: {  	_ =	shalt  }
0x6e: {  	_ =	shalt  }
0x6f: {  	_ =	shalt  }
0x70: {  	_ =	shalt  }
0x71: {  	_ =	shalt  }
0x72: {  	_ =	shalt  }
0x73: {  	_ =	shalt  }
0x74: {  	_ =	shalt  }
0x75: {  	_ =	shalt  }
0x76: {  	_ =	shalt  }
0x77: {  	_ =	shalt  }
0x78: {  	_ =	shalt  }
0x79: {  	_ =	shalt  }
0x7a: {  	_ =	shalt  }
0x7b: {  	_ =	shalt  }
0x7c: {  	_ =	shalt  }
0x7d: {  	_ =	shalt  }
0x7e: {  	_ =	shalt  }
0x7f: {  	_ =	shalt  }
0x80: {  	_ =	shalt  }
0x81: {  	_ =	shalt  }
0x82: {  	_ =	shalt  }
0x83: {  	_ =	shalt  }
0x84: {  	_ =	shalt  }
0x85: {  	_ =	shalt  }
0x86: {  	_ =	shalt  }
0x87: {  	_ =	shalt  }
.Lfunc_end0:
.L_simem_size_0:
called_computation_lowered:
.L_overlay_start_0:
0x88: {  	s2 =	sld [smem:$0x3FD9]  }
0x89: {  	s3 =	sld [smem:$0x3FFE];
	_ =	sdelay $0x1  }
0x8a: {  	s1 =	srdreg.scid  }
0x8b: {  	s0 =	sand.u32 $0x1, s1  }
0x8c: {  	s17 =	sshll.u32 s0, $0xA;
	s2 =	sadd.s32 s3, s2  }
0x8d: {  	s2 =	sadd.s32 s2, s17  }
0x8e: {  	[smem:$0x3FC4] =	sst s2  }
0x8f: {  	_ = 	snop  }
0x90: {  	s2 =	sld [smem:$0x3FC9]  }
0x91: {  	s18 =	sld [smem:$0x3FC8]  }
0x92: {  	s4 =	sld [smem:$0x3FC7]  }
0x93: {  	s5 =	sld [smem:$0x3FC6];
	(tm) =	ssettm $0x1  }
0x94: {  	s6 =	sld [smem:$0x3FFB];
	_ =	sdelay $0x3  }
0x95: {  	_ =	strace s6  }
0x96: {  	s6 =	sld [smem:$0x3FFC];
	_ =	sdelay $0x3  }
0x97: {  	_ =	strace s6  }
0x98: {  	s6 =	sld [smem:$0x3FFD];
	_ =	sdelay $0x3  }
0x99: {  	_ =	strace s6  }
0x9a: {  	_ =	strace $0x8FFFFFFF  }
0x9b: {  	s19 =	sld [smem:$0x3FDB];
	_ =	sdelay $0x1  }
0x9c: {  	s7 =	simm.s32 $_scs_section_size  }
0x9d: {  	s8 =	simm.s32 $_size__tile_overlayer_lowered;
	s9 =	simm.s32 $_tile_overlayer_lowered  }
0x9e: {  	s22 =	simm.s32 $0x1BFF;
	s21 =	sshll.u32 s9, $0x1;
	s6 =	sadd.s32 s7, s19  }
0x9f: {  	s10 =	simm.s32 $0x0;
	s20 =	sshll.u32 s8, $0x1;
	s8 =	sadd.s32 s21, s6  }
0xa0: {  	[timem:s10], [sflag:s22] =	dma.local [hbm:s8], s20  }
0xa1: {  	_ =	swait.ge [sflag:s22], s20  }
0xa2: {  	s7 =	ssub.s32 $0x0, s20;
	[sflag:s22] =	ssyncset.done $0x0  }
0xa3: {  	[sflag:s22] =	ssyncadd.s32 s7;
	_ =	sdelay $0x1  }
0xa4: {  	s23 =	simm.s32 $0x1B8B  }
0xa5: {  	_ =	swait.ge [sflag:s23], $0x1  }
0xa6: {  	[sflag:s23] =	ssyncset.done $0x0  }
0xa7: {  	s25 =	simm.s32 $0x1B8E;
	s24 =	sld [smem:$0x3FFE];
	[sflag:s23] =	ssyncadd.s32 $0xFFFFFFFF  }
0xa8: {  	s26 =	simm.s32 $execute0_lowered;
	[smem:$0x3FD2] =	sst s25  }
0xa9: {  	s8 =	sshll.u32 s26, $0x1;
	_ =	strace $0x80000046;
	[dreg:$0x1] =	wrdreg $0xFFFFFFFF  }
0xaa: {  	s28 =	simm.s32 $_size_execute0_lowered;
	s6 =	sadd.s32 s6, s8;
	[dreg:$0x0] =	wrdreg $0x0  }
0xab: {  	s8 =	sshll.u32 s28, $0x1;
	[dreg:$0x2] =	wrdreg s6  }
0xac: {  	[dreg:$0x3] =	wrdreg s8  }
0xad: {  	[dreg:$0x4] =	wrdreg $0xC0  }
0xae: {  	_ =	task [dreg:s10], $0x5FFFF  }
0xaf: {  	[dreg:$0x1] =	wrdreg $0xFFFFFFFF  }
0xb0: {  	[dreg:$0x0] =	wrdreg $0x60  }
0xb1: {  	[dreg:$0x2] =	wrdreg s4  }
0xb2: {  	[dreg:$0x3] =	wrdreg s2  }
0xb3: {  	[dreg:$0x4] =	wrdreg s5  }
0xb4: {  	[dreg:$0x5] =	wrdreg s18  }
0xb5: {  	[dreg:$0x6] =	wrdreg s24  }
0xb6: {  	[dreg:$0x7] =	wrdreg $0x9  }
0xb7: {  	_ =	task.clear_ibuf [dreg:s10], $0x8FFFF;
	_ =	strace $0x90000046  }
0xb8: {  	s29 =	simm.s32 $0x9;
	_ =	strace $0x80000048  }
0xb9: {  	_ =	swait.ge [sflag:s29], $0x1  }
0xba: {  	[sflag:s29] =	ssyncadd.s32 $0xFFFFFFFF  }
0xbb: {  	_ =	strace $0x90000048  }
0xbc: {  	_ =	sfence  }
0xbd: {  	s30 =	sld [smem:$0x0];
	_ =	sdelay $0x2  }
0xbe: {  	s31 =	sshll.u32 s1, $0xD;
	s1 =	sshrl.u32 s1, $0x2  }
0xbf: {  	s3 =	sand.u32 $0x4000, s31;
	s1 =	sadd.s32 s1, s30  }
0xc0: {  	s0 =	sor.u32 s3, s0;
	s1 =	sshll.u32 s1, $0x11  }
0xc1: {  	s0 =	sor.u32 s1, s0  }
0xc2: {  	s0 =	sadd.s32 $0x8F2B, s0  }
0xc3: {  	[sflag:s0] =	ssyncadd.remote.s32 $0x1  }
0xc4: {  	_ =	sfence.sel $0xFFFF  }
0xc5: {  	[dreg:$0x0] =	wrdreg $0xFFFFFFFF;
	(pc) =	sbr.abs _section_cstart, $3  }
0xc6: {  	[dreg:$0x1] =	wrdreg $0xFFFFFFFF  }
0xc7: {  	_ =	task.clear_ibuf [dreg:s10], $0x2FFFF;
	_ =	strace $0x9FFFFFFF  }
0xc8: {  	(tm) =	ssettm $0x7FFFFFFF  }
0xc9: {  	_ =	shalt  }
tec
execute0_lowered:
.L_overlay_start_1:
0x0: {  	(tag) =	ssettag $0x1  }
0x1: {  	s0 =	rddreg [dreg:$0x0]  }
0x2: {  	s1 =	rddreg [dreg:$0x1]  }
0x3: {  	s2 =	rddreg [dreg:$0x2]  }
0x4: {  	s5 =	rddreg [dreg:$0x3];
	s3 =	srdreg.scid  }
0x5: {  	s4 =	rddreg [dreg:$0x4];
	s12 =	stileid.u32  }
0x6: {  	s6 =	simm.s32 $0x0;
	s3 =	sand.u32 $0x1, s3;
	s8 =	smul.u32 $0x186A0, s12  }
0x7: {  	s31 =	simm.s32 $0x80;
	s9 =	sshrl.u32 s12, $0x3;
	s7 =	smul.u32 $0x186A00, s3  }
0x8: {  	[smem:$0x7FF] =	sst s6;
	s12 =	sshll.u32 s12, $0x7;
	s9 =	smul.u32 $0x186A000, s9  }
0x9: {  	_ =	strace $0x80000047;
	s19 =	ssub.s32 $0x2, s3;
	s10 =	smul.u32 $0xC35000, s3  }
0xa: {  	s11 =	sshrl.u32 s19, $0x1;
	s7 =	sadd.s32 s8, s7;
	s8 =	smul.u32 $0x30D4, s3  }
0xb: {  	s3 =	smul.u32 $0x61A80, s3;
	s10 =	sadd.s32 s10, s9;
	s7 =	sshrl.u32 s7, $0x3  }
0xc: {  	s4 =	sadd.s32 s7, s4;
	s7 =	ssub.s32 s19, s11;
	s11 =	sand.u32 $0x380, s12  }
0xd: {  	s20 =	sadd.s32 s0, s3;
	s21 =	sadd.s32 $0x19, s8;
	s23 =	sadd.s32 $0x32, s8  }
0xe: {  	s14 =	sadd.s32 $0x4B, s8;
	s3 =	sadd.s32 s2, s3;
	[dreg:$0x6] =	wrdreg s20  }
0xf: {  	s10 =	sor.u32 s11, s10;
	s16 =	sshll.u32 s21, $0x5;
	s12 =	sshll.u32 s21, $0xA  }
0x10: {  	s24 =	sshll.u32 s23, $0xA;
	s15 =	sshll.u32 s14, $0xA;
	s25 =	sshll.u32 s23, $0x5  }
0x11: {  	s20 =	sshll.u32 s14, $0x5;
	s14 =	sadd.s32 $0x96, s8;
	[dreg:$0xa] =	wrdreg s3  }
0x12: {  	s29 =	sadd.s32 $0x400, s4;
	s30 =	smax.u32 s7, $0x1;
	s3 =	simm.s32 $0x100  }
0x13: {  	s7 =	simm.s32 $0x400;
	s4 =	simm.s32 $0x1AC20;
	s10 =	sshrl.u32 s10, $0x3  }
0x14: {  	s22 =	sadd.s32 s0, s16;
	s12 =	sadd.s32 s9, s12;
	s15 =	sadd.s32 s9, s15  }
0x15: {  	s13 =	sadd.s32 s1, s10;
	[dreg:$0x8] =	wrdreg s22;
	s12 =	sor.u32 s11, s12  }
0x16: {  	s26 =	sor.u32 s11, s15;
	s15 =	sadd.s32 $0xAF, s8;
	[dreg:$0x7] =	wrdreg s13  }
0x17: {  	s17 =	sshrl.u32 s12, $0x3;
	s12 =	sadd.s32 s9, s24;
	s21 =	sshrl.u32 s26, $0x3  }
0x18: {  	s13 =	sadd.s32 $0x7D, s8;
	s24 =	sadd.s32 s0, s20;
	s18 =	sadd.s32 s1, s17  }
0x19: {  	s12 =	sor.u32 s11, s12;
	s11 =	sor.u32 s11, s9;
	[dreg:$0x12] =	wrdreg s24  }
0x1a: {  	s9 =	sadd.s32 s5, s10;
	s10 =	sadd.s32 s2, s16;
	[dreg:$0x9] =	wrdreg s18  }
0x1b: {  	s16 =	sadd.s32 s5, s17;
	s17 =	sadd.s32 s0, s25;
	[dreg:$0xb] =	wrdreg s9  }
0x1c: {  	s26 =	sadd.s32 s1, s21;
	s28 =	sadd.s32 s5, s21;
	[dreg:$0xc] =	wrdreg s10  }
0x1d: {  	s21 =	simm.s32 $0x5;
	s19 =	sshrl.u32 s12, $0x3;
	[dreg:$0xd] =	wrdreg s16  }
0x1e: {  	s12 =	sadd.s32 $0x64, s8;
	[dreg:$0xe] =	wrdreg s17;
	s18 =	sadd.s32 s2, s25  }
.Ltmp0:
0x1f: {  	s25 =	sadd.s32 s2, s20;
	[dreg:$0x14] =	wrdreg s26;
	(pc) =	sbr.rel .LBB2_1-.Ltmp0, $4  }
0x20: {  	s8 =	simm.s32 $0x2;
	s20 =	simm.s32 $0x3;
	[dreg:$0xf] =	wrdreg s18  }
0x21: {  	s9 =	simm.s32 $0x4;
	s22 =	sadd.s32 s1, s19;
	[dreg:$0x13] =	wrdreg s25  }
0x22: {  	s10 =	simm.s32 $0x0;
	s23 =	sadd.s32 s5, s19;
	[dreg:$0x10] =	wrdreg s22  }
0x23: {  	v0 =	vimm.f32 $0.0e+00;
	s18 =	simm.s32 $0x1DE20;
	s19 =	simm.s32 $0x1;
	[dreg:$0x11] =	wrdreg s23  }
.LBB2_25:
0x24: {  	s10 =	sadd.s32 $0x1, s10  }
0x25: {  	p0 =	sne.s32 s10, s30  }
.Ltmp1:
0x26: {  	_ = 	snop;
	(pc) =	sbr.rel @!p0 .LBB2_26-.Ltmp1, $4  }
0x27: {  	[hbm4b:s29+s6] =	stream.linear.scatter [tilespmem:s6], [sflag:$0x5], $0x186A0, $0x38;
	[tilespmem:$0x1EAA0] =	vst v63  }
0x28: {  	_ =	swait.ge [sflag:s21], $0x186A0  }
0x29: {  	[sflag:s21] =	ssyncset.done $0x0  }
0x2a: {  	[sflag:s21] =	ssyncadd.s32 $0xFFFE7960  }
.LBB2_1:
0x2b: {  	s16 =	rddreg [dreg:$0x6];
	s17 =	simm.s32 $0x186A0  }
0x2c: {  	[tilespmem:s17], [sflag:$0x1] =	stream.strided.gather [hbm4b:s16+s31], $0xC80, s3, s31, $0x38;
	[tilespmem:$0x1EAA0] =	vst v63  }
0x2d: {  	s22 =	simm.s32 $0x1B8A0;
	s17 =	rddreg [dreg:$0x7]  }
0x2e: {  	[tilespmem:s22], [sflag:$0x1] =	stream.strided.gather [hbm4b:s17+s31], $0xC80, s7, s31, $0x38;
	[tilespmem:$0x1EAA0] =	vst v63  }
0x2f: {  	s23 =	rddreg [dreg:$0x8];
	s24 =	simm.s32 $0x19320  }
0x30: {  	[tilespmem:s24], [sflag:$0x2] =	stream.strided.gather [hbm4b:s23+s31], $0xC80, s3, s31, $0x38;
	[tilespmem:$0x1EAA0] =	vst v63  }
0x31: {  	s25 =	rddreg [dreg:$0x9];
	s26 =	simm.s32 $0x1C520  }
0x32: {  	[tilespmem:s26], [sflag:$0x2] =	stream.strided.gather [hbm4b:s25+s31], $0xC80, s7, s31, $0x38;
	[tilespmem:$0x1EAA0] =	vst v63  }
0x33: {  	s17 =	rddreg [dreg:$0xe];
	s22 =	simm.s32 $0x19FA0  }
0x34: {  	[tilespmem:s22], [sflag:$0x3] =	stream.strided.gather [hbm4b:s17+s31], $0xC80, s3, s31, $0x38;
	[tilespmem:$0x1EAA0] =	vst v63  }
0x35: {  	s23 =	rddreg [dreg:$0x10];
	s24 =	simm.s32 $0x1D1A0  }
0x36: {  	[tilespmem:s24], [sflag:$0x3] =	stream.strided.gather [hbm4b:s23+s31], $0xC80, s7, s31, $0x38;
	[tilespmem:$0x1EAA0] =	vst v63  }
0x37: {  	s25 =	rddreg [dreg:$0x12]  }
0x38: {  	[tilespmem:s4], [sflag:$0x4] =	stream.strided.gather [hbm4b:s25+s31], $0xC80, s3, s31, $0x38;
	[tilespmem:$0x1EAA0] =	vst v63  }
0x39: {  	s16 =	simm.s32 $0x0;
	s26 =	rddreg [dreg:$0x14]  }
0x3a: {  	[tilespmem:s18], [sflag:$0x4] =	stream.strided.gather [hbm4b:s26+s31], $0xC80, s7, s31, $0x38;
	[tilespmem:$0x1EAA0] =	vst v63  }
.LBB2_2:
0x3b: {  	p0 =	sne.s32 s16, $0x61A40  }
.Ltmp2:
0x3c: {  	_ = 	snop;
	(pc) =	sbr.rel @p0 .LBB2_2-.Ltmp2, $3  }
0x3d: {  	_ =	sdelay $0x1  }
0x3e: {  	s17 =	sshra.s32 s16, $0x2  }
0x3f: {  	s16 =	sadd.s32 $0x40, s16;
	[tilespmem:s17+$0x0] =	vst v0  }
0x40: {  	s22 =	simm.s32 $0x0  }
.LBB2_4:
0x41: {  	_ =	swait.ge [sflag:s19], $0xC80  }
0x42: {  	[sflag:s19] =	ssyncset.done $0x0  }
0x43: {  	[sflag:s19] =	ssyncadd.s32 $0xFFFFF380  }
0x44: {  	_ =	swait.ge [sflag:s19], $0xC80  }
0x45: {  	[sflag:s19] =	ssyncset.done $0x0  }
0x46: {  	s17 =	simm.s32 $0x186E0;
	[sflag:s19] =	ssyncadd.s32 $0xFFFFF380  }
0x47: {  	v1 =	vld [tilespmem:s17+$0x30]  }
0x48: {  	v2 =	vld [tilespmem:s17+$0xFFFFFFD0]  }
0x49: {  	s16 =	simm.s32 $0x1B8E0;
	v3 =	vld [tilespmem:s17+$0xFFFFFFE0]  }
0x4a: {  	v4 =	vld [tilespmem:s16+$0x30]  }
0x4b: {  	v5 =	vld [tilespmem:s17+$0xFFFFFFF0]  }
0x4c: {  	v6 =	vld [tilespmem:s17+$0x0]  }
0x4d: {  	v7 =	vld [tilespmem:s17+$0x10]  }
0x4e: {  	v8 =	vld [tilespmem:s17+$0x20]  }
0x4f: {  	v63 =	vld [tilespmem:s16+$0xFFFFFFC0]  }
0x50: {  	v9 =	vld [tilespmem:s16+$0xFFFFFFD0]  }
0x51: {  	v10 =	vld [tilespmem:s16+$0xFFFFFFE0]  }
0x52: {  	v11 =	vld [tilespmem:s16+$0xFFFFFFF0]  }
0x53: {  	v12 =	vld [tilespmem:s16+$0x0]  }
0x54: {  	v13 =	vld [tilespmem:s16+$0x10]  }
0x55: {  	[tilespmem:v1+s6+$0x0] =	vst.idx.add.f32.msk $0xffff, v4  }
0x56: {  	v1 =	vld [tilespmem:s17+$0xFFFFFFC0]  }
0x57: {  	v14 =	vld [tilespmem:s16+$0x20]  }
0x58: {  	[tilespmem:v2+s6+$0x0] =	vst.idx.add.f32.msk $0xffff, v9  }
0x59: {  	[tilespmem:v3+s6+$0x0] =	vst.idx.add.f32.msk $0xffff, v10  }
0x5a: {  	[tilespmem:v5+s6+$0x0] =	vst.idx.add.f32.msk $0xffff, v11  }
0x5b: {  	[tilespmem:v6+s6+$0x0] =	vst.idx.add.f32.msk $0xffff, v12  }
0x5c: {  	[tilespmem:v7+s6+$0x0] =	vst.idx.add.f32.msk $0xffff, v13  }
0x5d: {  	[tilespmem:v8+s6+$0x0] =	vst.idx.add.f32.msk $0xffff, v14  }
0x5e: {  	s23 =	simm.s32 $0x0;
	s17 =	simm.s32 $0x18760;
	[tilespmem:v1+s6+$0x0] =	vst.idx.add.f32.msk $0xffff, v63  }
.LBB2_5:
0x5f: {  	v1 =	vld [tilespmem:s17+$0x30];
	s23 =	sadd.s32 $0x8, s23  }
0x60: {  	v2 =	vld [tilespmem:s17+$0xFFFFFFD0];
	p0 =	slt.u32 s23, $0xC0  }
0x61: {  	s16 =	sadd.s32 $0x80, s16;
	v3 =	vld [tilespmem:s17+$0xFFFFFFE0]  }
0x62: {  	v4 =	vld [tilespmem:s16+$0x30]  }
0x63: {  	v5 =	vld [tilespmem:s17+$0xFFFFFFF0]  }
0x64: {  	v6 =	vld [tilespmem:s17+$0x0]  }
0x65: {  	v7 =	vld [tilespmem:s17+$0x10]  }
0x66: {  	v8 =	vld [tilespmem:s17+$0x20]  }
0x67: {  	[tilespmem:v1+s6+$0x0] =	vst.idx.add.f32.msk $0xffff, v4  }
0x68: {  	v1 =	vld [tilespmem:s17+$0xFFFFFFC0]  }
0x69: {  	v4 =	vld [tilespmem:s16+$0xFFFFFFC0]  }
0x6a: {  	v9 =	vld [tilespmem:s16+$0xFFFFFFD0]  }
0x6b: {  	v10 =	vld [tilespmem:s16+$0xFFFFFFE0]  }
0x6c: {  	v11 =	vld [tilespmem:s16+$0xFFFFFFF0]  }
0x6d: {  	v12 =	vld [tilespmem:s16+$0x0]  }
0x6e: {  	v13 =	vld [tilespmem:s16+$0x10]  }
0x6f: {  	v14 =	vld [tilespmem:s16+$0x20]  }
0x70: {  	[tilespmem:v1+s6+$0x0] =	vst.idx.add.f32.msk $0xffff, v4  }
0x71: {  	[tilespmem:v2+s6+$0x0] =	vst.idx.add.f32.msk $0xffff, v9  }
.Ltmp3:
0x72: {  	[tilespmem:v3+s6+$0x0] =	vst.idx.add.f32.msk $0xffff, v10;
	(pc) =	sbr.rel @p0 .LBB2_5-.Ltmp3, $4  }
0x73: {  	[tilespmem:v5+s6+$0x0] =	vst.idx.add.f32.msk $0xffff, v11  }
0x74: {  	[tilespmem:v6+s6+$0x0] =	vst.idx.add.f32.msk $0xffff, v12  }
0x75: {  	[tilespmem:v7+s6+$0x0] =	vst.idx.add.f32.msk $0xffff, v13  }
0x76: {  	s17 =	sadd.s32 $0x80, s17;
	[tilespmem:v8+s6+$0x0] =	vst.idx.add.f32.msk $0xffff, v14  }
0x77: {  	p0 =	seq.s32 s22, $0x7C  }
0x78: {  	s16 =	smul.u32 @!p0 $0x64, s22;
	_ =	sdelay $0x1  }
0x79: {  	s24 =	simm.s32 @!p0 $0x80;
	s17 =	sadd.s32 @!p0 s16, s12  }
0x7a: {  	s25 =	simm.s32 @!p0 $0x100;
	s23 =	sshll.u32 @!p0 s17, $0x5;
	s17 =	sshll.u32 @!p0 s17, $0xA  }
0x7b: {  	s26 =	simm.s32 @!p0 $0x186A0;
	s23 =	sadd.s32 @!p0 s0, s23;
	s17 =	sadd.s32 @!p0 s11, s17  }
0x7c: {  	[tilespmem:s26], [sflag:$0x1] =	stream.strided.gather @!p0 [hbm4b:s23+s24], $0xC80, s25, s24, $0x38;
	[tilespmem:$0x1EAA0] =	vst v63  }
0x7d: {  	s17 =	sshrl.u32 @!p0 s17, $0x3  }
0x7e: {  	s23 =	simm.s32 @!p0 $0x400;
	s25 =	simm.s32 @!p0 $0x1B8A0;
	s17 =	sadd.s32 @!p0 s1, s17  }
0x7f: {  	[tilespmem:s25], [sflag:$0x1] =	stream.strided.gather @!p0 [hbm4b:s17+s24], $0xC80, s23, s24, $0x38;
	[tilespmem:$0x1EAA0] =	vst v63  }
0x80: {  	_ =	swait.ge [sflag:s8], $0xC80  }
0x81: {  	[sflag:s8] =	ssyncset.done $0x0  }
0x82: {  	[sflag:s8] =	ssyncadd.s32 $0xFFFFF380  }
0x83: {  	_ =	swait.ge [sflag:s8], $0xC80  }
0x84: {  	[sflag:s8] =	ssyncset.done $0x0  }
0x85: {  	s26 =	simm.s32 $0x19390;
	[sflag:s8] =	ssyncadd.s32 $0xFFFFF380  }
0x86: {  	v1 =	vld [tilespmem:s26+$0x0]  }
0x87: {  	v2 =	vld [tilespmem:s26+$0xFFFFFFA0]  }
0x88: {  	s23 =	simm.s32 $0x1C590;
	v3 =	vld [tilespmem:s26+$0xFFFFFFB0]  }
0x89: {  	v4 =	vld [tilespmem:s23+$0x0]  }
0x8a: {  	v5 =	vld [tilespmem:s26+$0xFFFFFFC0]  }
0x8b: {  	v6 =	vld [tilespmem:s26+$0xFFFFFFD0]  }
0x8c: {  	v7 =	vld [tilespmem:s26+$0xFFFFFFE0]  }
0x8d: {  	v8 =	vld [tilespmem:s26+$0xFFFFFFF0]  }
0x8e: {  	v63 =	vld [tilespmem:s23+$0xFFFFFF90]  }
0x8f: {  	v9 =	vld [tilespmem:s23+$0xFFFFFFA0]  }
0x90: {  	v10 =	vld [tilespmem:s23+$0xFFFFFFB0]  }
0x91: {  	v11 =	vld [tilespmem:s23+$0xFFFFFFC0]  }
0x92: {  	v12 =	vld [tilespmem:s23+$0xFFFFFFD0]  }
0x93: {  	v13 =	vld [tilespmem:s23+$0xFFFFFFE0]  }
0x94: {  	[tilespmem:v1+s6+$0x0] =	vst.idx.add.f32.msk $0xffff, v4  }
0x95: {  	v1 =	vld [tilespmem:s26+$0xFFFFFF90]  }
0x96: {  	v14 =	vld [tilespmem:s23+$0xFFFFFFF0]  }
0x97: {  	[tilespmem:v2+s6+$0x0] =	vst.idx.add.f32.msk $0xffff, v9  }
0x98: {  	[tilespmem:v3+s6+$0x0] =	vst.idx.add.f32.msk $0xffff, v10  }
0x99: {  	[tilespmem:v5+s6+$0x0] =	vst.idx.add.f32.msk $0xffff, v11  }
0x9a: {  	[tilespmem:v6+s6+$0x0] =	vst.idx.add.f32.msk $0xffff, v12  }
0x9b: {  	[tilespmem:v7+s6+$0x0] =	vst.idx.add.f32.msk $0xffff, v13  }
0x9c: {  	[tilespmem:v8+s6+$0x0] =	vst.idx.add.f32.msk $0xffff, v14  }
0x9d: {  	s17 =	simm.s32 $0x0;
	s24 =	simm.s32 $0x19410;
	[tilespmem:v1+s6+$0x0] =	vst.idx.add.f32.msk $0xffff, v63  }
.LBB2_7:
0x9e: {  	v1 =	vld [tilespmem:s24+$0x0];
	s17 =	sadd.s32 $0x8, s17  }
0x9f: {  	v2 =	vld [tilespmem:s24+$0xFFFFFFA0];
	p1 =	slt.u32 s17, $0xC0  }
0xa0: {  	s23 =	sadd.s32 $0x80, s23;
	v3 =	vld [tilespmem:s24+$0xFFFFFFB0]  }
0xa1: {  	v4 =	vld [tilespmem:s23+$0x0]  }
0xa2: {  	v5 =	vld [tilespmem:s24+$0xFFFFFFC0]  }
0xa3: {  	v6 =	vld [tilespmem:s24+$0xFFFFFFD0]  }
0xa4: {  	v7 =	vld [tilespmem:s24+$0xFFFFFFE0]  }
0xa5: {  	v8 =	vld [tilespmem:s24+$0xFFFFFFF0]  }
0xa6: {  	[tilespmem:v1+s6+$0x0] =	vst.idx.add.f32.msk $0xffff, v4  }
0xa7: {  	v1 =	vld [tilespmem:s24+$0xFFFFFF90]  }
0xa8: {  	v4 =	vld [tilespmem:s23+$0xFFFFFF90]  }
0xa9: {  	v9 =	vld [tilespmem:s23+$0xFFFFFFA0]  }
0xaa: {  	v10 =	vld [tilespmem:s23+$0xFFFFFFB0]  }
0xab: {  	v11 =	vld [tilespmem:s23+$0xFFFFFFC0]  }
0xac: {  	v12 =	vld [tilespmem:s23+$0xFFFFFFD0]  }
0xad: {  	v13 =	vld [tilespmem:s23+$0xFFFFFFE0]  }
0xae: {  	v14 =	vld [tilespmem:s23+$0xFFFFFFF0]  }
0xaf: {  	[tilespmem:v1+s6+$0x0] =	vst.idx.add.f32.msk $0xffff, v4  }
0xb0: {  	[tilespmem:v2+s6+$0x0] =	vst.idx.add.f32.msk $0xffff, v9  }
.Ltmp4:
0xb1: {  	[tilespmem:v3+s6+$0x0] =	vst.idx.add.f32.msk $0xffff, v10;
	(pc) =	sbr.rel @p1 .LBB2_7-.Ltmp4, $4  }
0xb2: {  	[tilespmem:v5+s6+$0x0] =	vst.idx.add.f32.msk $0xffff, v11  }
0xb3: {  	[tilespmem:v6+s6+$0x0] =	vst.idx.add.f32.msk $0xffff, v12  }
0xb4: {  	[tilespmem:v7+s6+$0x0] =	vst.idx.add.f32.msk $0xffff, v13  }
0xb5: {  	s24 =	sadd.s32 $0x80, s24;
	[tilespmem:v8+s6+$0x0] =	vst.idx.add.f32.msk $0xffff, v14  }
0xb6: {  	s17 =	sadd.s32 @!p0 s16, s13;
	s24 =	simm.s32 @!p0 $0x80  }
0xb7: {  	s25 =	simm.s32 @!p0 $0x100;
	s23 =	sshll.u32 @!p0 s17, $0x5;
	s17 =	sshll.u32 @!p0 s17, $0xA  }
0xb8: {  	s26 =	simm.s32 @!p0 $0x19320;
	s23 =	sadd.s32 @!p0 s0, s23;
	s17 =	sadd.s32 @!p0 s11, s17  }
0xb9: {  	[tilespmem:s26], [sflag:$0x2] =	stream.strided.gather @!p0 [hbm4b:s23+s24], $0xC80, s25, s24, $0x38;
	[tilespmem:$0x1EAA0] =	vst v63  }
0xba: {  	s17 =	sshrl.u32 @!p0 s17, $0x3  }
0xbb: {  	s23 =	simm.s32 @!p0 $0x400;
	s25 =	simm.s32 @!p0 $0x1C520;
	s17 =	sadd.s32 @!p0 s1, s17  }
0xbc: {  	[tilespmem:s25], [sflag:$0x2] =	stream.strided.gather @!p0 [hbm4b:s17+s24], $0xC80, s23, s24, $0x38;
	[tilespmem:$0x1EAA0] =	vst v63  }
0xbd: {  	_ =	swait.ge [sflag:s20], $0xC80  }
0xbe: {  	[sflag:s20] =	ssyncset.done $0x0  }
0xbf: {  	[sflag:s20] =	ssyncadd.s32 $0xFFFFF380  }
0xc0: {  	_ =	swait.ge [sflag:s20], $0xC80  }
0xc1: {  	[sflag:s20] =	ssyncset.done $0x0  }
0xc2: {  	s26 =	simm.s32 $0x1A010;
	[sflag:s20] =	ssyncadd.s32 $0xFFFFF380  }
0xc3: {  	v1 =	vld [tilespmem:s26+$0x0]  }
0xc4: {  	v2 =	vld [tilespmem:s26+$0xFFFFFFA0]  }
0xc5: {  	s23 =	simm.s32 $0x1D210;
	v3 =	vld [tilespmem:s26+$0xFFFFFFB0]  }
0xc6: {  	v4 =	vld [tilespmem:s23+$0x0]  }
0xc7: {  	v5 =	vld [tilespmem:s26+$0xFFFFFFC0]  }
0xc8: {  	v6 =	vld [tilespmem:s26+$0xFFFFFFD0]  }
0xc9: {  	v7 =	vld [tilespmem:s26+$0xFFFFFFE0]  }
0xca: {  	v8 =	vld [tilespmem:s26+$0xFFFFFFF0]  }
0xcb: {  	v63 =	vld [tilespmem:s23+$0xFFFFFF90]  }
0xcc: {  	v9 =	vld [tilespmem:s23+$0xFFFFFFA0]  }
0xcd: {  	v10 =	vld [tilespmem:s23+$0xFFFFFFB0]  }
0xce: {  	v11 =	vld [tilespmem:s23+$0xFFFFFFC0]  }
0xcf: {  	v12 =	vld [tilespmem:s23+$0xFFFFFFD0]  }
0xd0: {  	v13 =	vld [tilespmem:s23+$0xFFFFFFE0]  }
0xd1: {  	[tilespmem:v1+s6+$0x0] =	vst.idx.add.f32.msk $0xffff, v4  }
0xd2: {  	v1 =	vld [tilespmem:s26+$0xFFFFFF90]  }
0xd3: {  	v14 =	vld [tilespmem:s23+$0xFFFFFFF0]  }
0xd4: {  	[tilespmem:v2+s6+$0x0] =	vst.idx.add.f32.msk $0xffff, v9  }
0xd5: {  	[tilespmem:v3+s6+$0x0] =	vst.idx.add.f32.msk $0xffff, v10  }
0xd6: {  	[tilespmem:v5+s6+$0x0] =	vst.idx.add.f32.msk $0xffff, v11  }
0xd7: {  	[tilespmem:v6+s6+$0x0] =	vst.idx.add.f32.msk $0xffff, v12  }
0xd8: {  	[tilespmem:v7+s6+$0x0] =	vst.idx.add.f32.msk $0xffff, v13  }
0xd9: {  	[tilespmem:v8+s6+$0x0] =	vst.idx.add.f32.msk $0xffff, v14  }
0xda: {  	s17 =	simm.s32 $0x0;
	s24 =	simm.s32 $0x1A090;
	[tilespmem:v1+s6+$0x0] =	vst.idx.add.f32.msk $0xffff, v63  }
.LBB2_9:
0xdb: {  	v1 =	vld [tilespmem:s24+$0x0];
	s17 =	sadd.s32 $0x8, s17  }
0xdc: {  	v2 =	vld [tilespmem:s24+$0xFFFFFFA0];
	p1 =	slt.u32 s17, $0xC0  }
0xdd: {  	s23 =	sadd.s32 $0x80, s23;
	v3 =	vld [tilespmem:s24+$0xFFFFFFB0]  }
0xde: {  	v4 =	vld [tilespmem:s23+$0x0]  }
0xdf: {  	v5 =	vld [tilespmem:s24+$0xFFFFFFC0]  }
0xe0: {  	v6 =	vld [tilespmem:s24+$0xFFFFFFD0]  }
0xe1: {  	v7 =	vld [tilespmem:s24+$0xFFFFFFE0]  }
0xe2: {  	v8 =	vld [tilespmem:s24+$0xFFFFFFF0]  }
0xe3: {  	[tilespmem:v1+s6+$0x0] =	vst.idx.add.f32.msk $0xffff, v4  }
0xe4: {  	v1 =	vld [tilespmem:s24+$0xFFFFFF90]  }
0xe5: {  	v4 =	vld [tilespmem:s23+$0xFFFFFF90]  }
0xe6: {  	v9 =	vld [tilespmem:s23+$0xFFFFFFA0]  }
0xe7: {  	v10 =	vld [tilespmem:s23+$0xFFFFFFB0]  }
0xe8: {  	v11 =	vld [tilespmem:s23+$0xFFFFFFC0]  }
0xe9: {  	v12 =	vld [tilespmem:s23+$0xFFFFFFD0]  }
0xea: {  	v13 =	vld [tilespmem:s23+$0xFFFFFFE0]  }
0xeb: {  	v14 =	vld [tilespmem:s23+$0xFFFFFFF0]  }
0xec: {  	[tilespmem:v1+s6+$0x0] =	vst.idx.add.f32.msk $0xffff, v4  }
0xed: {  	[tilespmem:v2+s6+$0x0] =	vst.idx.add.f32.msk $0xffff, v9  }
.Ltmp5:
0xee: {  	[tilespmem:v3+s6+$0x0] =	vst.idx.add.f32.msk $0xffff, v10;
	(pc) =	sbr.rel @p1 .LBB2_9-.Ltmp5, $4  }
0xef: {  	[tilespmem:v5+s6+$0x0] =	vst.idx.add.f32.msk $0xffff, v11  }
0xf0: {  	[tilespmem:v6+s6+$0x0] =	vst.idx.add.f32.msk $0xffff, v12  }
0xf1: {  	[tilespmem:v7+s6+$0x0] =	vst.idx.add.f32.msk $0xffff, v13  }
0xf2: {  	s24 =	sadd.s32 $0x80, s24;
	[tilespmem:v8+s6+$0x0] =	vst.idx.add.f32.msk $0xffff, v14  }
0xf3: {  	s16 =	sadd.s32 @!p0 s16, s14;
	s23 =	simm.s32 @!p0 $0x80  }
0xf4: {  	s24 =	simm.s32 @!p0 $0x100;
	s17 =	sshll.u32 @!p0 s16, $0x5;
	s16 =	sshll.u32 @!p0 s16, $0xA  }
0xf5: {  	s25 =	simm.s32 @!p0 $0x19FA0;
	s17 =	sadd.s32 @!p0 s0, s17;
	s16 =	sadd.s32 @!p0 s11, s16  }
0xf6: {  	[tilespmem:s25], [sflag:$0x3] =	stream.strided.gather @!p0 [hbm4b:s17+s23], $0xC80, s24, s23, $0x38;
	[tilespmem:$0x1EAA0] =	vst v63  }
0xf7: {  	s16 =	sshrl.u32 @!p0 s16, $0x3  }
0xf8: {  	s17 =	simm.s32 @!p0 $0x400;
	s24 =	simm.s32 @!p0 $0x1D1A0;
	s16 =	sadd.s32 @!p0 s1, s16  }
0xf9: {  	[tilespmem:s24], [sflag:$0x3] =	stream.strided.gather @!p0 [hbm4b:s16+s23], $0xC80, s17, s23, $0x38;
	[tilespmem:$0x1EAA0] =	vst v63  }
0xfa: {  	_ =	swait.ge [sflag:s9], $0xC80  }
0xfb: {  	[sflag:s9] =	ssyncset.done $0x0  }
0xfc: {  	[sflag:s9] =	ssyncadd.s32 $0xFFFFF380  }
0xfd: {  	_ =	swait.ge [sflag:s9], $0xC80  }
0xfe: {  	[sflag:s9] =	ssyncset.done $0x0  }
0xff: {  	s26 =	simm.s32 $0x1AC90;
	[sflag:s9] =	ssyncadd.s32 $0xFFFFF380  }
0x100: {  	v1 =	vld [tilespmem:s26+$0x0]  }
0x101: {  	v2 =	vld [tilespmem:s26+$0xFFFFFFA0]  }
0x102: {  	s16 =	simm.s32 $0x1DE90;
	v3 =	vld [tilespmem:s26+$0xFFFFFFB0]  }
0x103: {  	v4 =	vld [tilespmem:s16+$0x0]  }
0x104: {  	v5 =	vld [tilespmem:s26+$0xFFFFFFC0]  }
0x105: {  	v6 =	vld [tilespmem:s26+$0xFFFFFFD0]  }
0x106: {  	v7 =	vld [tilespmem:s26+$0xFFFFFFE0]  }
0x107: {  	v8 =	vld [tilespmem:s26+$0xFFFFFFF0]  }
0x108: {  	v63 =	vld [tilespmem:s16+$0xFFFFFF90]  }
0x109: {  	v9 =	vld [tilespmem:s16+$0xFFFFFFA0]  }
0x10a: {  	v10 =	vld [tilespmem:s16+$0xFFFFFFB0]  }
0x10b: {  	v11 =	vld [tilespmem:s16+$0xFFFFFFC0]  }
0x10c: {  	v12 =	vld [tilespmem:s16+$0xFFFFFFD0]  }
0x10d: {  	v13 =	vld [tilespmem:s16+$0xFFFFFFE0]  }
0x10e: {  	[tilespmem:v1+s6+$0x0] =	vst.idx.add.f32.msk $0xffff, v4  }
0x10f: {  	v1 =	vld [tilespmem:s26+$0xFFFFFF90]  }
0x110: {  	v14 =	vld [tilespmem:s16+$0xFFFFFFF0]  }
0x111: {  	[tilespmem:v2+s6+$0x0] =	vst.idx.add.f32.msk $0xffff, v9  }
0x112: {  	[tilespmem:v3+s6+$0x0] =	vst.idx.add.f32.msk $0xffff, v10  }
0x113: {  	[tilespmem:v5+s6+$0x0] =	vst.idx.add.f32.msk $0xffff, v11  }
0x114: {  	[tilespmem:v6+s6+$0x0] =	vst.idx.add.f32.msk $0xffff, v12  }
0x115: {  	[tilespmem:v7+s6+$0x0] =	vst.idx.add.f32.msk $0xffff, v13  }
0x116: {  	[tilespmem:v8+s6+$0x0] =	vst.idx.add.f32.msk $0xffff, v14  }
0x117: {  	s17 =	simm.s32 $0x0;
	s23 =	simm.s32 $0x1AD10;
	[tilespmem:v1+s6+$0x0] =	vst.idx.add.f32.msk $0xffff, v63  }
.LBB2_11:
0x118: {  	v1 =	vld [tilespmem:s23+$0x0];
	s17 =	sadd.s32 $0x8, s17  }
0x119: {  	v2 =	vld [tilespmem:s23+$0xFFFFFFA0];
	p1 =	slt.u32 s17, $0xC0  }
0x11a: {  	s16 =	sadd.s32 $0x80, s16;
	v3 =	vld [tilespmem:s23+$0xFFFFFFB0]  }
0x11b: {  	v4 =	vld [tilespmem:s16+$0x0]  }
0x11c: {  	v5 =	vld [tilespmem:s23+$0xFFFFFFC0]  }
0x11d: {  	v6 =	vld [tilespmem:s23+$0xFFFFFFD0]  }
0x11e: {  	v7 =	vld [tilespmem:s23+$0xFFFFFFE0]  }
0x11f: {  	v8 =	vld [tilespmem:s23+$0xFFFFFFF0]  }
0x120: {  	[tilespmem:v1+s6+$0x0] =	vst.idx.add.f32.msk $0xffff, v4  }
0x121: {  	v1 =	vld [tilespmem:s23+$0xFFFFFF90]  }
0x122: {  	v4 =	vld [tilespmem:s16+$0xFFFFFF90]  }
0x123: {  	v9 =	vld [tilespmem:s16+$0xFFFFFFA0]  }
0x124: {  	v10 =	vld [tilespmem:s16+$0xFFFFFFB0]  }
0x125: {  	v11 =	vld [tilespmem:s16+$0xFFFFFFC0]  }
0x126: {  	v12 =	vld [tilespmem:s16+$0xFFFFFFD0]  }
0x127: {  	v13 =	vld [tilespmem:s16+$0xFFFFFFE0]  }
0x128: {  	v14 =	vld [tilespmem:s16+$0xFFFFFFF0]  }
0x129: {  	[tilespmem:v1+s6+$0x0] =	vst.idx.add.f32.msk $0xffff, v4  }
0x12a: {  	[tilespmem:v2+s6+$0x0] =	vst.idx.add.f32.msk $0xffff, v9  }
.Ltmp6:
0x12b: {  	[tilespmem:v3+s6+$0x0] =	vst.idx.add.f32.msk $0xffff, v10;
	(pc) =	sbr.rel @p1 .LBB2_11-.Ltmp6, $4  }
0x12c: {  	[tilespmem:v5+s6+$0x0] =	vst.idx.add.f32.msk $0xffff, v11  }
0x12d: {  	[tilespmem:v6+s6+$0x0] =	vst.idx.add.f32.msk $0xffff, v12  }
0x12e: {  	[tilespmem:v7+s6+$0x0] =	vst.idx.add.f32.msk $0xffff, v13  }
0x12f: {  	s23 =	sadd.s32 $0x80, s23;
	[tilespmem:v8+s6+$0x0] =	vst.idx.add.f32.msk $0xffff, v14  }
.Ltmp7:
0x130: {  	(pc) =	sbr.rel @p0 .LBB2_14-.Ltmp7, $1  }
0x131: {  	_ =	sdelay $0x3  }
0x132: {  	s16 =	smul.u32 $0x64, s22;
	_ =	sdelay $0x1  }
0x133: {  	s16 =	sadd.s32 s16, s15  }
0x134: {  	s17 =	sshll.u32 s16, $0x5;
	s16 =	sshll.u32 s16, $0xA  }
.Ltmp8:
0x135: {  	s17 =	sadd.s32 s0, s17;
	s16 =	sadd.s32 s11, s16;
	(pc) =	sbr.rel .LBB2_4-.Ltmp8, $4  }
0x136: {  	[tilespmem:s4], [sflag:$0x4] =	stream.strided.gather [hbm4b:s17+s31], $0xC80, s3, s31, $0x38;
	[tilespmem:$0x1EAA0] =	vst v63  }
0x137: {  	s16 =	sshrl.u32 s16, $0x3  }
0x138: {  	s22 =	sadd.s32 $0x1, s22;
	s16 =	sadd.s32 s1, s16  }
0x139: {  	[tilespmem:s18], [sflag:$0x4] =	stream.strided.gather [hbm4b:s16+s31], $0xC80, s7, s31, $0x38;
	[tilespmem:$0x1EAA0] =	vst v63  }
.LBB2_14:
0x13a: {  	s16 =	rddreg [dreg:$0xa];
	s17 =	simm.s32 $0x186A0  }
0x13b: {  	[tilespmem:s17], [sflag:$0x1] =	stream.strided.gather [hbm4b:s16+s31], $0xC80, s3, s31, $0x38;
	[tilespmem:$0x1EAA0] =	vst v63  }
0x13c: {  	s22 =	simm.s32 $0x1B8A0;
	s17 =	rddreg [dreg:$0xb]  }
0x13d: {  	[tilespmem:s22], [sflag:$0x1] =	stream.strided.gather [hbm4b:s17+s31], $0xC80, s7, s31, $0x38;
	[tilespmem:$0x1EAA0] =	vst v63  }
0x13e: {  	s23 =	rddreg [dreg:$0xc];
	s24 =	simm.s32 $0x19320  }
0x13f: {  	[tilespmem:s24], [sflag:$0x2] =	stream.strided.gather [hbm4b:s23+s31], $0xC80, s3, s31, $0x38;
	[tilespmem:$0x1EAA0] =	vst v63  }
0x140: {  	s25 =	rddreg [dreg:$0xd];
	s26 =	simm.s32 $0x1C520  }
0x141: {  	[tilespmem:s26], [sflag:$0x2] =	stream.strided.gather [hbm4b:s25+s31], $0xC80, s7, s31, $0x38;
	[tilespmem:$0x1EAA0] =	vst v63  }
0x142: {  	s22 =	rddreg [dreg:$0xf];
	s23 =	simm.s32 $0x19FA0  }
0x143: {  	[tilespmem:s23], [sflag:$0x3] =	stream.strided.gather [hbm4b:s22+s31], $0xC80, s3, s31, $0x38;
	[tilespmem:$0x1EAA0] =	vst v63  }
0x144: {  	s24 =	rddreg [dreg:$0x11];
	s25 =	simm.s32 $0x1D1A0  }
0x145: {  	[tilespmem:s25], [sflag:$0x3] =	stream.strided.gather [hbm4b:s24+s31], $0xC80, s7, s31, $0x38;
	[tilespmem:$0x1EAA0] =	vst v63  }
0x146: {  	s26 =	rddreg [dreg:$0x13]  }
0x147: {  	[tilespmem:s4], [sflag:$0x4] =	stream.strided.gather [hbm4b:s26+s31], $0xC80, s3, s31, $0x38;
	[tilespmem:$0x1EAA0] =	vst v63  }
0x148: {  	s22 =	simm.s32 $0x0  }
0x149: {  	[tilespmem:s18], [sflag:$0x4] =	stream.strided.gather [hbm4b:s28+s31], $0xC80, s7, s31, $0x38;
	[tilespmem:$0x1EAA0] =	vst v63  }
.LBB2_15:
0x14a: {  	_ =	swait.ge [sflag:s19], $0xC80  }
0x14b: {  	[sflag:s19] =	ssyncset.done $0x0  }
0x14c: {  	[sflag:s19] =	ssyncadd.s32 $0xFFFFF380  }
0x14d: {  	_ =	swait.ge [sflag:s19], $0xC80  }
0x14e: {  	[sflag:s19] =	ssyncset.done $0x0  }
0x14f: {  	s17 =	simm.s32 $0x186E0;
	[sflag:s19] =	ssyncadd.s32 $0xFFFFF380  }
0x150: {  	v1 =	vld [tilespmem:s17+$0x30]  }
0x151: {  	v2 =	vld [tilespmem:s17+$0xFFFFFFD0]  }
0x152: {  	s16 =	simm.s32 $0x1B8E0;
	v3 =	vld [tilespmem:s17+$0xFFFFFFE0]  }
0x153: {  	v4 =	vld [tilespmem:s16+$0x30]  }
0x154: {  	v5 =	vld [tilespmem:s17+$0xFFFFFFF0]  }
0x155: {  	v6 =	vld [tilespmem:s17+$0x0]  }
0x156: {  	v7 =	vld [tilespmem:s17+$0x10]  }
0x157: {  	v8 =	vld [tilespmem:s17+$0x20]  }
0x158: {  	v63 =	vld [tilespmem:s16+$0xFFFFFFC0]  }
0x159: {  	v9 =	vld [tilespmem:s16+$0xFFFFFFD0]  }
0x15a: {  	v10 =	vld [tilespmem:s16+$0xFFFFFFE0]  }
0x15b: {  	v11 =	vld [tilespmem:s16+$0xFFFFFFF0]  }
0x15c: {  	v12 =	vld [tilespmem:s16+$0x0]  }
0x15d: {  	v13 =	vld [tilespmem:s16+$0x10]  }
0x15e: {  	[tilespmem:v1+s6+$0x0] =	vst.idx.add.f32.msk $0xffff, v4  }
0x15f: {  	v1 =	vld [tilespmem:s17+$0xFFFFFFC0]  }
0x160: {  	v14 =	vld [tilespmem:s16+$0x20]  }
0x161: {  	[tilespmem:v2+s6+$0x0] =	vst.idx.add.f32.msk $0xffff, v9  }
0x162: {  	[tilespmem:v3+s6+$0x0] =	vst.idx.add.f32.msk $0xffff, v10  }
0x163: {  	[tilespmem:v5+s6+$0x0] =	vst.idx.add.f32.msk $0xffff, v11  }
0x164: {  	[tilespmem:v6+s6+$0x0] =	vst.idx.add.f32.msk $0xffff, v12  }
0x165: {  	[tilespmem:v7+s6+$0x0] =	vst.idx.add.f32.msk $0xffff, v13  }
0x166: {  	[tilespmem:v8+s6+$0x0] =	vst.idx.add.f32.msk $0xffff, v14  }
0x167: {  	s23 =	simm.s32 $0x18760;
	s17 =	simm.s32 $0x0;
	[tilespmem:v1+s6+$0x0] =	vst.idx.add.f32.msk $0xffff, v63  }
.LBB2_16:
0x168: {  	v1 =	vld [tilespmem:s23+$0x30];
	s17 =	sadd.s32 $0x8, s17  }
0x169: {  	v2 =	vld [tilespmem:s23+$0xFFFFFFD0];
	p0 =	slt.u32 s17, $0xC0  }
0x16a: {  	s16 =	sadd.s32 $0x80, s16;
	v3 =	vld [tilespmem:s23+$0xFFFFFFE0]  }
0x16b: {  	v4 =	vld [tilespmem:s16+$0x30]  }
0x16c: {  	v5 =	vld [tilespmem:s23+$0xFFFFFFF0]  }
0x16d: {  	v6 =	vld [tilespmem:s23+$0x0]  }
0x16e: {  	v7 =	vld [tilespmem:s23+$0x10]  }
0x16f: {  	v8 =	vld [tilespmem:s23+$0x20]  }
0x170: {  	[tilespmem:v1+s6+$0x0] =	vst.idx.add.f32.msk $0xffff, v4  }
0x171: {  	v1 =	vld [tilespmem:s23+$0xFFFFFFC0]  }
0x172: {  	v4 =	vld [tilespmem:s16+$0xFFFFFFC0]  }
0x173: {  	v9 =	vld [tilespmem:s16+$0xFFFFFFD0]  }
0x174: {  	v10 =	vld [tilespmem:s16+$0xFFFFFFE0]  }
0x175: {  	v11 =	vld [tilespmem:s16+$0xFFFFFFF0]  }
0x176: {  	v12 =	vld [tilespmem:s16+$0x0]  }
0x177: {  	v13 =	vld [tilespmem:s16+$0x10]  }
0x178: {  	v14 =	vld [tilespmem:s16+$0x20]  }
0x179: {  	[tilespmem:v1+s6+$0x0] =	vst.idx.add.f32.msk $0xffff, v4  }
0x17a: {  	[tilespmem:v2+s6+$0x0] =	vst.idx.add.f32.msk $0xffff, v9  }
.Ltmp9:
0x17b: {  	[tilespmem:v3+s6+$0x0] =	vst.idx.add.f32.msk $0xffff, v10;
	(pc) =	sbr.rel @p0 .LBB2_16-.Ltmp9, $4  }
0x17c: {  	[tilespmem:v5+s6+$0x0] =	vst.idx.add.f32.msk $0xffff, v11  }
0x17d: {  	[tilespmem:v6+s6+$0x0] =	vst.idx.add.f32.msk $0xffff, v12  }
0x17e: {  	[tilespmem:v7+s6+$0x0] =	vst.idx.add.f32.msk $0xffff, v13  }
0x17f: {  	s23 =	sadd.s32 $0x80, s23;
	[tilespmem:v8+s6+$0x0] =	vst.idx.add.f32.msk $0xffff, v14  }
0x180: {  	p0 =	seq.s32 s22, $0x7C  }
0x181: {  	s16 =	smul.u32 @!p0 $0x64, s22;
	_ =	sdelay $0x1  }
0x182: {  	s24 =	simm.s32 @!p0 $0x80;
	s17 =	sadd.s32 @!p0 s16, s12  }
0x183: {  	s25 =	simm.s32 @!p0 $0x100;
	s23 =	sshll.u32 @!p0 s17, $0x5;
	s17 =	sshll.u32 @!p0 s17, $0xA  }
0x184: {  	s26 =	simm.s32 @!p0 $0x186A0;
	s23 =	sadd.s32 @!p0 s2, s23;
	s17 =	sadd.s32 @!p0 s11, s17  }
0x185: {  	[tilespmem:s26], [sflag:$0x1] =	stream.strided.gather @!p0 [hbm4b:s23+s24], $0xC80, s25, s24, $0x38;
	[tilespmem:$0x1EAA0] =	vst v63  }
0x186: {  	s17 =	sshrl.u32 @!p0 s17, $0x3  }
0x187: {  	s23 =	simm.s32 @!p0 $0x400;
	s25 =	simm.s32 @!p0 $0x1B8A0;
	s17 =	sadd.s32 @!p0 s5, s17  }
0x188: {  	[tilespmem:s25], [sflag:$0x1] =	stream.strided.gather @!p0 [hbm4b:s17+s24], $0xC80, s23, s24, $0x38;
	[tilespmem:$0x1EAA0] =	vst v63  }
0x189: {  	_ =	swait.ge [sflag:s8], $0xC80  }
0x18a: {  	[sflag:s8] =	ssyncset.done $0x0  }
0x18b: {  	[sflag:s8] =	ssyncadd.s32 $0xFFFFF380  }
0x18c: {  	_ =	swait.ge [sflag:s8], $0xC80  }
0x18d: {  	[sflag:s8] =	ssyncset.done $0x0  }
0x18e: {  	s26 =	simm.s32 $0x19390;
	[sflag:s8] =	ssyncadd.s32 $0xFFFFF380  }
0x18f: {  	v1 =	vld [tilespmem:s26+$0x0]  }
0x190: {  	v2 =	vld [tilespmem:s26+$0xFFFFFFA0]  }
0x191: {  	s23 =	simm.s32 $0x1C590;
	v3 =	vld [tilespmem:s26+$0xFFFFFFB0]  }
0x192: {  	v4 =	vld [tilespmem:s23+$0x0]  }
0x193: {  	v5 =	vld [tilespmem:s26+$0xFFFFFFC0]  }
0x194: {  	v6 =	vld [tilespmem:s26+$0xFFFFFFD0]  }
0x195: {  	v7 =	vld [tilespmem:s26+$0xFFFFFFE0]  }
0x196: {  	v8 =	vld [tilespmem:s26+$0xFFFFFFF0]  }
0x197: {  	v63 =	vld [tilespmem:s23+$0xFFFFFF90]  }
0x198: {  	v9 =	vld [tilespmem:s23+$0xFFFFFFA0]  }
0x199: {  	v10 =	vld [tilespmem:s23+$0xFFFFFFB0]  }
0x19a: {  	v11 =	vld [tilespmem:s23+$0xFFFFFFC0]  }
0x19b: {  	v12 =	vld [tilespmem:s23+$0xFFFFFFD0]  }
0x19c: {  	v13 =	vld [tilespmem:s23+$0xFFFFFFE0]  }
0x19d: {  	[tilespmem:v1+s6+$0x0] =	vst.idx.add.f32.msk $0xffff, v4  }
0x19e: {  	v1 =	vld [tilespmem:s26+$0xFFFFFF90]  }
0x19f: {  	v14 =	vld [tilespmem:s23+$0xFFFFFFF0]  }
0x1a0: {  	[tilespmem:v2+s6+$0x0] =	vst.idx.add.f32.msk $0xffff, v9  }
0x1a1: {  	[tilespmem:v3+s6+$0x0] =	vst.idx.add.f32.msk $0xffff, v10  }
0x1a2: {  	[tilespmem:v5+s6+$0x0] =	vst.idx.add.f32.msk $0xffff, v11  }
0x1a3: {  	[tilespmem:v6+s6+$0x0] =	vst.idx.add.f32.msk $0xffff, v12  }
0x1a4: {  	[tilespmem:v7+s6+$0x0] =	vst.idx.add.f32.msk $0xffff, v13  }
0x1a5: {  	[tilespmem:v8+s6+$0x0] =	vst.idx.add.f32.msk $0xffff, v14  }
0x1a6: {  	s17 =	simm.s32 $0x0;
	s24 =	simm.s32 $0x19410;
	[tilespmem:v1+s6+$0x0] =	vst.idx.add.f32.msk $0xffff, v63  }
.LBB2_18:
0x1a7: {  	v1 =	vld [tilespmem:s24+$0x0];
	s17 =	sadd.s32 $0x8, s17  }
0x1a8: {  	v2 =	vld [tilespmem:s24+$0xFFFFFFA0];
	p1 =	slt.u32 s17, $0xC0  }
0x1a9: {  	s23 =	sadd.s32 $0x80, s23;
	v3 =	vld [tilespmem:s24+$0xFFFFFFB0]  }
0x1aa: {  	v4 =	vld [tilespmem:s23+$0x0]  }
0x1ab: {  	v5 =	vld [tilespmem:s24+$0xFFFFFFC0]  }
0x1ac: {  	v6 =	vld [tilespmem:s24+$0xFFFFFFD0]  }
0x1ad: {  	v7 =	vld [tilespmem:s24+$0xFFFFFFE0]  }
0x1ae: {  	v8 =	vld [tilespmem:s24+$0xFFFFFFF0]  }
0x1af: {  	[tilespmem:v1+s6+$0x0] =	vst.idx.add.f32.msk $0xffff, v4  }
0x1b0: {  	v1 =	vld [tilespmem:s24+$0xFFFFFF90]  }
0x1b1: {  	v4 =	vld [tilespmem:s23+$0xFFFFFF90]  }
0x1b2: {  	v9 =	vld [tilespmem:s23+$0xFFFFFFA0]  }
0x1b3: {  	v10 =	vld [tilespmem:s23+$0xFFFFFFB0]  }
0x1b4: {  	v11 =	vld [tilespmem:s23+$0xFFFFFFC0]  }
0x1b5: {  	v12 =	vld [tilespmem:s23+$0xFFFFFFD0]  }
0x1b6: {  	v13 =	vld [tilespmem:s23+$0xFFFFFFE0]  }
0x1b7: {  	v14 =	vld [tilespmem:s23+$0xFFFFFFF0]  }
0x1b8: {  	[tilespmem:v1+s6+$0x0] =	vst.idx.add.f32.msk $0xffff, v4  }
0x1b9: {  	[tilespmem:v2+s6+$0x0] =	vst.idx.add.f32.msk $0xffff, v9  }
.Ltmp10:
0x1ba: {  	[tilespmem:v3+s6+$0x0] =	vst.idx.add.f32.msk $0xffff, v10;
	(pc) =	sbr.rel @p1 .LBB2_18-.Ltmp10, $4  }
0x1bb: {  	[tilespmem:v5+s6+$0x0] =	vst.idx.add.f32.msk $0xffff, v11  }
0x1bc: {  	[tilespmem:v6+s6+$0x0] =	vst.idx.add.f32.msk $0xffff, v12  }
0x1bd: {  	[tilespmem:v7+s6+$0x0] =	vst.idx.add.f32.msk $0xffff, v13  }
0x1be: {  	s24 =	sadd.s32 $0x80, s24;
	[tilespmem:v8+s6+$0x0] =	vst.idx.add.f32.msk $0xffff, v14  }
0x1bf: {  	s17 =	sadd.s32 @!p0 s16, s13;
	s24 =	simm.s32 @!p0 $0x80  }
0x1c0: {  	s25 =	simm.s32 @!p0 $0x100;
	s23 =	sshll.u32 @!p0 s17, $0x5;
	s17 =	sshll.u32 @!p0 s17, $0xA  }
0x1c1: {  	s26 =	simm.s32 @!p0 $0x19320;
	s23 =	sadd.s32 @!p0 s2, s23;
	s17 =	sadd.s32 @!p0 s11, s17  }
0x1c2: {  	[tilespmem:s26], [sflag:$0x2] =	stream.strided.gather @!p0 [hbm4b:s23+s24], $0xC80, s25, s24, $0x38;
	[tilespmem:$0x1EAA0] =	vst v63  }
0x1c3: {  	s17 =	sshrl.u32 @!p0 s17, $0x3  }
0x1c4: {  	s23 =	simm.s32 @!p0 $0x400;
	s25 =	simm.s32 @!p0 $0x1C520;
	s17 =	sadd.s32 @!p0 s5, s17  }
0x1c5: {  	[tilespmem:s25], [sflag:$0x2] =	stream.strided.gather @!p0 [hbm4b:s17+s24], $0xC80, s23, s24, $0x38;
	[tilespmem:$0x1EAA0] =	vst v63  }
0x1c6: {  	_ =	swait.ge [sflag:s20], $0xC80  }
0x1c7: {  	[sflag:s20] =	ssyncset.done $0x0  }
0x1c8: {  	[sflag:s20] =	ssyncadd.s32 $0xFFFFF380  }
0x1c9: {  	_ =	swait.ge [sflag:s20], $0xC80  }
0x1ca: {  	[sflag:s20] =	ssyncset.done $0x0  }
0x1cb: {  	s26 =	simm.s32 $0x1A010;
	[sflag:s20] =	ssyncadd.s32 $0xFFFFF380  }
0x1cc: {  	v1 =	vld [tilespmem:s26+$0x0]  }
0x1cd: {  	v2 =	vld [tilespmem:s26+$0xFFFFFFA0]  }
0x1ce: {  	s23 =	simm.s32 $0x1D210;
	v3 =	vld [tilespmem:s26+$0xFFFFFFB0]  }
0x1cf: {  	v4 =	vld [tilespmem:s23+$0x0]  }
0x1d0: {  	v5 =	vld [tilespmem:s26+$0xFFFFFFC0]  }
0x1d1: {  	v6 =	vld [tilespmem:s26+$0xFFFFFFD0]  }
0x1d2: {  	v7 =	vld [tilespmem:s26+$0xFFFFFFE0]  }
0x1d3: {  	v8 =	vld [tilespmem:s26+$0xFFFFFFF0]  }
0x1d4: {  	v63 =	vld [tilespmem:s23+$0xFFFFFF90]  }
0x1d5: {  	v9 =	vld [tilespmem:s23+$0xFFFFFFA0]  }
0x1d6: {  	v10 =	vld [tilespmem:s23+$0xFFFFFFB0]  }
0x1d7: {  	v11 =	vld [tilespmem:s23+$0xFFFFFFC0]  }
0x1d8: {  	v12 =	vld [tilespmem:s23+$0xFFFFFFD0]  }
0x1d9: {  	v13 =	vld [tilespmem:s23+$0xFFFFFFE0]  }
0x1da: {  	[tilespmem:v1+s6+$0x0] =	vst.idx.add.f32.msk $0xffff, v4  }
0x1db: {  	v1 =	vld [tilespmem:s26+$0xFFFFFF90]  }
0x1dc: {  	v14 =	vld [tilespmem:s23+$0xFFFFFFF0]  }
0x1dd: {  	[tilespmem:v2+s6+$0x0] =	vst.idx.add.f32.msk $0xffff, v9  }
0x1de: {  	[tilespmem:v3+s6+$0x0] =	vst.idx.add.f32.msk $0xffff, v10  }
0x1df: {  	[tilespmem:v5+s6+$0x0] =	vst.idx.add.f32.msk $0xffff, v11  }
0x1e0: {  	[tilespmem:v6+s6+$0x0] =	vst.idx.add.f32.msk $0xffff, v12  }
0x1e1: {  	[tilespmem:v7+s6+$0x0] =	vst.idx.add.f32.msk $0xffff, v13  }
0x1e2: {  	[tilespmem:v8+s6+$0x0] =	vst.idx.add.f32.msk $0xffff, v14  }
0x1e3: {  	s17 =	simm.s32 $0x0;
	s24 =	simm.s32 $0x1A090;
	[tilespmem:v1+s6+$0x0] =	vst.idx.add.f32.msk $0xffff, v63  }
.LBB2_20:
0x1e4: {  	v1 =	vld [tilespmem:s24+$0x0];
	s17 =	sadd.s32 $0x8, s17  }
0x1e5: {  	v2 =	vld [tilespmem:s24+$0xFFFFFFA0];
	p1 =	slt.u32 s17, $0xC0  }
0x1e6: {  	s23 =	sadd.s32 $0x80, s23;
	v3 =	vld [tilespmem:s24+$0xFFFFFFB0]  }
0x1e7: {  	v4 =	vld [tilespmem:s23+$0x0]  }
0x1e8: {  	v5 =	vld [tilespmem:s24+$0xFFFFFFC0]  }
0x1e9: {  	v6 =	vld [tilespmem:s24+$0xFFFFFFD0]  }
0x1ea: {  	v7 =	vld [tilespmem:s24+$0xFFFFFFE0]  }
0x1eb: {  	v8 =	vld [tilespmem:s24+$0xFFFFFFF0]  }
0x1ec: {  	[tilespmem:v1+s6+$0x0] =	vst.idx.add.f32.msk $0xffff, v4  }
0x1ed: {  	v1 =	vld [tilespmem:s24+$0xFFFFFF90]  }
0x1ee: {  	v4 =	vld [tilespmem:s23+$0xFFFFFF90]  }
0x1ef: {  	v9 =	vld [tilespmem:s23+$0xFFFFFFA0]  }
0x1f0: {  	v10 =	vld [tilespmem:s23+$0xFFFFFFB0]  }
0x1f1: {  	v11 =	vld [tilespmem:s23+$0xFFFFFFC0]  }
0x1f2: {  	v12 =	vld [tilespmem:s23+$0xFFFFFFD0]  }
0x1f3: {  	v13 =	vld [tilespmem:s23+$0xFFFFFFE0]  }
0x1f4: {  	v14 =	vld [tilespmem:s23+$0xFFFFFFF0]  }
0x1f5: {  	[tilespmem:v1+s6+$0x0] =	vst.idx.add.f32.msk $0xffff, v4  }
0x1f6: {  	[tilespmem:v2+s6+$0x0] =	vst.idx.add.f32.msk $0xffff, v9  }
.Ltmp11:
0x1f7: {  	[tilespmem:v3+s6+$0x0] =	vst.idx.add.f32.msk $0xffff, v10;
	(pc) =	sbr.rel @p1 .LBB2_20-.Ltmp11, $4  }
0x1f8: {  	[tilespmem:v5+s6+$0x0] =	vst.idx.add.f32.msk $0xffff, v11  }
0x1f9: {  	[tilespmem:v6+s6+$0x0] =	vst.idx.add.f32.msk $0xffff, v12  }
0x1fa: {  	[tilespmem:v7+s6+$0x0] =	vst.idx.add.f32.msk $0xffff, v13  }
0x1fb: {  	s24 =	sadd.s32 $0x80, s24;
	[tilespmem:v8+s6+$0x0] =	vst.idx.add.f32.msk $0xffff, v14  }
0x1fc: {  	s16 =	sadd.s32 @!p0 s16, s14;
	s23 =	simm.s32 @!p0 $0x80  }
0x1fd: {  	s24 =	simm.s32 @!p0 $0x100;
	s17 =	sshll.u32 @!p0 s16, $0x5;
	s16 =	sshll.u32 @!p0 s16, $0xA  }
0x1fe: {  	s25 =	simm.s32 @!p0 $0x19FA0;
	s17 =	sadd.s32 @!p0 s2, s17;
	s16 =	sadd.s32 @!p0 s11, s16  }
0x1ff: {  	[tilespmem:s25], [sflag:$0x3] =	stream.strided.gather @!p0 [hbm4b:s17+s23], $0xC80, s24, s23, $0x38;
	[tilespmem:$0x1EAA0] =	vst v63  }
0x200: {  	s16 =	sshrl.u32 @!p0 s16, $0x3  }
0x201: {  	s17 =	simm.s32 @!p0 $0x400;
	s24 =	simm.s32 @!p0 $0x1D1A0;
	s16 =	sadd.s32 @!p0 s5, s16  }
0x202: {  	[tilespmem:s24], [sflag:$0x3] =	stream.strided.gather @!p0 [hbm4b:s16+s23], $0xC80, s17, s23, $0x38;
	[tilespmem:$0x1EAA0] =	vst v63  }
0x203: {  	_ =	swait.ge [sflag:s9], $0xC80  }
0x204: {  	[sflag:s9] =	ssyncset.done $0x0  }
0x205: {  	[sflag:s9] =	ssyncadd.s32 $0xFFFFF380  }
0x206: {  	_ =	swait.ge [sflag:s9], $0xC80  }
0x207: {  	[sflag:s9] =	ssyncset.done $0x0  }
0x208: {  	s26 =	simm.s32 $0x1AC90;
	[sflag:s9] =	ssyncadd.s32 $0xFFFFF380  }
0x209: {  	v1 =	vld [tilespmem:s26+$0x0]  }
0x20a: {  	v2 =	vld [tilespmem:s26+$0xFFFFFFA0]  }
0x20b: {  	s16 =	simm.s32 $0x1DE90;
	v3 =	vld [tilespmem:s26+$0xFFFFFFB0]  }
0x20c: {  	v4 =	vld [tilespmem:s16+$0x0]  }
0x20d: {  	v5 =	vld [tilespmem:s26+$0xFFFFFFC0]  }
0x20e: {  	v6 =	vld [tilespmem:s26+$0xFFFFFFD0]  }
0x20f: {  	v7 =	vld [tilespmem:s26+$0xFFFFFFE0]  }
0x210: {  	v8 =	vld [tilespmem:s26+$0xFFFFFFF0]  }
0x211: {  	v63 =	vld [tilespmem:s16+$0xFFFFFF90]  }
0x212: {  	v9 =	vld [tilespmem:s16+$0xFFFFFFA0]  }
0x213: {  	v10 =	vld [tilespmem:s16+$0xFFFFFFB0]  }
0x214: {  	v11 =	vld [tilespmem:s16+$0xFFFFFFC0]  }
0x215: {  	v12 =	vld [tilespmem:s16+$0xFFFFFFD0]  }
0x216: {  	v13 =	vld [tilespmem:s16+$0xFFFFFFE0]  }
0x217: {  	[tilespmem:v1+s6+$0x0] =	vst.idx.add.f32.msk $0xffff, v4  }
0x218: {  	v1 =	vld [tilespmem:s26+$0xFFFFFF90]  }
0x219: {  	v14 =	vld [tilespmem:s16+$0xFFFFFFF0]  }
0x21a: {  	[tilespmem:v2+s6+$0x0] =	vst.idx.add.f32.msk $0xffff, v9  }
0x21b: {  	[tilespmem:v3+s6+$0x0] =	vst.idx.add.f32.msk $0xffff, v10  }
0x21c: {  	[tilespmem:v5+s6+$0x0] =	vst.idx.add.f32.msk $0xffff, v11  }
0x21d: {  	[tilespmem:v6+s6+$0x0] =	vst.idx.add.f32.msk $0xffff, v12  }
0x21e: {  	[tilespmem:v7+s6+$0x0] =	vst.idx.add.f32.msk $0xffff, v13  }
0x21f: {  	[tilespmem:v8+s6+$0x0] =	vst.idx.add.f32.msk $0xffff, v14  }
0x220: {  	s17 =	simm.s32 $0x0;
	s23 =	simm.s32 $0x1AD10;
	[tilespmem:v1+s6+$0x0] =	vst.idx.add.f32.msk $0xffff, v63  }
.LBB2_22:
0x221: {  	v1 =	vld [tilespmem:s23+$0x0];
	s17 =	sadd.s32 $0x8, s17  }
0x222: {  	v2 =	vld [tilespmem:s23+$0xFFFFFFA0];
	p1 =	slt.u32 s17, $0xC0  }
0x223: {  	s16 =	sadd.s32 $0x80, s16;
	v3 =	vld [tilespmem:s23+$0xFFFFFFB0]  }
0x224: {  	v4 =	vld [tilespmem:s16+$0x0]  }
0x225: {  	v5 =	vld [tilespmem:s23+$0xFFFFFFC0]  }
0x226: {  	v6 =	vld [tilespmem:s23+$0xFFFFFFD0]  }
0x227: {  	v7 =	vld [tilespmem:s23+$0xFFFFFFE0]  }
0x228: {  	v8 =	vld [tilespmem:s23+$0xFFFFFFF0]  }
0x229: {  	[tilespmem:v1+s6+$0x0] =	vst.idx.add.f32.msk $0xffff, v4  }
0x22a: {  	v1 =	vld [tilespmem:s23+$0xFFFFFF90]  }
0x22b: {  	v4 =	vld [tilespmem:s16+$0xFFFFFF90]  }
0x22c: {  	v9 =	vld [tilespmem:s16+$0xFFFFFFA0]  }
0x22d: {  	v10 =	vld [tilespmem:s16+$0xFFFFFFB0]  }
0x22e: {  	v11 =	vld [tilespmem:s16+$0xFFFFFFC0]  }
0x22f: {  	v12 =	vld [tilespmem:s16+$0xFFFFFFD0]  }
0x230: {  	v13 =	vld [tilespmem:s16+$0xFFFFFFE0]  }
0x231: {  	v14 =	vld [tilespmem:s16+$0xFFFFFFF0]  }
0x232: {  	[tilespmem:v1+s6+$0x0] =	vst.idx.add.f32.msk $0xffff, v4  }
0x233: {  	[tilespmem:v2+s6+$0x0] =	vst.idx.add.f32.msk $0xffff, v9  }
.Ltmp12:
0x234: {  	[tilespmem:v3+s6+$0x0] =	vst.idx.add.f32.msk $0xffff, v10;
	(pc) =	sbr.rel @p1 .LBB2_22-.Ltmp12, $4  }
0x235: {  	[tilespmem:v5+s6+$0x0] =	vst.idx.add.f32.msk $0xffff, v11  }
0x236: {  	[tilespmem:v6+s6+$0x0] =	vst.idx.add.f32.msk $0xffff, v12  }
0x237: {  	[tilespmem:v7+s6+$0x0] =	vst.idx.add.f32.msk $0xffff, v13  }
0x238: {  	s23 =	sadd.s32 $0x80, s23;
	[tilespmem:v8+s6+$0x0] =	vst.idx.add.f32.msk $0xffff, v14  }
.Ltmp13:
0x239: {  	(pc) =	sbr.rel @p0 .LBB2_25-.Ltmp13, $1  }
0x23a: {  	_ =	sdelay $0x3  }
0x23b: {  	s16 =	smul.u32 $0x64, s22;
	_ =	sdelay $0x1  }
0x23c: {  	s16 =	sadd.s32 s16, s15  }
0x23d: {  	s17 =	sshll.u32 s16, $0x5;
	s16 =	sshll.u32 s16, $0xA  }
.Ltmp14:
0x23e: {  	s17 =	sadd.s32 s2, s17;
	s16 =	sadd.s32 s11, s16;
	(pc) =	sbr.rel .LBB2_15-.Ltmp14, $4  }
0x23f: {  	[tilespmem:s4], [sflag:$0x4] =	stream.strided.gather [hbm4b:s17+s31], $0xC80, s3, s31, $0x38;
	[tilespmem:$0x1EAA0] =	vst v63  }
0x240: {  	s16 =	sshrl.u32 s16, $0x3  }
0x241: {  	s22 =	sadd.s32 $0x1, s22;
	s16 =	sadd.s32 s5, s16  }
0x242: {  	[tilespmem:s18], [sflag:$0x4] =	stream.strided.gather [hbm4b:s16+s31], $0xC80, s7, s31, $0x38;
	[tilespmem:$0x1EAA0] =	vst v63  }
.LBB2_26:
0x243: {  	_ =	sfence.sel $0x180000  }
0x244: {  	[bflag:$0x0] =	sbarrier.arrive $0xFFFF  }
0x245: {  	_ =	strace $0x90000047  }
0x246: {  	s0 =	stileid.u32;
	[bflag:$0x2] =	sbarrier.arrive $0xFFFF  }
0x247: {  	p0 =	sne.s32 s0, $0x0;
	s0 =	rddreg [dreg:$0x5]  }
0x248: {  	s0 =	sadd.s32 @!p0 $0x100000, s0  }
0x249: {  	[sflag:s0] =	ssyncadd.tile.s32 @!p0 $0x1;
	_ =	shalt  }
.Lfunc_end2:
_tile_overlayer_lowered:
.L_overlay_start_2:
0x24a: {  	(tag) =	ssettag $0x2  }
0x24b: {  	s0 =	rddreg [dreg:$0x0];
	s2 =	stileid.u32  }
0x24c: {  	s1 =	rddreg [dreg:$0x1];
	p0 =	sne.s32 s2, $0x0  }
0x24d: {  	s3 =	rddreg [dreg:$0x2];
	[bflag:$0x3] =	sbarrier.arrive $0xFFFF;
	s2 =	simm.s32 @!p0 $0x1C05  }
0x24e: {  	[timem:s3], [sflag:s2] =	dma.local @!p0 [hbm:s0], s1  }
0x24f: {  	s0 =	simm.s32 @!p0 $0x5  }
0x250: {  	_ =	swait.ge @!p0 [sflag:s0], s1  }
0x251: {  	s1 =	ssub.s32 @!p0 $0x0, s1;
	[sflag:s0] =	ssyncset.done @!p0 $0x0  }
0x252: {  	[sflag:s0] =	ssyncadd.s32 @!p0 s1  }
0x253: {  	[bflag:$0x3] =	sbarrier.arrive $0xFFFF  }
0x254: {  	_ =	shalt  }

</sc_bundles>
